<compile_context>
chip_gen: v7x
topology: tpu7x:2x2x1
jax: 0.10.2.dev20260603
libtpu: 0.0.44.dev20260713+nightly
codegen_flags: <defaults>
</compile_context>

<pallas_src>
import functools

import jax
import jax.numpy as jnp
from jax import lax
from jax.experimental import pallas as pl
from jax.experimental.pallas import tpu as pltpu
from jax.experimental.pallas import tpu_sc as plsc

N1, N2, Q, E, DC = 8, 4, 8192, 65536, 128
HALF = DC // 2
R1 = N1 * Q
R2 = N2 * E
ROWS = R1 + R2
NC, NS = 2, 16
NW = NC * NS
QB = 512

H_TOTAL = 2 * R2
H_PER_W = H_TOTAL // NW
CH = 512
CR = CH // 2
NCHUNK = H_PER_W // CH
WPG = NW // N2


def _table_body(gset2_ref, qpair_ref, g2_ref, out_ref):
    qp = qpair_ref[...]
    for gj in range(2 * N2):
        gi = gset2_ref[gj // 2]
        row = g2_ref[pl.ds(gi, 1), 0]
        j = gj % 2
        half = row[:, j * HALF:(j + 1) * HALF]
        bias = jnp.concatenate([half, half], axis=-1)
        out_ref[gj] = qp + bias


def _build_table(gset_2q, qpair, G2):
    qb = Q // 16
    return pl.pallas_call(
        _table_body,
        grid_spec=pltpu.PrefetchScalarGridSpec(
            num_scalar_prefetch=1,
            grid=(Q // 2 // qb,),
            in_specs=[
                pl.BlockSpec((qb, DC), lambda q, gset: (q, 0)),
                pl.BlockSpec((16, 1, DC), lambda q, gset: (0, 0, 0)),
            ],
            out_specs=pl.BlockSpec(
                (2 * N2, qb, DC), lambda q, gset: (0, q, 0)
            ),
        ),
        out_shape=jax.ShapeDtypeStruct((2 * N2, Q // 2, DC), jnp.float32),
    )(gset_2q, qpair, G2)


E_PER_W = R2 // NW
CE = 256
NCE = E_PER_W // CE


def _sc_body(table_hbm, lay3_hbm, out_hbm, idx_raw, idx_v, data_v, sem_g, sem_out):
    w = lax.axis_index("s") * NC + lax.axis_index("c")
    g = w // WPG
    ebase = (w % WPG) * E_PER_W
    lane = lax.iota(jnp.int32, 16)
    off = [(2 * g + tc) * Q for tc in range(2)]

    def out_dst(c):
        hb0 = (R1 + g * E + ebase + c * CE) // 64
        return out_hbm.at[pl.ds(hb0, 4)]

    def interleave(i):
        for m in range(4):
            for tc in range(2):
                for s in range(8):
                    vals = idx_raw[4 * i + m, tc, pl.ds(16 * s, 16)] + off[tc]
                    row = 2 * m + (1 if s >= 4 else 0)
                    col = 2 * lane + ((32 * s + tc) % 128)
                    plsc.store_scatter(
                        idx_v, [jnp.full((16,), row, jnp.int32), col], vals
                    )

    m0w = pl.multiple_of(ebase // 128, 64)
    pltpu.sync_copy(lay3_hbm.at[pl.ds(m0w, E_PER_W // 128)], idx_raw)
    interleave(0)

    def pair(i, _):
        c0 = 2 * i
        dsts = [out_dst(c0), out_dst(c0 + 1)]

        @pl.when(c0 >= 2)
        def _():
            pltpu.make_async_copy(data_v.at[0], dsts[0], sem_out.at[0]).wait()

        copies = [
            pltpu.async_copy(
                table_hbm.at[idx_v.at[k]], data_v.at[k // 4, k % 4], sem_g
            )
            for k in range(4)
        ]
        @pl.when(c0 >= 2)
        def _():
            pltpu.make_async_copy(data_v.at[1], dsts[1], sem_out.at[1]).wait()

        copies += [
            pltpu.async_copy(
                table_hbm.at[idx_v.at[4 + k]], data_v.at[1, k], sem_g
            )
            for k in range(4)
        ]
        for cp in copies[:4]:
            cp.wait()
        pltpu.async_copy(data_v.at[0], dsts[0], sem_out.at[0])
        for cp in copies[4:]:
            cp.wait()
        pltpu.async_copy(data_v.at[1], dsts[1], sem_out.at[1])
        @pl.when(i + 1 < NCE // 2)
        def _():
            interleave(i + 1)

        return ()

    lax.fori_loop(0, NCE // 2, pair, (), unroll=False)

    for p, c in ((0, NCE - 2), (1, NCE - 1)):
        pltpu.make_async_copy(data_v.at[p], out_dst(c), sem_out.at[p]).wait()


def _sc_gather(table, lay3):
    mesh = plsc.VectorSubcoreMesh(
        core_axis_name="c", subcore_axis_name="s", num_cores=NC, num_subcores=NS
    )
    f = functools.partial(
        pl.kernel,
        out_type=jax.ShapeDtypeStruct((ROWS * DC // (128 * HALF), 128, HALF), jnp.float32),
        mesh=mesh,
        scratch_types=[
            pltpu.VMEM((E_PER_W // 128, 2, 128), jnp.int32),
            pltpu.VMEM((8, 128), jnp.int32),
            pltpu.VMEM((2, 4, 128, HALF), jnp.float32),
            pltpu.SemaphoreType.DMA,
            pltpu.SemaphoreType.DMA((2,)),
        ],
        compiler_params=pltpu.CompilerParams(
            use_tc_tiling_on_sc=False, needs_layout_passes=False
        ),
    )(_sc_body)
    return f(table, lay3)


def _tok1_body(gset1_ref, prev_ref, qub_ref, g1_ref, out_ref):
    del gset1_ref, prev_ref
    out_ref[...] = qub_ref[...] + g1_ref[0]


def _fill_tok1(gset_1q, prev, qubits, G1):
    return pl.pallas_call(
        _tok1_body,
        grid_spec=pltpu.PrefetchScalarGridSpec(
            num_scalar_prefetch=1,
            grid=(N1,),
            in_specs=[
                pl.BlockSpec(memory_space=pl.ANY),
                pl.BlockSpec((Q, DC), lambda g, gset: (0, 0)),
                pl.BlockSpec((1, 1, DC), lambda g, gset: (gset[g], 0, 0)),
            ],
            out_specs=pl.BlockSpec((Q, DC), lambda g, gset: (g, 0)),
        ),
        out_shape=jax.ShapeDtypeStruct((ROWS, DC), jnp.float32),
        input_output_aliases={1: 0},
    )(gset_1q, prev, qubits, G1[:, None, :])


def kernel(gset_1q, gset_2q, qubits, layout, G1, G2):
    qpair = qubits[:, :HALF].reshape(Q // 2, DC)
    table = _build_table(gset_2q, qpair, G2[:, None, :]).reshape(2 * N2 * Q, HALF)
    lay3 = layout.reshape(E // 128, 128, 2).transpose(0, 2, 1)
    out = _sc_gather(table, lay3).reshape(ROWS, DC)
    return _fill_tok1(gset_1q, out, qubits, G1)

# --- scband reference (transcript-rebuilt; emitter-appended) ---
"""Pipeline reference for scband-token-c-embedding-67439576482198 (READ-ONLY COPY).

The authoritative reference and input builder live on the scoring server;
editing this copy changes nothing except your own understanding.
"""

import jax, jax.numpy as jnp
import numpy as np

N1, N2, Q, E, DC, NT1, NT2 = 8, 4, 8192, 65536, 128, 16, 16

def setup_inputs(seed: int = 0) -> dict:
    key = jax.random.key(seed)
    k1, k2, k3, k4, k5, k6 = jax.random.split(key, 6)
    return {
        "gset_1q": jax.random.randint(k1, (N1,), 0, NT1, dtype=jnp.int32),
        "gset_2q": jax.random.randint(k2, (N2,), 0, NT2, dtype=jnp.int32),
        "qubits": jax.random.normal(k3, (Q, DC), dtype=jnp.float32),
        "layout": jax.random.randint(k4, (E, 2), 0, Q, dtype=jnp.int32),
        "G1": jax.random.normal(k5, (NT1, DC), dtype=jnp.float32) * 0.02,
        "G2": jax.random.normal(k6, (NT2, DC), dtype=jnp.float32) * 0.02,
    }

def reference(gset_1q, gset_2q, qubits, layout, G1, G2):
    dC = qubits.shape[-1]
    half = dC // 2
    # 1-qubit gate tokens: gate-type embedding + qubit tensor, for every (gate, qubit)
    e1 = jnp.take(G1, gset_1q, axis=0)                      # [N1, dC]
    tok1 = (e1[:, None, :] + qubits[None, :, :]).reshape(-1, dC)  # [N1*Q, dC]
    # 2-qubit gate tokens: concat(target-half, control-half) + gate-type embedding,
    # for every (gate, layout edge)
    qt = jnp.take(qubits, layout[:, 0], axis=0)[:, :half]   # [E, dC/2]
    qc = jnp.take(qubits, layout[:, 1], axis=0)[:, :half]   # [E, dC/2]
    qpair = jnp.concatenate([qt, qc], axis=-1)              # [E, dC]
    e2 = jnp.take(G2, gset_2q, axis=0)                      # [N2, dC]
    tok2 = (e2[:, None, :] + qpair[None, :, :]).reshape(-1, dC)   # [N2*E, dC]
    # concatenate along the token axis (dim=-2 in the original)
    return jnp.concatenate([tok1, tok2], axis=0)

if __name__ == "__main__":
    import jax
    _d = setup_inputs()
    print(jax.jit(kernel)(*tuple(_d.values())))

</pallas_src>

<mosaic_0001>
#map = affine_map<(d0, d1) -> (0, 0)>
#map1 = affine_map<(d0, d1) -> (0, 0, 0)>
module attributes {stable_mosaic.version = 14 : i64} {
  func.func @_sc_body(%arg0: i32, %arg1: i32, %arg2: memref<65536x64xf32, #tpu.memory_space<hbm>>, %arg3: memref<512x2x128xi32, #tpu.memory_space<hbm>>, %arg4: memref<5120x128x64xf32, #tpu.memory_space<hbm>>, %arg5: memref<64x2x128xi32, #tpu.memory_space<vmem>>, %arg6: memref<8x128xi32, #tpu.memory_space<vmem>>, %arg7: memref<2x4x128x64xf32, #tpu.memory_space<vmem>>, %arg8: memref<!tpu.dma_semaphore, #tpu.memory_space<semaphore_mem>>, %arg9: memref<2x!tpu.dma_semaphore, #tpu.memory_space<semaphore_mem>>) attributes {dimension_semantics = [#tpu.dimension_semantics<core_parallel>, #tpu.dimension_semantics<subcore_parallel>], iteration_bounds = array<i64: 2, 16>, scalar_prefetch = 0 : i64, scratch_operands = 5 : i64, tpu.core_type = #tpu.core_type<sc_vector_subcore>, window_params = [{transform_indices = #map}, {transform_indices = #map1}, {transform_indices = #map1}]} {
    %mul3A = arith.constant 2 : i32
    %mul3A_0 = arith.muli %arg1, %mul3A : i32
    %add3A = arith.addi %mul3A_0, %arg0 : i32
    %jit3A = arith.constant 8 : i32
    %div3A = arith.divsi %add3A, %jit3A : i32
    %sign3A = arith.constant 0 : i32
    %sign3A_1 = arith.cmpi sgt, %add3A, %sign3A : i32
    %sign3A_2 = arith.extui %sign3A_1 : i1 to i32
    %sign3A_3 = arith.constant 0 : i32
    %sign3A_4 = arith.cmpi slt, %add3A, %sign3A_3 : i32
    %sign3A_5 = arith.extui %sign3A_4 : i1 to i32
    %sign3A_6 = arith.subi %sign3A_2, %sign3A_5 : i32
    %sign3A_7 = arith.constant 0 : i32
    %sign3A_8 = arith.cmpi sgt, %jit3A, %sign3A_7 : i32
    %sign3A_9 = arith.extui %sign3A_8 : i1 to i32
    %sign3A_10 = arith.constant 0 : i32
    %sign3A_11 = arith.cmpi slt, %jit3A, %sign3A_10 : i32
    %sign3A_12 = arith.extui %sign3A_11 : i1 to i32
    %sign3A_13 = arith.subi %sign3A_9, %sign3A_12 : i32
    %ne3A = arith.cmpi ne, %sign3A_6, %sign3A_13 : i32
    %rem3A = arith.remsi %add3A, %jit3A : i32
    %ne3A_14 = arith.constant 0 : i32
    %ne3A_15 = arith.cmpi ne, %rem3A, %ne3A_14 : i32
    %and3A = arith.andi %ne3A, %ne3A_15 : i1
    %sub3A = arith.constant 1 : i32
    %sub3A_16 = arith.subi %div3A, %sub3A : i32
    %select_n3A = arith.select %and3A, %sub3A_16, %div3A : i32
    %jit3A_17 = arith.constant 8 : i32
    %eq3A = arith.constant 0 : i32
    %eq3A_18 = arith.cmpi eq, %jit3A_17, %eq3A : i32
    %jit3A_19 = arith.constant 1 : i32
    %select_n3A_20 = arith.select %eq3A_18, %jit3A_19, %jit3A_17 : i32
    %rem3A_21 = arith.remsi %add3A, %select_n3A_20 : i32
    %ne3A_22 = arith.constant 0 : i32
    %ne3A_23 = arith.cmpi ne, %rem3A_21, %ne3A_22 : i32
    %lt3A = arith.constant 0 : i32
    %lt3A_24 = arith.cmpi slt, %rem3A_21, %lt3A : i32
    %lt3A_25 = arith.constant 0 : i32
    %lt3A_26 = arith.cmpi slt, %select_n3A_20, %lt3A_25 : i32
    %ne3A_27 = arith.xori %lt3A_24, %lt3A_26 : i1
    %and3A_28 = arith.andi %ne3A_27, %ne3A_23 : i1
    %add3A_29 = arith.addi %rem3A_21, %select_n3A_20 : i32
    %select_n3A_30 = arith.select %and3A_28, %add3A_29, %rem3A_21 : i32
    %mul3A_31 = arith.constant 8192 : i32
    %mul3A_32 = arith.muli %select_n3A_30, %mul3A_31 : i32
    %iota3A = tpu.iota {dimensions = array<i32: 0>} : vector<16xi32>
    %mul3A_33 = arith.constant 2 : i32
    %mul3A_34 = arith.muli %mul3A_33, %select_n3A : i32
    %add3A_35 = arith.constant 0 : i32
    %add3A_36 = arith.addi %mul3A_34, %add3A_35 : i32
    %mul3A_37 = arith.constant 8192 : i32
    %mul3A_38 = arith.muli %add3A_36, %mul3A_37 : i32
    %mul3A_39 = arith.constant 2 : i32
    %mul3A_40 = arith.muli %mul3A_39, %select_n3A : i32
    %add3A_41 = arith.constant 1 : i32
    %add3A_42 = arith.addi %mul3A_40, %add3A_41 : i32
    %mul3A_43 = arith.constant 8192 : i32
    %mul3A_44 = arith.muli %add3A_42, %mul3A_43 : i32
    %jit3A_45 = arith.constant 128 : i32
    %div3A_46 = arith.divsi %mul3A_32, %jit3A_45 : i32
    %sign3A_47 = arith.constant 0 : i32
    %sign3A_48 = arith.cmpi sgt, %mul3A_32, %sign3A_47 : i32
    %sign3A_49 = arith.extui %sign3A_48 : i1 to i32
    %sign3A_50 = arith.constant 0 : i32
    %sign3A_51 = arith.cmpi slt, %mul3A_32, %sign3A_50 : i32
    %sign3A_52 = arith.extui %sign3A_51 : i1 to i32
    %sign3A_53 = arith.subi %sign3A_49, %sign3A_52 : i32
    %sign3A_54 = arith.constant 0 : i32
    %sign3A_55 = arith.cmpi sgt, %jit3A_45, %sign3A_54 : i32
    %sign3A_56 = arith.extui %sign3A_55 : i1 to i32
    %sign3A_57 = arith.constant 0 : i32
    %sign3A_58 = arith.cmpi slt, %jit3A_45, %sign3A_57 : i32
    %sign3A_59 = arith.extui %sign3A_58 : i1 to i32
    %sign3A_60 = arith.subi %sign3A_56, %sign3A_59 : i32
    %ne3A_61 = arith.cmpi ne, %sign3A_53, %sign3A_60 : i32
    %rem3A_62 = arith.remsi %mul3A_32, %jit3A_45 : i32
    %ne3A_63 = arith.constant 0 : i32
    %ne3A_64 = arith.cmpi ne, %rem3A_62, %ne3A_63 : i32
    %and3A_65 = arith.andi %ne3A_61, %ne3A_64 : i1
    %sub3A_66 = arith.constant 1 : i32
    %sub3A_67 = arith.subi %div3A_46, %sub3A_66 : i32
    %select_n3A_68 = arith.select %and3A_65, %sub3A_67, %div3A_46 : i32
    %multiple_of3A = tpu.assume_multiple %select_n3A_68, 64 : i32
    "tpu.region"() ({
      %run_scoped3A = tpu.sem_alloc : memref<!tpu.dma_semaphore, #tpu.memory_space<semaphore_mem>>
      %dma_start3A = arith.constant 0 : i32
      %dma_start3A_1196 = arith.constant 0 : i32
      %dma_start3A_1197 = tpu.memref_slice %arg3[%multiple_of3A, %dma_start3A, %dma_start3A_1196] : memref<512x2x128xi32, #tpu.memory_space<hbm>> -> memref<64x2x128xi32, #tpu.memory_space<hbm>>
      %dma_start3A_1198 = arith.constant 0 : i32
      %dma_start3A_1199 = arith.constant 0 : i32
      %dma_start3A_1200 = tpu.memref_slice %arg3[%multiple_of3A, %dma_start3A_1198, %dma_start3A_1199] : memref<512x2x128xi32, #tpu.memory_space<hbm>> -> memref<64x2x128xi32, #tpu.memory_space<hbm>>
      tpu.enqueue_dma source(%dma_start3A_1200 : memref<64x2x128xi32, #tpu.memory_space<hbm>>) target(%arg5 : memref<64x2x128xi32, #tpu.memory_space<vmem>>) target_semaphore(%run_scoped3A : memref<!tpu.dma_semaphore, #tpu.memory_space<semaphore_mem>>)
      %dma_wait3A_1201 = arith.constant 0 : i32
      %dma_wait3A_1202 = arith.constant 0 : i32
      %dma_wait3A_1203 = tpu.memref_slice %arg3[%multiple_of3A, %dma_wait3A_1201, %dma_wait3A_1202] : memref<512x2x128xi32, #tpu.memory_space<hbm>> -> memref<64x2x128xi32, #tpu.memory_space<hbm>>
      %dma_wait3A_1204 = arith.constant 0 : i32
      %dma_wait3A_1205 = arith.constant 0 : i32
      %dma_wait3A_1206 = tpu.memref_slice %arg3[%multiple_of3A, %dma_wait3A_1204, %dma_wait3A_1205] : memref<512x2x128xi32, #tpu.memory_space<hbm>> -> memref<64x2x128xi32, #tpu.memory_space<hbm>>
      tpu.wait_dma2 semaphore(%run_scoped3A : memref<!tpu.dma_semaphore, #tpu.memory_space<semaphore_mem>>) src(%dma_wait3A_1206 : memref<64x2x128xi32, #tpu.memory_space<hbm>>) dst(%arg5 : memref<64x2x128xi32, #tpu.memory_space<vmem>>)
      tpu.yield
    }) : () -> ()
    %get3A = arith.constant 0 : i32
    %get3A_69 = arith.constant 0 : i32
    %get3A_70 = arith.index_cast %get3A : i32 to index
    %get3A_71 = arith.index_cast %get3A_69 : i32 to index
    %get3A_72 = arith.constant 0 : index
    %get3A_73 = tpu.vector_load %arg5[%get3A_70, %get3A_71, %get3A_72] {strides = array<i32>} : memref<64x2x128xi32, #tpu.memory_space<vmem>>, vector<16xi32>,
    %add3A_74 = vector.broadcast %mul3A_38 : i32 to vector<16xi32>
    %add3A_75 = arith.addi %get3A_73, %add3A_74 : vector<16xi32>
    %mul3A_76 = arith.constant 2 : i32
    %mul3A_77 = vector.broadcast %mul3A_76 : i32 to vector<16xi32>
    %mul3A_78 = arith.muli %mul3A_77, %iota3A : vector<16xi32>
    %add3A_79 = arith.constant 0 : i32
    %add3A_80 = vector.broadcast %add3A_79 : i32 to vector<16xi32>
    %add3A_81 = arith.addi %mul3A_78, %add3A_80 : vector<16xi32>
    %broadcast_in_dim3A = arith.constant 0 : i32
    %broadcast_in_dim3A_82 = vector.broadcast %broadcast_in_dim3A : i32 to vector<16xi32>
    tpu.vector_store_idx %arg6[%broadcast_in_dim3A_82, %add3A_81], %add3A_75 : memref<8x128xi32, #tpu.memory_space<vmem>>[vector<16xi32>, vector<16xi32>], vector<16xi32>,
    %get3A_83 = arith.constant 0 : i32
    %get3A_84 = arith.constant 0 : i32
    %get3A_85 = arith.index_cast %get3A_83 : i32 to index
    %get3A_86 = arith.index_cast %get3A_84 : i32 to index
    %get3A_87 = arith.constant 16 : index
    %get3A_88 = tpu.vector_load %arg5[%get3A_85, %get3A_86, %get3A_87] {strides = array<i32>} : memref<64x2x128xi32, #tpu.memory_space<vmem>>, vector<16xi32>,
    %add3A_89 = vector.broadcast %mul3A_38 : i32 to vector<16xi32>
    %add3A_90 = arith.addi %get3A_88, %add3A_89 : vector<16xi32>
    %mul3A_91 = arith.constant 2 : i32
    %mul3A_92 = vector.broadcast %mul3A_91 : i32 to vector<16xi32>
    %mul3A_93 = arith.muli %mul3A_92, %iota3A : vector<16xi32>
    %add3A_94 = arith.constant 32 : i32
    %add3A_95 = vector.broadcast %add3A_94 : i32 to vector<16xi32>
    %add3A_96 = arith.addi %mul3A_93, %add3A_95 : vector<16xi32>
    %broadcast_in_dim3A_97 = arith.constant 0 : i32
    %broadcast_in_dim3A_98 = vector.broadcast %broadcast_in_dim3A_97 : i32 to vector<16xi32>
    tpu.vector_store_idx %arg6[%broadcast_in_dim3A_98, %add3A_96], %add3A_90 : memref<8x128xi32, #tpu.memory_space<vmem>>[vector<16xi32>, vector<16xi32>], vector<16xi32>,
    %get3A_99 = arith.constant 0 : i32
    %get3A_100 = arith.constant 0 : i32
    %get3A_101 = arith.index_cast %get3A_99 : i32 to index
    %get3A_102 = arith.index_cast %get3A_100 : i32 to index
    %get3A_103 = arith.constant 32 : index
    %get3A_104 = tpu.vector_load %arg5[%get3A_101, %get3A_102, %get3A_103] {strides = array<i32>} : memref<64x2x128xi32, #tpu.memory_space<vmem>>, vector<16xi32>,
    %add3A_105 = vector.broadcast %mul3A_38 : i32 to vector<16xi32>
    %add3A_106 = arith.addi %get3A_104, %add3A_105 : vector<16xi32>
    %mul3A_107 = arith.constant 2 : i32
    %mul3A_108 = vector.broadcast %mul3A_107 : i32 to vector<16xi32>
    %mul3A_109 = arith.muli %mul3A_108, %iota3A : vector<16xi32>
    %add3A_110 = arith.constant 64 : i32
    %add3A_111 = vector.broadcast %add3A_110 : i32 to vector<16xi32>
    %add3A_112 = arith.addi %mul3A_109, %add3A_111 : vector<16xi32>
    %broadcast_in_dim3A_113 = arith.constant 0 : i32
    %broadcast_in_dim3A_114 = vector.broadcast %broadcast_in_dim3A_113 : i32 to vector<16xi32>
    tpu.vector_store_idx %arg6[%broadcast_in_dim3A_114, %add3A_112], %add3A_106 : memref<8x128xi32, #tpu.memory_space<vmem>>[vector<16xi32>, vector<16xi32>], vector<16xi32>,
    %get3A_115 = arith.constant 0 : i32
    %get3A_116 = arith.constant 0 : i32
    %get3A_117 = arith.index_cast %get3A_115 : i32 to index
    %get3A_118 = arith.index_cast %get3A_116 : i32 to index
    %get3A_119 = arith.constant 48 : index
    %get3A_120 = tpu.vector_load %arg5[%get3A_117, %get3A_118, %get3A_119] {strides = array<i32>} : memref<64x2x128xi32, #tpu.memory_space<vmem>>, vector<16xi32>,
    %add3A_121 = vector.broadcast %mul3A_38 : i32 to vector<16xi32>
    %add3A_122 = arith.addi %get3A_120, %add3A_121 : vector<16xi32>
    %mul3A_123 = arith.constant 2 : i32
    %mul3A_124 = vector.broadcast %mul3A_123 : i32 to vector<16xi32>
    %mul3A_125 = arith.muli %mul3A_124, %iota3A : vector<16xi32>
    %add3A_126 = arith.constant 96 : i32
    %add3A_127 = vector.broadcast %add3A_126 : i32 to vector<16xi32>
    %add3A_128 = arith.addi %mul3A_125, %add3A_127 : vector<16xi32>
    %broadcast_in_dim3A_129 = arith.constant 0 : i32
    %broadcast_in_dim3A_130 = vector.broadcast %broadcast_in_dim3A_129 : i32 to vector<16xi32>
    tpu.vector_store_idx %arg6[%broadcast_in_dim3A_130, %add3A_128], %add3A_122 : memref<8x128xi32, #tpu.memory_space<vmem>>[vector<16xi32>, vector<16xi32>], vector<16xi32>,
    %get3A_131 = arith.constant 0 : i32
    %get3A_132 = arith.constant 0 : i32
    %get3A_133 = arith.index_cast %get3A_131 : i32 to index
    %get3A_134 = arith.index_cast %get3A_132 : i32 to index
    %get3A_135 = arith.constant 64 : index
    %get3A_136 = tpu.vector_load %arg5[%get3A_133, %get3A_134, %get3A_135] {strides = array<i32>} : memref<64x2x128xi32, #tpu.memory_space<vmem>>, vector<16xi32>,
    %add3A_137 = vector.broadcast %mul3A_38 : i32 to vector<16xi32>
    %add3A_138 = arith.addi %get3A_136, %add3A_137 : vector<16xi32>
    %mul3A_139 = arith.constant 2 : i32
    %mul3A_140 = vector.broadcast %mul3A_139 : i32 to vector<16xi32>
    %mul3A_141 = arith.muli %mul3A_140, %iota3A : vector<16xi32>
    %add3A_142 = arith.constant 0 : i32
    %add3A_143 = vector.broadcast %add3A_142 : i32 to vector<16xi32>
    %add3A_144 = arith.addi %mul3A_141, %add3A_143 : vector<16xi32>
    %broadcast_in_dim3A_145 = arith.constant 1 : i32
    %broadcast_in_dim3A_146 = vector.broadcast %broadcast_in_dim3A_145 : i32 to vector<16xi32>
    tpu.vector_store_idx %arg6[%broadcast_in_dim3A_146, %add3A_144], %add3A_138 : memref<8x128xi32, #tpu.memory_space<vmem>>[vector<16xi32>, vector<16xi32>], vector<16xi32>,
    %get3A_147 = arith.constant 0 : i32
    %get3A_148 = arith.constant 0 : i32
    %get3A_149 = arith.index_cast %get3A_147 : i32 to index
    %get3A_150 = arith.index_cast %get3A_148 : i32 to index
    %get3A_151 = arith.constant 80 : index
    %get3A_152 = tpu.vector_load %arg5[%get3A_149, %get3A_150, %get3A_151] {strides = array<i32>} : memref<64x2x128xi32, #tpu.memory_space<vmem>>, vector<16xi32>,
    %add3A_153 = vector.broadcast %mul3A_38 : i32 to vector<16xi32>
    %add3A_154 = arith.addi %get3A_152, %add3A_153 : vector<16xi32>
    %mul3A_155 = arith.constant 2 : i32
    %mul3A_156 = vector.broadcast %mul3A_155 : i32 to vector<16xi32>
    %mul3A_157 = arith.muli %mul3A_156, %iota3A : vector<16xi32>
    %add3A_158 = arith.constant 32 : i32
    %add3A_159 = vector.broadcast %add3A_158 : i32 to vector<16xi32>
    %add3A_160 = arith.addi %mul3A_157, %add3A_159 : vector<16xi32>
    %broadcast_in_dim3A_161 = arith.constant 1 : i32
    %broadcast_in_dim3A_162 = vector.broadcast %broadcast_in_dim3A_161 : i32 to vector<16xi32>
    tpu.vector_store_idx %arg6[%broadcast_in_dim3A_162, %add3A_160], %add3A_154 : memref<8x128xi32, #tpu.memory_space<vmem>>[vector<16xi32>, vector<16xi32>], vector<16xi32>,
    %get3A_163 = arith.constant 0 : i32
    %get3A_164 = arith.constant 0 : i32
    %get3A_165 = arith.index_cast %get3A_163 : i32 to index
    %get3A_166 = arith.index_cast %get3A_164 : i32 to index
    %get3A_167 = arith.constant 96 : index
    %get3A_168 = tpu.vector_load %arg5[%get3A_165, %get3A_166, %get3A_167] {strides = array<i32>} : memref<64x2x128xi32, #tpu.memory_space<vmem>>, vector<16xi32>,
    %add3A_169 = vector.broadcast %mul3A_38 : i32 to vector<16xi32>
    %add3A_170 = arith.addi %get3A_168, %add3A_169 : vector<16xi32>
    %mul3A_171 = arith.constant 2 : i32
    %mul3A_172 = vector.broadcast %mul3A_171 : i32 to vector<16xi32>
    %mul3A_173 = arith.muli %mul3A_172, %iota3A : vector<16xi32>
    %add3A_174 = arith.constant 64 : i32
    %add3A_175 = vector.broadcast %add3A_174 : i32 to vector<16xi32>
    %add3A_176 = arith.addi %mul3A_173, %add3A_175 : vector<16xi32>
    %broadcast_in_dim3A_177 = arith.constant 1 : i32
    %broadcast_in_dim3A_178 = vector.broadcast %broadcast_in_dim3A_177 : i32 to vector<16xi32>
    tpu.vector_store_idx %arg6[%broadcast_in_dim3A_178, %add3A_176], %add3A_170 : memref<8x128xi32, #tpu.memory_space<vmem>>[vector<16xi32>, vector<16xi32>], vector<16xi32>,
    %get3A_179 = arith.constant 0 : i32
    %get3A_180 = arith.constant 0 : i32
    %get3A_181 = arith.index_cast %get3A_179 : i32 to index
    %get3A_182 = arith.index_cast %get3A_180 : i32 to index
    %get3A_183 = arith.constant 112 : index
    %get3A_184 = tpu.vector_load %arg5[%get3A_181, %get3A_182, %get3A_183] {strides = array<i32>} : memref<64x2x128xi32, #tpu.memory_space<vmem>>, vector<16xi32>,
    %add3A_185 = vector.broadcast %mul3A_38 : i32 to vector<16xi32>
    %add3A_186 = arith.addi %get3A_184, %add3A_185 : vector<16xi32>
    %mul3A_187 = arith.constant 2 : i32
    %mul3A_188 = vector.broadcast %mul3A_187 : i32 to vector<16xi32>
    %mul3A_189 = arith.muli %mul3A_188, %iota3A : vector<16xi32>
    %add3A_190 = arith.constant 96 : i32
    %add3A_191 = vector.broadcast %add3A_190 : i32 to vector<16xi32>
    %add3A_192 = arith.addi %mul3A_189, %add3A_191 : vector<16xi32>
    %broadcast_in_dim3A_193 = arith.constant 1 : i32
    %broadcast_in_dim3A_194 = vector.broadcast %broadcast_in_dim3A_193 : i32 to vector<16xi32>
    tpu.vector_store_idx %arg6[%broadcast_in_dim3A_194, %add3A_192], %add3A_186 : memref<8x128xi32, #tpu.memory_space<vmem>>[vector<16xi32>, vector<16xi32>], vector<16xi32>,
    %get3A_195 = arith.constant 0 : i32
    %get3A_196 = arith.constant 1 : i32
    %get3A_197 = arith.index_cast %get3A_195 : i32 to index
    %get3A_198 = arith.index_cast %get3A_196 : i32 to index
    %get3A_199 = arith.constant 0 : index
    %get3A_200 = tpu.vector_load %arg5[%get3A_197, %get3A_198, %get3A_199] {strides = array<i32>} : memref<64x2x128xi32, #tpu.memory_space<vmem>>, vector<16xi32>,
    %add3A_201 = vector.broadcast %mul3A_44 : i32 to vector<16xi32>
    %add3A_202 = arith.addi %get3A_200, %add3A_201 : vector<16xi32>
    %mul3A_203 = arith.constant 2 : i32
    %mul3A_204 = vector.broadcast %mul3A_203 : i32 to vector<16xi32>
    %mul3A_205 = arith.muli %mul3A_204, %iota3A : vector<16xi32>
    %add3A_206 = arith.constant 1 : i32
    %add3A_207 = vector.broadcast %add3A_206 : i32 to vector<16xi32>
    %add3A_208 = arith.addi %mul3A_205, %add3A_207 : vector<16xi32>
    %broadcast_in_dim3A_209 = arith.constant 0 : i32
    %broadcast_in_dim3A_210 = vector.broadcast %broadcast_in_dim3A_209 : i32 to vector<16xi32>
    tpu.vector_store_idx %arg6[%broadcast_in_dim3A_210, %add3A_208], %add3A_202 : memref<8x128xi32, #tpu.memory_space<vmem>>[vector<16xi32>, vector<16xi32>], vector<16xi32>,
    %get3A_211 = arith.constant 0 : i32
    %get3A_212 = arith.constant 1 : i32
    %get3A_213 = arith.index_cast %get3A_211 : i32 to index
    %get3A_214 = arith.index_cast %get3A_212 : i32 to index
    %get3A_215 = arith.constant 16 : index
    %get3A_216 = tpu.vector_load %arg5[%get3A_213, %get3A_214, %get3A_215] {strides = array<i32>} : memref<64x2x128xi32, #tpu.memory_space<vmem>>, vector<16xi32>,
    %add3A_217 = vector.broadcast %mul3A_44 : i32 to vector<16xi32>
    %add3A_218 = arith.addi %get3A_216, %add3A_217 : vector<16xi32>
    %mul3A_219 = arith.constant 2 : i32
    %mul3A_220 = vector.broadcast %mul3A_219 : i32 to vector<16xi32>
    %mul3A_221 = arith.muli %mul3A_220, %iota3A : vector<16xi32>
    %add3A_222 = arith.constant 33 : i32
    %add3A_223 = vector.broadcast %add3A_222 : i32 to vector<16xi32>
    %add3A_224 = arith.addi %mul3A_221, %add3A_223 : vector<16xi32>
    %broadcast_in_dim3A_225 = arith.constant 0 : i32
    %broadcast_in_dim3A_226 = vector.broadcast %broadcast_in_dim3A_225 : i32 to vector<16xi32>
    tpu.vector_store_idx %arg6[%broadcast_in_dim3A_226, %add3A_224], %add3A_218 : memref<8x128xi32, #tpu.memory_space<vmem>>[vector<16xi32>, vector<16xi32>], vector<16xi32>,
    %get3A_227 = arith.constant 0 : i32
    %get3A_228 = arith.constant 1 : i32
    %get3A_229 = arith.index_cast %get3A_227 : i32 to index
    %get3A_230 = arith.index_cast %get3A_228 : i32 to index
    %get3A_231 = arith.constant 32 : index
    %get3A_232 = tpu.vector_load %arg5[%get3A_229, %get3A_230, %get3A_231] {strides = array<i32>} : memref<64x2x128xi32, #tpu.memory_space<vmem>>, vector<16xi32>,
    %add3A_233 = vector.broadcast %mul3A_44 : i32 to vector<16xi32>
    %add3A_234 = arith.addi %get3A_232, %add3A_233 : vector<16xi32>
    %mul3A_235 = arith.constant 2 : i32
    %mul3A_236 = vector.broadcast %mul3A_235 : i32 to vector<16xi32>
    %mul3A_237 = arith.muli %mul3A_236, %iota3A : vector<16xi32>
    %add3A_238 = arith.constant 65 : i32
    %add3A_239 = vector.broadcast %add3A_238 : i32 to vector<16xi32>
    %add3A_240 = arith.addi %mul3A_237, %add3A_239 : vector<16xi32>
    %broadcast_in_dim3A_241 = arith.constant 0 : i32
    %broadcast_in_dim3A_242 = vector.broadcast %broadcast_in_dim3A_241 : i32 to vector<16xi32>
    tpu.vector_store_idx %arg6[%broadcast_in_dim3A_242, %add3A_240], %add3A_234 : memref<8x128xi32, #tpu.memory_space<vmem>>[vector<16xi32>, vector<16xi32>], vector<16xi32>,
    %get3A_243 = arith.constant 0 : i32
    %get3A_244 = arith.constant 1 : i32
    %get3A_245 = arith.index_cast %get3A_243 : i32 to index
    %get3A_246 = arith.index_cast %get3A_244 : i32 to index
    %get3A_247 = arith.constant 48 : index
    %get3A_248 = tpu.vector_load %arg5[%get3A_245, %get3A_246, %get3A_247] {strides = array<i32>} : memref<64x2x128xi32, #tpu.memory_space<vmem>>, vector<16xi32>,
    %add3A_249 = vector.broadcast %mul3A_44 : i32 to vector<16xi32>
    %add3A_250 = arith.addi %get3A_248, %add3A_249 : vector<16xi32>
    %mul3A_251 = arith.constant 2 : i32
    %mul3A_252 = vector.broadcast %mul3A_251 : i32 to vector<16xi32>
    %mul3A_253 = arith.muli %mul3A_252, %iota3A : vector<16xi32>
    %add3A_254 = arith.constant 97 : i32
    %add3A_255 = vector.broadcast %add3A_254 : i32 to vector<16xi32>
    %add3A_256 = arith.addi %mul3A_253, %add3A_255 : vector<16xi32>
    %broadcast_in_dim3A_257 = arith.constant 0 : i32
    %broadcast_in_dim3A_258 = vector.broadcast %broadcast_in_dim3A_257 : i32 to vector<16xi32>
    tpu.vector_store_idx %arg6[%broadcast_in_dim3A_258, %add3A_256], %add3A_250 : memref<8x128xi32, #tpu.memory_space<vmem>>[vector<16xi32>, vector<16xi32>], vector<16xi32>,
    %get3A_259 = arith.constant 0 : i32
    %get3A_260 = arith.constant 1 : i32
    %get3A_261 = arith.index_cast %get3A_259 : i32 to index
    %get3A_262 = arith.index_cast %get3A_260 : i32 to index
    %get3A_263 = arith.constant 64 : index
    %get3A_264 = tpu.vector_load %arg5[%get3A_261, %get3A_262, %get3A_263] {strides = array<i32>} : memref<64x2x128xi32, #tpu.memory_space<vmem>>, vector<16xi32>,
    %add3A_265 = vector.broadcast %mul3A_44 : i32 to vector<16xi32>
    %add3A_266 = arith.addi %get3A_264, %add3A_265 : vector<16xi32>
    %mul3A_267 = arith.constant 2 : i32
    %mul3A_268 = vector.broadcast %mul3A_267 : i32 to vector<16xi32>
    %mul3A_269 = arith.muli %mul3A_268, %iota3A : vector<16xi32>
    %add3A_270 = arith.constant 1 : i32
    %add3A_271 = vector.broadcast %add3A_270 : i32 to vector<16xi32>
    %add3A_272 = arith.addi %mul3A_269, %add3A_271 : vector<16xi32>
    %broadcast_in_dim3A_273 = arith.constant 1 : i32
    %broadcast_in_dim3A_274 = vector.broadcast %broadcast_in_dim3A_273 : i32 to vector<16xi32>
    tpu.vector_store_idx %arg6[%broadcast_in_dim3A_274, %add3A_272], %add3A_266 : memref<8x128xi32, #tpu.memory_space<vmem>>[vector<16xi32>, vector<16xi32>], vector<16xi32>,
    %get3A_275 = arith.constant 0 : i32
    %get3A_276 = arith.constant 1 : i32
    %get3A_277 = arith.index_cast %get3A_275 : i32 to index
    %get3A_278 = arith.index_cast %get3A_276 : i32 to index
    %get3A_279 = arith.constant 80 : index
    %get3A_280 = tpu.vector_load %arg5[%get3A_277, %get3A_278, %get3A_279] {strides = array<i32>} : memref<64x2x128xi32, #tpu.memory_space<vmem>>, vector<16xi32>,
    %add3A_281 = vector.broadcast %mul3A_44 : i32 to vector<16xi32>
    %add3A_282 = arith.addi %get3A_280, %add3A_281 : vector<16xi32>
    %mul3A_283 = arith.constant 2 : i32
    %mul3A_284 = vector.broadcast %mul3A_283 : i32 to vector<16xi32>
    %mul3A_285 = arith.muli %mul3A_284, %iota3A : vector<16xi32>
    %add3A_286 = arith.constant 33 : i32
    %add3A_287 = vector.broadcast %add3A_286 : i32 to vector<16xi32>
    %add3A_288 = arith.addi %mul3A_285, %add3A_287 : vector<16xi32>
    %broadcast_in_dim3A_289 = arith.constant 1 : i32
    %broadcast_in_dim3A_290 = vector.broadcast %broadcast_in_dim3A_289 : i32 to vector<16xi32>
    tpu.vector_store_idx %arg6[%broadcast_in_dim3A_290, %add3A_288], %add3A_282 : memref<8x128xi32, #tpu.memory_space<vmem>>[vector<16xi32>, vector<16xi32>], vector<16xi32>,
    %get3A_291 = arith.constant 0 : i32
    %get3A_292 = arith.constant 1 : i32
    %get3A_293 = arith.index_cast %get3A_291 : i32 to index
    %get3A_294 = arith.index_cast %get3A_292 : i32 to index
    %get3A_295 = arith.constant 96 : index
    %get3A_296 = tpu.vector_load %arg5[%get3A_293, %get3A_294, %get3A_295] {strides = array<i32>} : memref<64x2x128xi32, #tpu.memory_space<vmem>>, vector<16xi32>,
    %add3A_297 = vector.broadcast %mul3A_44 : i32 to vector<16xi32>
    %add3A_298 = arith.addi %get3A_296, %add3A_297 : vector<16xi32>
    %mul3A_299 = arith.constant 2 : i32
    %mul3A_300 = vector.broadcast %mul3A_299 : i32 to vector<16xi32>
    %mul3A_301 = arith.muli %mul3A_300, %iota3A : vector<16xi32>
    %add3A_302 = arith.constant 65 : i32
    %add3A_303 = vector.broadcast %add3A_302 : i32 to vector<16xi32>
    %add3A_304 = arith.addi %mul3A_301, %add3A_303 : vector<16xi32>
    %broadcast_in_dim3A_305 = arith.constant 1 : i32
    %broadcast_in_dim3A_306 = vector.broadcast %broadcast_in_dim3A_305 : i32 to vector<16xi32>
    tpu.vector_store_idx %arg6[%broadcast_in_dim3A_306, %add3A_304], %add3A_298 : memref<8x128xi32, #tpu.memory_space<vmem>>[vector<16xi32>, vector<16xi32>], vector<16xi32>,
    %get3A_307 = arith.constant 0 : i32
    %get3A_308 = arith.constant 1 : i32
    %get3A_309 = arith.index_cast %get3A_307 : i32 to index
    %get3A_310 = arith.index_cast %get3A_308 : i32 to index
    %get3A_311 = arith.constant 112 : index
    %get3A_312 = tpu.vector_load %arg5[%get3A_309, %get3A_310, %get3A_311] {strides = array<i32>} : memref<64x2x128xi32, #tpu.memory_space<vmem>>, vector<16xi32>,
    %add3A_313 = vector.broadcast %mul3A_44 : i32 to vector<16xi32>
    %add3A_314 = arith.addi %get3A_312, %add3A_313 : vector<16xi32>
    %mul3A_315 = arith.constant 2 : i32
    %mul3A_316 = vector.broadcast %mul3A_315 : i32 to vector<16xi32>
    %mul3A_317 = arith.muli %mul3A_316, %iota3A : vector<16xi32>
    %add3A_318 = arith.constant 97 : i32
    %add3A_319 = vector.broadcast %add3A_318 : i32 to vector<16xi32>
    %add3A_320 = arith.addi %mul3A_317, %add3A_319 : vector<16xi32>
    %broadcast_in_dim3A_321 = arith.constant 1 : i32
    %broadcast_in_dim3A_322 = vector.broadcast %broadcast_in_dim3A_321 : i32 to vector<16xi32>
    tpu.vector_store_idx %arg6[%broadcast_in_dim3A_322, %add3A_320], %add3A_314 : memref<8x128xi32, #tpu.memory_space<vmem>>[vector<16xi32>, vector<16xi32>], vector<16xi32>,
    %get3A_323 = arith.constant 1 : i32
    %get3A_324 = arith.constant 0 : i32
    %get3A_325 = arith.index_cast %get3A_323 : i32 to index
    %get3A_326 = arith.index_cast %get3A_324 : i32 to index
    %get3A_327 = arith.constant 0 : index
    %get3A_328 = tpu.vector_load %arg5[%get3A_325, %get3A_326, %get3A_327] {strides = array<i32>} : memref<64x2x128xi32, #tpu.memory_space<vmem>>, vector<16xi32>,
    %add3A_329 = vector.broadcast %mul3A_38 : i32 to vector<16xi32>
    %add3A_330 = arith.addi %get3A_328, %add3A_329 : vector<16xi32>
    %mul3A_331 = arith.constant 2 : i32
    %mul3A_332 = vector.broadcast %mul3A_331 : i32 to vector<16xi32>
    %mul3A_333 = arith.muli %mul3A_332, %iota3A : vector<16xi32>
    %add3A_334 = arith.constant 0 : i32
    %add3A_335 = vector.broadcast %add3A_334 : i32 to vector<16xi32>
    %add3A_336 = arith.addi %mul3A_333, %add3A_335 : vector<16xi32>
    %broadcast_in_dim3A_337 = arith.constant 2 : i32
    %broadcast_in_dim3A_338 = vector.broadcast %broadcast_in_dim3A_337 : i32 to vector<16xi32>
    tpu.vector_store_idx %arg6[%broadcast_in_dim3A_338, %add3A_336], %add3A_330 : memref<8x128xi32, #tpu.memory_space<vmem>>[vector<16xi32>, vector<16xi32>], vector<16xi32>,
    %get3A_339 = arith.constant 1 : i32
    %get3A_340 = arith.constant 0 : i32
    %get3A_341 = arith.index_cast %get3A_339 : i32 to index
    %get3A_342 = arith.index_cast %get3A_340 : i32 to index
    %get3A_343 = arith.constant 16 : index
    %get3A_344 = tpu.vector_load %arg5[%get3A_341, %get3A_342, %get3A_343] {strides = array<i32>} : memref<64x2x128xi32, #tpu.memory_space<vmem>>, vector<16xi32>,
    %add3A_345 = vector.broadcast %mul3A_38 : i32 to vector<16xi32>
    %add3A_346 = arith.addi %get3A_344, %add3A_345 : vector<16xi32>
    %mul3A_347 = arith.constant 2 : i32
    %mul3A_348 = vector.broadcast %mul3A_347 : i32 to vector<16xi32>
    %mul3A_349 = arith.muli %mul3A_348, %iota3A : vector<16xi32>
    %add3A_350 = arith.constant 32 : i32
    %add3A_351 = vector.broadcast %add3A_350 : i32 to vector<16xi32>
    %add3A_352 = arith.addi %mul3A_349, %add3A_351 : vector<16xi32>
    %broadcast_in_dim3A_353 = arith.constant 2 : i32
    %broadcast_in_dim3A_354 = vector.broadcast %broadcast_in_dim3A_353 : i32 to vector<16xi32>
    tpu.vector_store_idx %arg6[%broadcast_in_dim3A_354, %add3A_352], %add3A_346 : memref<8x128xi32, #tpu.memory_space<vmem>>[vector<16xi32>, vector<16xi32>], vector<16xi32>,
    %get3A_355 = arith.constant 1 : i32
    %get3A_356 = arith.constant 0 : i32
    %get3A_357 = arith.index_cast %get3A_355 : i32 to index
    %get3A_358 = arith.index_cast %get3A_356 : i32 to index
    %get3A_359 = arith.constant 32 : index
    %get3A_360 = tpu.vector_load %arg5[%get3A_357, %get3A_358, %get3A_359] {strides = array<i32>} : memref<64x2x128xi32, #tpu.memory_space<vmem>>, vector<16xi32>,
    %add3A_361 = vector.broadcast %mul3A_38 : i32 to vector<16xi32>
    %add3A_362 = arith.addi %get3A_360, %add3A_361 : vector<16xi32>
    %mul3A_363 = arith.constant 2 : i32
    %mul3A_364 = vector.broadcast %mul3A_363 : i32 to vector<16xi32>
    %mul3A_365 = arith.muli %mul3A_364, %iota3A : vector<16xi32>
    %add3A_366 = arith.constant 64 : i32
    %add3A_367 = vector.broadcast %add3A_366 : i32 to vector<16xi32>
    %add3A_368 = arith.addi %mul3A_365, %add3A_367 : vector<16xi32>
    %broadcast_in_dim3A_369 = arith.constant 2 : i32
    %broadcast_in_dim3A_370 = vector.broadcast %broadcast_in_dim3A_369 : i32 to vector<16xi32>
    tpu.vector_store_idx %arg6[%broadcast_in_dim3A_370, %add3A_368], %add3A_362 : memref<8x128xi32, #tpu.memory_space<vmem>>[vector<16xi32>, vector<16xi32>], vector<16xi32>,
    %get3A_371 = arith.constant 1 : i32
    %get3A_372 = arith.constant 0 : i32
    %get3A_373 = arith.index_cast %get3A_371 : i32 to index
    %get3A_374 = arith.index_cast %get3A_372 : i32 to index
    %get3A_375 = arith.constant 48 : index
    %get3A_376 = tpu.vector_load %arg5[%get3A_373, %get3A_374, %get3A_375] {strides = array<i32>} : memref<64x2x128xi32, #tpu.memory_space<vmem>>, vector<16xi32>,
    %add3A_377 = vector.broadcast %mul3A_38 : i32 to vector<16xi32>
    %add3A_378 = arith.addi %get3A_376, %add3A_377 : vector<16xi32>
    %mul3A_379 = arith.constant 2 : i32
    %mul3A_380 = vector.broadcast %mul3A_379 : i32 to vector<16xi32>
    %mul3A_381 = arith.muli %mul3A_380, %iota3A : vector<16xi32>
    %add3A_382 = arith.constant 96 : i32
    %add3A_383 = vector.broadcast %add3A_382 : i32 to vector<16xi32>
    %add3A_384 = arith.addi %mul3A_381, %add3A_383 : vector<16xi32>
    %broadcast_in_dim3A_385 = arith.constant 2 : i32
    %broadcast_in_dim3A_386 = vector.broadcast %broadcast_in_dim3A_385 : i32 to vector<16xi32>
    tpu.vector_store_idx %arg6[%broadcast_in_dim3A_386, %add3A_384], %add3A_378 : memref<8x128xi32, #tpu.memory_space<vmem>>[vector<16xi32>, vector<16xi32>], vector<16xi32>,
    %get3A_387 = arith.constant 1 : i32
    %get3A_388 = arith.constant 0 : i32
    %get3A_389 = arith.index_cast %get3A_387 : i32 to index
    %get3A_390 = arith.index_cast %get3A_388 : i32 to index
    %get3A_391 = arith.constant 64 : index
    %get3A_392 = tpu.vector_load %arg5[%get3A_389, %get3A_390, %get3A_391] {strides = array<i32>} : memref<64x2x128xi32, #tpu.memory_space<vmem>>, vector<16xi32>,
    %add3A_393 = vector.broadcast %mul3A_38 : i32 to vector<16xi32>
    %add3A_394 = arith.addi %get3A_392, %add3A_393 : vector<16xi32>
    %mul3A_395 = arith.constant 2 : i32
    %mul3A_396 = vector.broadcast %mul3A_395 : i32 to vector<16xi32>
    %mul3A_397 = arith.muli %mul3A_396, %iota3A : vector<16xi32>
    %add3A_398 = arith.constant 0 : i32
    %add3A_399 = vector.broadcast %add3A_398 : i32 to vector<16xi32>
    %add3A_400 = arith.addi %mul3A_397, %add3A_399 : vector<16xi32>
    %broadcast_in_dim3A_401 = arith.constant 3 : i32
    %broadcast_in_dim3A_402 = vector.broadcast %broadcast_in_dim3A_401 : i32 to vector<16xi32>
    tpu.vector_store_idx %arg6[%broadcast_in_dim3A_402, %add3A_400], %add3A_394 : memref<8x128xi32, #tpu.memory_space<vmem>>[vector<16xi32>, vector<16xi32>], vector<16xi32>,
    %get3A_403 = arith.constant 1 : i32
    %get3A_404 = arith.constant 0 : i32
    %get3A_405 = arith.index_cast %get3A_403 : i32 to index
    %get3A_406 = arith.index_cast %get3A_404 : i32 to index
    %get3A_407 = arith.constant 80 : index
    %get3A_408 = tpu.vector_load %arg5[%get3A_405, %get3A_406, %get3A_407] {strides = array<i32>} : memref<64x2x128xi32, #tpu.memory_space<vmem>>, vector<16xi32>,
    %add3A_409 = vector.broadcast %mul3A_38 : i32 to vector<16xi32>
    %add3A_410 = arith.addi %get3A_408, %add3A_409 : vector<16xi32>
    %mul3A_411 = arith.constant 2 : i32
    %mul3A_412 = vector.broadcast %mul3A_411 : i32 to vector<16xi32>
    %mul3A_413 = arith.muli %mul3A_412, %iota3A : vector<16xi32>
    %add3A_414 = arith.constant 32 : i32
    %add3A_415 = vector.broadcast %add3A_414 : i32 to vector<16xi32>
    %add3A_416 = arith.addi %mul3A_413, %add3A_415 : vector<16xi32>
    %broadcast_in_dim3A_417 = arith.constant 3 : i32
    %broadcast_in_dim3A_418 = vector.broadcast %broadcast_in_dim3A_417 : i32 to vector<16xi32>
    tpu.vector_store_idx %arg6[%broadcast_in_dim3A_418, %add3A_416], %add3A_410 : memref<8x128xi32, #tpu.memory_space<vmem>>[vector<16xi32>, vector<16xi32>], vector<16xi32>,
    %get3A_419 = arith.constant 1 : i32
    %get3A_420 = arith.constant 0 : i32
    %get3A_421 = arith.index_cast %get3A_419 : i32 to index
    %get3A_422 = arith.index_cast %get3A_420 : i32 to index
    %get3A_423 = arith.constant 96 : index
    %get3A_424 = tpu.vector_load %arg5[%get3A_421, %get3A_422, %get3A_423] {strides = array<i32>} : memref<64x2x128xi32, #tpu.memory_space<vmem>>, vector<16xi32>,
    %add3A_425 = vector.broadcast %mul3A_38 : i32 to vector<16xi32>
    %add3A_426 = arith.addi %get3A_424, %add3A_425 : vector<16xi32>
    %mul3A_427 = arith.constant 2 : i32
    %mul3A_428 = vector.broadcast %mul3A_427 : i32 to vector<16xi32>
    %mul3A_429 = arith.muli %mul3A_428, %iota3A : vector<16xi32>
    %add3A_430 = arith.constant 64 : i32
    %add3A_431 = vector.broadcast %add3A_430 : i32 to vector<16xi32>
    %add3A_432 = arith.addi %mul3A_429, %add3A_431 : vector<16xi32>
    %broadcast_in_dim3A_433 = arith.constant 3 : i32
    %broadcast_in_dim3A_434 = vector.broadcast %broadcast_in_dim3A_433 : i32 to vector<16xi32>
    tpu.vector_store_idx %arg6[%broadcast_in_dim3A_434, %add3A_432], %add3A_426 : memref<8x128xi32, #tpu.memory_space<vmem>>[vector<16xi32>, vector<16xi32>], vector<16xi32>,
    %get3A_435 = arith.constant 1 : i32
    %get3A_436 = arith.constant 0 : i32
    %get3A_437 = arith.index_cast %get3A_435 : i32 to index
    %get3A_438 = arith.index_cast %get3A_436 : i32 to index
    %get3A_439 = arith.constant 112 : index
    %get3A_440 = tpu.vector_load %arg5[%get3A_437, %get3A_438, %get3A_439] {strides = array<i32>} : memref<64x2x128xi32, #tpu.memory_space<vmem>>, vector<16xi32>,
    %add3A_441 = vector.broadcast %mul3A_38 : i32 to vector<16xi32>
    %add3A_442 = arith.addi %get3A_440, %add3A_441 : vector<16xi32>
    %mul3A_443 = arith.constant 2 : i32
    %mul3A_444 = vector.broadcast %mul3A_443 : i32 to vector<16xi32>
    %mul3A_445 = arith.muli %mul3A_444, %iota3A : vector<16xi32>
    %add3A_446 = arith.constant 96 : i32
    %add3A_447 = vector.broadcast %add3A_446 : i32 to vector<16xi32>
    %add3A_448 = arith.addi %mul3A_445, %add3A_447 : vector<16xi32>
    %broadcast_in_dim3A_449 = arith.constant 3 : i32
    %broadcast_in_dim3A_450 = vector.broadcast %broadcast_in_dim3A_449 : i32 to vector<16xi32>
    tpu.vector_store_idx %arg6[%broadcast_in_dim3A_450, %add3A_448], %add3A_442 : memref<8x128xi32, #tpu.memory_space<vmem>>[vector<16xi32>, vector<16xi32>], vector<16xi32>,
    %get3A_451 = arith.constant 1 : i32
    %get3A_452 = arith.constant 1 : i32
    %get3A_453 = arith.index_cast %get3A_451 : i32 to index
    %get3A_454 = arith.index_cast %get3A_452 : i32 to index
    %get3A_455 = arith.constant 0 : index
    %get3A_456 = tpu.vector_load %arg5[%get3A_453, %get3A_454, %get3A_455] {strides = array<i32>} : memref<64x2x128xi32, #tpu.memory_space<vmem>>, vector<16xi32>,
    %add3A_457 = vector.broadcast %mul3A_44 : i32 to vector<16xi32>
    %add3A_458 = arith.addi %get3A_456, %add3A_457 : vector<16xi32>
    %mul3A_459 = arith.constant 2 : i32
    %mul3A_460 = vector.broadcast %mul3A_459 : i32 to vector<16xi32>
    %mul3A_461 = arith.muli %mul3A_460, %iota3A : vector<16xi32>
    %add3A_462 = arith.constant 1 : i32
    %add3A_463 = vector.broadcast %add3A_462 : i32 to vector<16xi32>
    %add3A_464 = arith.addi %mul3A_461, %add3A_463 : vector<16xi32>
    %broadcast_in_dim3A_465 = arith.constant 2 : i32
    %broadcast_in_dim3A_466 = vector.broadcast %broadcast_in_dim3A_465 : i32 to vector<16xi32>
    tpu.vector_store_idx %arg6[%broadcast_in_dim3A_466, %add3A_464], %add3A_458 : memref<8x128xi32, #tpu.memory_space<vmem>>[vector<16xi32>, vector<16xi32>], vector<16xi32>,
    %get3A_467 = arith.constant 1 : i32
    %get3A_468 = arith.constant 1 : i32
    %get3A_469 = arith.index_cast %get3A_467 : i32 to index
    %get3A_470 = arith.index_cast %get3A_468 : i32 to index
    %get3A_471 = arith.constant 16 : index
    %get3A_472 = tpu.vector_load %arg5[%get3A_469, %get3A_470, %get3A_471] {strides = array<i32>} : memref<64x2x128xi32, #tpu.memory_space<vmem>>, vector<16xi32>,
    %add3A_473 = vector.broadcast %mul3A_44 : i32 to vector<16xi32>
    %add3A_474 = arith.addi %get3A_472, %add3A_473 : vector<16xi32>
    %mul3A_475 = arith.constant 2 : i32
    %mul3A_476 = vector.broadcast %mul3A_475 : i32 to vector<16xi32>
    %mul3A_477 = arith.muli %mul3A_476, %iota3A : vector<16xi32>
    %add3A_478 = arith.constant 33 : i32
    %add3A_479 = vector.broadcast %add3A_478 : i32 to vector<16xi32>
    %add3A_480 = arith.addi %mul3A_477, %add3A_479 : vector<16xi32>
    %broadcast_in_dim3A_481 = arith.constant 2 : i32
    %broadcast_in_dim3A_482 = vector.broadcast %broadcast_in_dim3A_481 : i32 to vector<16xi32>
    tpu.vector_store_idx %arg6[%broadcast_in_dim3A_482, %add3A_480], %add3A_474 : memref<8x128xi32, #tpu.memory_space<vmem>>[vector<16xi32>, vector<16xi32>], vector<16xi32>,
    %get3A_483 = arith.constant 1 : i32
    %get3A_484 = arith.constant 1 : i32
    %get3A_485 = arith.index_cast %get3A_483 : i32 to index
    %get3A_486 = arith.index_cast %get3A_484 : i32 to index
    %get3A_487 = arith.constant 32 : index
    %get3A_488 = tpu.vector_load %arg5[%get3A_485, %get3A_486, %get3A_487] {strides = array<i32>} : memref<64x2x128xi32, #tpu.memory_space<vmem>>, vector<16xi32>,
    %add3A_489 = vector.broadcast %mul3A_44 : i32 to vector<16xi32>
    %add3A_490 = arith.addi %get3A_488, %add3A_489 : vector<16xi32>
    %mul3A_491 = arith.constant 2 : i32
    %mul3A_492 = vector.broadcast %mul3A_491 : i32 to vector<16xi32>
    %mul3A_493 = arith.muli %mul3A_492, %iota3A : vector<16xi32>
    %add3A_494 = arith.constant 65 : i32
    %add3A_495 = vector.broadcast %add3A_494 : i32 to vector<16xi32>
    %add3A_496 = arith.addi %mul3A_493, %add3A_495 : vector<16xi32>
    %broadcast_in_dim3A_497 = arith.constant 2 : i32
    %broadcast_in_dim3A_498 = vector.broadcast %broadcast_in_dim3A_497 : i32 to vector<16xi32>
    tpu.vector_store_idx %arg6[%broadcast_in_dim3A_498, %add3A_496], %add3A_490 : memref<8x128xi32, #tpu.memory_space<vmem>>[vector<16xi32>, vector<16xi32>], vector<16xi32>,
    %get3A_499 = arith.constant 1 : i32
    %get3A_500 = arith.constant 1 : i32
    %get3A_501 = arith.index_cast %get3A_499 : i32 to index
    %get3A_502 = arith.index_cast %get3A_500 : i32 to index
    %get3A_503 = arith.constant 48 : index
    %get3A_504 = tpu.vector_load %arg5[%get3A_501, %get3A_502, %get3A_503] {strides = array<i32>} : memref<64x2x128xi32, #tpu.memory_space<vmem>>, vector<16xi32>,
    %add3A_505 = vector.broadcast %mul3A_44 : i32 to vector<16xi32>
    %add3A_506 = arith.addi %get3A_504, %add3A_505 : vector<16xi32>
    %mul3A_507 = arith.constant 2 : i32
    %mul3A_508 = vector.broadcast %mul3A_507 : i32 to vector<16xi32>
    %mul3A_509 = arith.muli %mul3A_508, %iota3A : vector<16xi32>
    %add3A_510 = arith.constant 97 : i32
    %add3A_511 = vector.broadcast %add3A_510 : i32 to vector<16xi32>
    %add3A_512 = arith.addi %mul3A_509, %add3A_511 : vector<16xi32>
    %broadcast_in_dim3A_513 = arith.constant 2 : i32
    %broadcast_in_dim3A_514 = vector.broadcast %broadcast_in_dim3A_513 : i32 to vector<16xi32>
    tpu.vector_store_idx %arg6[%broadcast_in_dim3A_514, %add3A_512], %add3A_506 : memref<8x128xi32, #tpu.memory_space<vmem>>[vector<16xi32>, vector<16xi32>], vector<16xi32>,
    %get3A_515 = arith.constant 1 : i32
    %get3A_516 = arith.constant 1 : i32
    %get3A_517 = arith.index_cast %get3A_515 : i32 to index
    %get3A_518 = arith.index_cast %get3A_516 : i32 to index
    %get3A_519 = arith.constant 64 : index
    %get3A_520 = tpu.vector_load %arg5[%get3A_517, %get3A_518, %get3A_519] {strides = array<i32>} : memref<64x2x128xi32, #tpu.memory_space<vmem>>, vector<16xi32>,
    %add3A_521 = vector.broadcast %mul3A_44 : i32 to vector<16xi32>
    %add3A_522 = arith.addi %get3A_520, %add3A_521 : vector<16xi32>
    %mul3A_523 = arith.constant 2 : i32
    %mul3A_524 = vector.broadcast %mul3A_523 : i32 to vector<16xi32>
    %mul3A_525 = arith.muli %mul3A_524, %iota3A : vector<16xi32>
    %add3A_526 = arith.constant 1 : i32
    %add3A_527 = vector.broadcast %add3A_526 : i32 to vector<16xi32>
    %add3A_528 = arith.addi %mul3A_525, %add3A_527 : vector<16xi32>
    %broadcast_in_dim3A_529 = arith.constant 3 : i32
    %broadcast_in_dim3A_530 = vector.broadcast %broadcast_in_dim3A_529 : i32 to vector<16xi32>
    tpu.vector_store_idx %arg6[%broadcast_in_dim3A_530, %add3A_528], %add3A_522 : memref<8x128xi32, #tpu.memory_space<vmem>>[vector<16xi32>, vector<16xi32>], vector<16xi32>,
    %get3A_531 = arith.constant 1 : i32
    %get3A_532 = arith.constant 1 : i32
    %get3A_533 = arith.index_cast %get3A_531 : i32 to index
    %get3A_534 = arith.index_cast %get3A_532 : i32 to index
    %get3A_535 = arith.constant 80 : index
    %get3A_536 = tpu.vector_load %arg5[%get3A_533, %get3A_534, %get3A_535] {strides = array<i32>} : memref<64x2x128xi32, #tpu.memory_space<vmem>>, vector<16xi32>,
    %add3A_537 = vector.broadcast %mul3A_44 : i32 to vector<16xi32>
    %add3A_538 = arith.addi %get3A_536, %add3A_537 : vector<16xi32>
    %mul3A_539 = arith.constant 2 : i32
    %mul3A_540 = vector.broadcast %mul3A_539 : i32 to vector<16xi32>
    %mul3A_541 = arith.muli %mul3A_540, %iota3A : vector<16xi32>
    %add3A_542 = arith.constant 33 : i32
    %add3A_543 = vector.broadcast %add3A_542 : i32 to vector<16xi32>
    %add3A_544 = arith.addi %mul3A_541, %add3A_543 : vector<16xi32>
    %broadcast_in_dim3A_545 = arith.constant 3 : i32
    %broadcast_in_dim3A_546 = vector.broadcast %broadcast_in_dim3A_545 : i32 to vector<16xi32>
    tpu.vector_store_idx %arg6[%broadcast_in_dim3A_546, %add3A_544], %add3A_538 : memref<8x128xi32, #tpu.memory_space<vmem>>[vector<16xi32>, vector<16xi32>], vector<16xi32>,
    %get3A_547 = arith.constant 1 : i32
    %get3A_548 = arith.constant 1 : i32
    %get3A_549 = arith.index_cast %get3A_547 : i32 to index
    %get3A_550 = arith.index_cast %get3A_548 : i32 to index
    %get3A_551 = arith.constant 96 : index
    %get3A_552 = tpu.vector_load %arg5[%get3A_549, %get3A_550, %get3A_551] {strides = array<i32>} : memref<64x2x128xi32, #tpu.memory_space<vmem>>, vector<16xi32>,
    %add3A_553 = vector.broadcast %mul3A_44 : i32 to vector<16xi32>
    %add3A_554 = arith.addi %get3A_552, %add3A_553 : vector<16xi32>
    %mul3A_555 = arith.constant 2 : i32
    %mul3A_556 = vector.broadcast %mul3A_555 : i32 to vector<16xi32>
    %mul3A_557 = arith.muli %mul3A_556, %iota3A : vector<16xi32>
    %add3A_558 = arith.constant 65 : i32
    %add3A_559 = vector.broadcast %add3A_558 : i32 to vector<16xi32>
    %add3A_560 = arith.addi %mul3A_557, %add3A_559 : vector<16xi32>
    %broadcast_in_dim3A_561 = arith.constant 3 : i32
    %broadcast_in_dim3A_562 = vector.broadcast %broadcast_in_dim3A_561 : i32 to vector<16xi32>
    tpu.vector_store_idx %arg6[%broadcast_in_dim3A_562, %add3A_560], %add3A_554 : memref<8x128xi32, #tpu.memory_space<vmem>>[vector<16xi32>, vector<16xi32>], vector<16xi32>,
    %get3A_563 = arith.constant 1 : i32
    %get3A_564 = arith.constant 1 : i32
    %get3A_565 = arith.index_cast %get3A_563 : i32 to index
    %get3A_566 = arith.index_cast %get3A_564 : i32 to index
    %get3A_567 = arith.constant 112 : index
    %get3A_568 = tpu.vector_load %arg5[%get3A_565, %get3A_566, %get3A_567] {strides = array<i32>} : memref<64x2x128xi32, #tpu.memory_space<vmem>>, vector<16xi32>,
    %add3A_569 = vector.broadcast %mul3A_44 : i32 to vector<16xi32>
    %add3A_570 = arith.addi %get3A_568, %add3A_569 : vector<16xi32>
    %mul3A_571 = arith.constant 2 : i32
    %mul3A_572 = vector.broadcast %mul3A_571 : i32 to vector<16xi32>
    %mul3A_573 = arith.muli %mul3A_572, %iota3A : vector<16xi32>
    %add3A_574 = arith.constant 97 : i32
    %add3A_575 = vector.broadcast %add3A_574 : i32 to vector<16xi32>
    %add3A_576 = arith.addi %mul3A_573, %add3A_575 : vector<16xi32>
    %broadcast_in_dim3A_577 = arith.constant 3 : i32
    %broadcast_in_dim3A_578 = vector.broadcast %broadcast_in_dim3A_577 : i32 to vector<16xi32>
    tpu.vector_store_idx %arg6[%broadcast_in_dim3A_578, %add3A_576], %add3A_570 : memref<8x128xi32, #tpu.memory_space<vmem>>[vector<16xi32>, vector<16xi32>], vector<16xi32>,
    %get3A_579 = arith.constant 2 : i32
    %get3A_580 = arith.constant 0 : i32
    %get3A_581 = arith.index_cast %get3A_579 : i32 to index
    %get3A_582 = arith.index_cast %get3A_580 : i32 to index
    %get3A_583 = arith.constant 0 : index
    %get3A_584 = tpu.vector_load %arg5[%get3A_581, %get3A_582, %get3A_583] {strides = array<i32>} : memref<64x2x128xi32, #tpu.memory_space<vmem>>, vector<16xi32>,
    %add3A_585 = vector.broadcast %mul3A_38 : i32 to vector<16xi32>
    %add3A_586 = arith.addi %get3A_584, %add3A_585 : vector<16xi32>
    %mul3A_587 = arith.constant 2 : i32
    %mul3A_588 = vector.broadcast %mul3A_587 : i32 to vector<16xi32>
    %mul3A_589 = arith.muli %mul3A_588, %iota3A : vector<16xi32>
    %add3A_590 = arith.constant 0 : i32
    %add3A_591 = vector.broadcast %add3A_590 : i32 to vector<16xi32>
    %add3A_592 = arith.addi %mul3A_589, %add3A_591 : vector<16xi32>
    %broadcast_in_dim3A_593 = arith.constant 4 : i32
    %broadcast_in_dim3A_594 = vector.broadcast %broadcast_in_dim3A_593 : i32 to vector<16xi32>
    tpu.vector_store_idx %arg6[%broadcast_in_dim3A_594, %add3A_592], %add3A_586 : memref<8x128xi32, #tpu.memory_space<vmem>>[vector<16xi32>, vector<16xi32>], vector<16xi32>,
    %get3A_595 = arith.constant 2 : i32
    %get3A_596 = arith.constant 0 : i32
    %get3A_597 = arith.index_cast %get3A_595 : i32 to index
    %get3A_598 = arith.index_cast %get3A_596 : i32 to index
    %get3A_599 = arith.constant 16 : index
    %get3A_600 = tpu.vector_load %arg5[%get3A_597, %get3A_598, %get3A_599] {strides = array<i32>} : memref<64x2x128xi32, #tpu.memory_space<vmem>>, vector<16xi32>,
    %add3A_601 = vector.broadcast %mul3A_38 : i32 to vector<16xi32>
    %add3A_602 = arith.addi %get3A_600, %add3A_601 : vector<16xi32>
    %mul3A_603 = arith.constant 2 : i32
    %mul3A_604 = vector.broadcast %mul3A_603 : i32 to vector<16xi32>
    %mul3A_605 = arith.muli %mul3A_604, %iota3A : vector<16xi32>
    %add3A_606 = arith.constant 32 : i32
    %add3A_607 = vector.broadcast %add3A_606 : i32 to vector<16xi32>
    %add3A_608 = arith.addi %mul3A_605, %add3A_607 : vector<16xi32>
    %broadcast_in_dim3A_609 = arith.constant 4 : i32
    %broadcast_in_dim3A_610 = vector.broadcast %broadcast_in_dim3A_609 : i32 to vector<16xi32>
    tpu.vector_store_idx %arg6[%broadcast_in_dim3A_610, %add3A_608], %add3A_602 : memref<8x128xi32, #tpu.memory_space<vmem>>[vector<16xi32>, vector<16xi32>], vector<16xi32>,
    %get3A_611 = arith.constant 2 : i32
    %get3A_612 = arith.constant 0 : i32
    %get3A_613 = arith.index_cast %get3A_611 : i32 to index
    %get3A_614 = arith.index_cast %get3A_612 : i32 to index
    %get3A_615 = arith.constant 32 : index
    %get3A_616 = tpu.vector_load %arg5[%get3A_613, %get3A_614, %get3A_615] {strides = array<i32>} : memref<64x2x128xi32, #tpu.memory_space<vmem>>, vector<16xi32>,
    %add3A_617 = vector.broadcast %mul3A_38 : i32 to vector<16xi32>
    %add3A_618 = arith.addi %get3A_616, %add3A_617 : vector<16xi32>
    %mul3A_619 = arith.constant 2 : i32
    %mul3A_620 = vector.broadcast %mul3A_619 : i32 to vector<16xi32>
    %mul3A_621 = arith.muli %mul3A_620, %iota3A : vector<16xi32>
    %add3A_622 = arith.constant 64 : i32
    %add3A_623 = vector.broadcast %add3A_622 : i32 to vector<16xi32>
    %add3A_624 = arith.addi %mul3A_621, %add3A_623 : vector<16xi32>
    %broadcast_in_dim3A_625 = arith.constant 4 : i32
    %broadcast_in_dim3A_626 = vector.broadcast %broadcast_in_dim3A_625 : i32 to vector<16xi32>
    tpu.vector_store_idx %arg6[%broadcast_in_dim3A_626, %add3A_624], %add3A_618 : memref<8x128xi32, #tpu.memory_space<vmem>>[vector<16xi32>, vector<16xi32>], vector<16xi32>,
    %get3A_627 = arith.constant 2 : i32
    %get3A_628 = arith.constant 0 : i32
    %get3A_629 = arith.index_cast %get3A_627 : i32 to index
    %get3A_630 = arith.index_cast %get3A_628 : i32 to index
    %get3A_631 = arith.constant 48 : index
    %get3A_632 = tpu.vector_load %arg5[%get3A_629, %get3A_630, %get3A_631] {strides = array<i32>} : memref<64x2x128xi32, #tpu.memory_space<vmem>>, vector<16xi32>,
    %add3A_633 = vector.broadcast %mul3A_38 : i32 to vector<16xi32>
    %add3A_634 = arith.addi %get3A_632, %add3A_633 : vector<16xi32>
    %mul3A_635 = arith.constant 2 : i32
    %mul3A_636 = vector.broadcast %mul3A_635 : i32 to vector<16xi32>
    %mul3A_637 = arith.muli %mul3A_636, %iota3A : vector<16xi32>
    %add3A_638 = arith.constant 96 : i32
    %add3A_639 = vector.broadcast %add3A_638 : i32 to vector<16xi32>
    %add3A_640 = arith.addi %mul3A_637, %add3A_639 : vector<16xi32>
    %broadcast_in_dim3A_641 = arith.constant 4 : i32
    %broadcast_in_dim3A_642 = vector.broadcast %broadcast_in_dim3A_641 : i32 to vector<16xi32>
    tpu.vector_store_idx %arg6[%broadcast_in_dim3A_642, %add3A_640], %add3A_634 : memref<8x128xi32, #tpu.memory_space<vmem>>[vector<16xi32>, vector<16xi32>], vector<16xi32>,
    %get3A_643 = arith.constant 2 : i32
    %get3A_644 = arith.constant 0 : i32
    %get3A_645 = arith.index_cast %get3A_643 : i32 to index
    %get3A_646 = arith.index_cast %get3A_644 : i32 to index
    %get3A_647 = arith.constant 64 : index
    %get3A_648 = tpu.vector_load %arg5[%get3A_645, %get3A_646, %get3A_647] {strides = array<i32>} : memref<64x2x128xi32, #tpu.memory_space<vmem>>, vector<16xi32>,
    %add3A_649 = vector.broadcast %mul3A_38 : i32 to vector<16xi32>
    %add3A_650 = arith.addi %get3A_648, %add3A_649 : vector<16xi32>
    %mul3A_651 = arith.constant 2 : i32
    %mul3A_652 = vector.broadcast %mul3A_651 : i32 to vector<16xi32>
    %mul3A_653 = arith.muli %mul3A_652, %iota3A : vector<16xi32>
    %add3A_654 = arith.constant 0 : i32
    %add3A_655 = vector.broadcast %add3A_654 : i32 to vector<16xi32>
    %add3A_656 = arith.addi %mul3A_653, %add3A_655 : vector<16xi32>
    %broadcast_in_dim3A_657 = arith.constant 5 : i32
    %broadcast_in_dim3A_658 = vector.broadcast %broadcast_in_dim3A_657 : i32 to vector<16xi32>
    tpu.vector_store_idx %arg6[%broadcast_in_dim3A_658, %add3A_656], %add3A_650 : memref<8x128xi32, #tpu.memory_space<vmem>>[vector<16xi32>, vector<16xi32>], vector<16xi32>,
    %get3A_659 = arith.constant 2 : i32
    %get3A_660 = arith.constant 0 : i32
    %get3A_661 = arith.index_cast %get3A_659 : i32 to index
    %get3A_662 = arith.index_cast %get3A_660 : i32 to index
    %get3A_663 = arith.constant 80 : index
    %get3A_664 = tpu.vector_load %arg5[%get3A_661, %get3A_662, %get3A_663] {strides = array<i32>} : memref<64x2x128xi32, #tpu.memory_space<vmem>>, vector<16xi32>,
    %add3A_665 = vector.broadcast %mul3A_38 : i32 to vector<16xi32>
    %add3A_666 = arith.addi %get3A_664, %add3A_665 : vector<16xi32>
    %mul3A_667 = arith.constant 2 : i32
    %mul3A_668 = vector.broadcast %mul3A_667 : i32 to vector<16xi32>
    %mul3A_669 = arith.muli %mul3A_668, %iota3A : vector<16xi32>
    %add3A_670 = arith.constant 32 : i32
    %add3A_671 = vector.broadcast %add3A_670 : i32 to vector<16xi32>
    %add3A_672 = arith.addi %mul3A_669, %add3A_671 : vector<16xi32>
    %broadcast_in_dim3A_673 = arith.constant 5 : i32
    %broadcast_in_dim3A_674 = vector.broadcast %broadcast_in_dim3A_673 : i32 to vector<16xi32>
    tpu.vector_store_idx %arg6[%broadcast_in_dim3A_674, %add3A_672], %add3A_666 : memref<8x128xi32, #tpu.memory_space<vmem>>[vector<16xi32>, vector<16xi32>], vector<16xi32>,
    %get3A_675 = arith.constant 2 : i32
    %get3A_676 = arith.constant 0 : i32
    %get3A_677 = arith.index_cast %get3A_675 : i32 to index
    %get3A_678 = arith.index_cast %get3A_676 : i32 to index
    %get3A_679 = arith.constant 96 : index
    %get3A_680 = tpu.vector_load %arg5[%get3A_677, %get3A_678, %get3A_679] {strides = array<i32>} : memref<64x2x128xi32, #tpu.memory_space<vmem>>, vector<16xi32>,
    %add3A_681 = vector.broadcast %mul3A_38 : i32 to vector<16xi32>
    %add3A_682 = arith.addi %get3A_680, %add3A_681 : vector<16xi32>
    %mul3A_683 = arith.constant 2 : i32
    %mul3A_684 = vector.broadcast %mul3A_683 : i32 to vector<16xi32>
    %mul3A_685 = arith.muli %mul3A_684, %iota3A : vector<16xi32>
    %add3A_686 = arith.constant 64 : i32
    %add3A_687 = vector.broadcast %add3A_686 : i32 to vector<16xi32>
    %add3A_688 = arith.addi %mul3A_685, %add3A_687 : vector<16xi32>
    %broadcast_in_dim3A_689 = arith.constant 5 : i32
    %broadcast_in_dim3A_690 = vector.broadcast %broadcast_in_dim3A_689 : i32 to vector<16xi32>
    tpu.vector_store_idx %arg6[%broadcast_in_dim3A_690, %add3A_688], %add3A_682 : memref<8x128xi32, #tpu.memory_space<vmem>>[vector<16xi32>, vector<16xi32>], vector<16xi32>,
    %get3A_691 = arith.constant 2 : i32
    %get3A_692 = arith.constant 0 : i32
    %get3A_693 = arith.index_cast %get3A_691 : i32 to index
    %get3A_694 = arith.index_cast %get3A_692 : i32 to index
    %get3A_695 = arith.constant 112 : index
    %get3A_696 = tpu.vector_load %arg5[%get3A_693, %get3A_694, %get3A_695] {strides = array<i32>} : memref<64x2x128xi32, #tpu.memory_space<vmem>>, vector<16xi32>,
    %add3A_697 = vector.broadcast %mul3A_38 : i32 to vector<16xi32>
    %add3A_698 = arith.addi %get3A_696, %add3A_697 : vector<16xi32>
    %mul3A_699 = arith.constant 2 : i32
    %mul3A_700 = vector.broadcast %mul3A_699 : i32 to vector<16xi32>
    %mul3A_701 = arith.muli %mul3A_700, %iota3A : vector<16xi32>
    %add3A_702 = arith.constant 96 : i32
    %add3A_703 = vector.broadcast %add3A_702 : i32 to vector<16xi32>
    %add3A_704 = arith.addi %mul3A_701, %add3A_703 : vector<16xi32>
    %broadcast_in_dim3A_705 = arith.constant 5 : i32
    %broadcast_in_dim3A_706 = vector.broadcast %broadcast_in_dim3A_705 : i32 to vector<16xi32>
    tpu.vector_store_idx %arg6[%broadcast_in_dim3A_706, %add3A_704], %add3A_698 : memref<8x128xi32, #tpu.memory_space<vmem>>[vector<16xi32>, vector<16xi32>], vector<16xi32>,
    %get3A_707 = arith.constant 2 : i32
    %get3A_708 = arith.constant 1 : i32
    %get3A_709 = arith.index_cast %get3A_707 : i32 to index
    %get3A_710 = arith.index_cast %get3A_708 : i32 to index
    %get3A_711 = arith.constant 0 : index
    %get3A_712 = tpu.vector_load %arg5[%get3A_709, %get3A_710, %get3A_711] {strides = array<i32>} : memref<64x2x128xi32, #tpu.memory_space<vmem>>, vector<16xi32>,
    %add3A_713 = vector.broadcast %mul3A_44 : i32 to vector<16xi32>
    %add3A_714 = arith.addi %get3A_712, %add3A_713 : vector<16xi32>
    %mul3A_715 = arith.constant 2 : i32
    %mul3A_716 = vector.broadcast %mul3A_715 : i32 to vector<16xi32>
    %mul3A_717 = arith.muli %mul3A_716, %iota3A : vector<16xi32>
    %add3A_718 = arith.constant 1 : i32
    %add3A_719 = vector.broadcast %add3A_718 : i32 to vector<16xi32>
    %add3A_720 = arith.addi %mul3A_717, %add3A_719 : vector<16xi32>
    %broadcast_in_dim3A_721 = arith.constant 4 : i32
    %broadcast_in_dim3A_722 = vector.broadcast %broadcast_in_dim3A_721 : i32 to vector<16xi32>
    tpu.vector_store_idx %arg6[%broadcast_in_dim3A_722, %add3A_720], %add3A_714 : memref<8x128xi32, #tpu.memory_space<vmem>>[vector<16xi32>, vector<16xi32>], vector<16xi32>,
    %get3A_723 = arith.constant 2 : i32
    %get3A_724 = arith.constant 1 : i32
    %get3A_725 = arith.index_cast %get3A_723 : i32 to index
    %get3A_726 = arith.index_cast %get3A_724 : i32 to index
    %get3A_727 = arith.constant 16 : index
    %get3A_728 = tpu.vector_load %arg5[%get3A_725, %get3A_726, %get3A_727] {strides = array<i32>} : memref<64x2x128xi32, #tpu.memory_space<vmem>>, vector<16xi32>,
    %add3A_729 = vector.broadcast %mul3A_44 : i32 to vector<16xi32>
    %add3A_730 = arith.addi %get3A_728, %add3A_729 : vector<16xi32>
    %mul3A_731 = arith.constant 2 : i32
    %mul3A_732 = vector.broadcast %mul3A_731 : i32 to vector<16xi32>
    %mul3A_733 = arith.muli %mul3A_732, %iota3A : vector<16xi32>
    %add3A_734 = arith.constant 33 : i32
    %add3A_735 = vector.broadcast %add3A_734 : i32 to vector<16xi32>
    %add3A_736 = arith.addi %mul3A_733, %add3A_735 : vector<16xi32>
    %broadcast_in_dim3A_737 = arith.constant 4 : i32
    %broadcast_in_dim3A_738 = vector.broadcast %broadcast_in_dim3A_737 : i32 to vector<16xi32>
    tpu.vector_store_idx %arg6[%broadcast_in_dim3A_738, %add3A_736], %add3A_730 : memref<8x128xi32, #tpu.memory_space<vmem>>[vector<16xi32>, vector<16xi32>], vector<16xi32>,
    %get3A_739 = arith.constant 2 : i32
    %get3A_740 = arith.constant 1 : i32
    %get3A_741 = arith.index_cast %get3A_739 : i32 to index
    %get3A_742 = arith.index_cast %get3A_740 : i32 to index
    %get3A_743 = arith.constant 32 : index
    %get3A_744 = tpu.vector_load %arg5[%get3A_741, %get3A_742, %get3A_743] {strides = array<i32>} : memref<64x2x128xi32, #tpu.memory_space<vmem>>, vector<16xi32>,
    %add3A_745 = vector.broadcast %mul3A_44 : i32 to vector<16xi32>
    %add3A_746 = arith.addi %get3A_744, %add3A_745 : vector<16xi32>
    %mul3A_747 = arith.constant 2 : i32
    %mul3A_748 = vector.broadcast %mul3A_747 : i32 to vector<16xi32>
    %mul3A_749 = arith.muli %mul3A_748, %iota3A : vector<16xi32>
    %add3A_750 = arith.constant 65 : i32
    %add3A_751 = vector.broadcast %add3A_750 : i32 to vector<16xi32>
    %add3A_752 = arith.addi %mul3A_749, %add3A_751 : vector<16xi32>
    %broadcast_in_dim3A_753 = arith.constant 4 : i32
    %broadcast_in_dim3A_754 = vector.broadcast %broadcast_in_dim3A_753 : i32 to vector<16xi32>
    tpu.vector_store_idx %arg6[%broadcast_in_dim3A_754, %add3A_752], %add3A_746 : memref<8x128xi32, #tpu.memory_space<vmem>>[vector<16xi32>, vector<16xi32>], vector<16xi32>,
    %get3A_755 = arith.constant 2 : i32
    %get3A_756 = arith.constant 1 : i32
    %get3A_757 = arith.index_cast %get3A_755 : i32 to index
    %get3A_758 = arith.index_cast %get3A_756 : i32 to index
    %get3A_759 = arith.constant 48 : index
    %get3A_760 = tpu.vector_load %arg5[%get3A_757, %get3A_758, %get3A_759] {strides = array<i32>} : memref<64x2x128xi32, #tpu.memory_space<vmem>>, vector<16xi32>,
    %add3A_761 = vector.broadcast %mul3A_44 : i32 to vector<16xi32>
    %add3A_762 = arith.addi %get3A_760, %add3A_761 : vector<16xi32>
    %mul3A_763 = arith.constant 2 : i32
    %mul3A_764 = vector.broadcast %mul3A_763 : i32 to vector<16xi32>
    %mul3A_765 = arith.muli %mul3A_764, %iota3A : vector<16xi32>
    %add3A_766 = arith.constant 97 : i32
    %add3A_767 = vector.broadcast %add3A_766 : i32 to vector<16xi32>
    %add3A_768 = arith.addi %mul3A_765, %add3A_767 : vector<16xi32>
    %broadcast_in_dim3A_769 = arith.constant 4 : i32
    %broadcast_in_dim3A_770 = vector.broadcast %broadcast_in_dim3A_769 : i32 to vector<16xi32>
    tpu.vector_store_idx %arg6[%broadcast_in_dim3A_770, %add3A_768], %add3A_762 : memref<8x128xi32, #tpu.memory_space<vmem>>[vector<16xi32>, vector<16xi32>], vector<16xi32>,
    %get3A_771 = arith.constant 2 : i32
    %get3A_772 = arith.constant 1 : i32
    %get3A_773 = arith.index_cast %get3A_771 : i32 to index
    %get3A_774 = arith.index_cast %get3A_772 : i32 to index
    %get3A_775 = arith.constant 64 : index
    %get3A_776 = tpu.vector_load %arg5[%get3A_773, %get3A_774, %get3A_775] {strides = array<i32>} : memref<64x2x128xi32, #tpu.memory_space<vmem>>, vector<16xi32>,
    %add3A_777 = vector.broadcast %mul3A_44 : i32 to vector<16xi32>
    %add3A_778 = arith.addi %get3A_776, %add3A_777 : vector<16xi32>
    %mul3A_779 = arith.constant 2 : i32
    %mul3A_780 = vector.broadcast %mul3A_779 : i32 to vector<16xi32>
    %mul3A_781 = arith.muli %mul3A_780, %iota3A : vector<16xi32>
    %add3A_782 = arith.constant 1 : i32
    %add3A_783 = vector.broadcast %add3A_782 : i32 to vector<16xi32>
    %add3A_784 = arith.addi %mul3A_781, %add3A_783 : vector<16xi32>
    %broadcast_in_dim3A_785 = arith.constant 5 : i32
    %broadcast_in_dim3A_786 = vector.broadcast %broadcast_in_dim3A_785 : i32 to vector<16xi32>
    tpu.vector_store_idx %arg6[%broadcast_in_dim3A_786, %add3A_784], %add3A_778 : memref<8x128xi32, #tpu.memory_space<vmem>>[vector<16xi32>, vector<16xi32>], vector<16xi32>,
    %get3A_787 = arith.constant 2 : i32
    %get3A_788 = arith.constant 1 : i32
    %get3A_789 = arith.index_cast %get3A_787 : i32 to index
    %get3A_790 = arith.index_cast %get3A_788 : i32 to index
    %get3A_791 = arith.constant 80 : index
    %get3A_792 = tpu.vector_load %arg5[%get3A_789, %get3A_790, %get3A_791] {strides = array<i32>} : memref<64x2x128xi32, #tpu.memory_space<vmem>>, vector<16xi32>,
    %add3A_793 = vector.broadcast %mul3A_44 : i32 to vector<16xi32>
    %add3A_794 = arith.addi %get3A_792, %add3A_793 : vector<16xi32>
    %mul3A_795 = arith.constant 2 : i32
    %mul3A_796 = vector.broadcast %mul3A_795 : i32 to vector<16xi32>
    %mul3A_797 = arith.muli %mul3A_796, %iota3A : vector<16xi32>
    %add3A_798 = arith.constant 33 : i32
    %add3A_799 = vector.broadcast %add3A_798 : i32 to vector<16xi32>
    %add3A_800 = arith.addi %mul3A_797, %add3A_799 : vector<16xi32>
    %broadcast_in_dim3A_801 = arith.constant 5 : i32
    %broadcast_in_dim3A_802 = vector.broadcast %broadcast_in_dim3A_801 : i32 to vector<16xi32>
    tpu.vector_store_idx %arg6[%broadcast_in_dim3A_802, %add3A_800], %add3A_794 : memref<8x128xi32, #tpu.memory_space<vmem>>[vector<16xi32>, vector<16xi32>], vector<16xi32>,
    %get3A_803 = arith.constant 2 : i32
    %get3A_804 = arith.constant 1 : i32
    %get3A_805 = arith.index_cast %get3A_803 : i32 to index
    %get3A_806 = arith.index_cast %get3A_804 : i32 to index
    %get3A_807 = arith.constant 96 : index
    %get3A_808 = tpu.vector_load %arg5[%get3A_805, %get3A_806, %get3A_807] {strides = array<i32>} : memref<64x2x128xi32, #tpu.memory_space<vmem>>, vector<16xi32>,
    %add3A_809 = vector.broadcast %mul3A_44 : i32 to vector<16xi32>
    %add3A_810 = arith.addi %get3A_808, %add3A_809 : vector<16xi32>
    %mul3A_811 = arith.constant 2 : i32
    %mul3A_812 = vector.broadcast %mul3A_811 : i32 to vector<16xi32>
    %mul3A_813 = arith.muli %mul3A_812, %iota3A : vector<16xi32>
    %add3A_814 = arith.constant 65 : i32
    %add3A_815 = vector.broadcast %add3A_814 : i32 to vector<16xi32>
    %add3A_816 = arith.addi %mul3A_813, %add3A_815 : vector<16xi32>
    %broadcast_in_dim3A_817 = arith.constant 5 : i32
    %broadcast_in_dim3A_818 = vector.broadcast %broadcast_in_dim3A_817 : i32 to vector<16xi32>
    tpu.vector_store_idx %arg6[%broadcast_in_dim3A_818, %add3A_816], %add3A_810 : memref<8x128xi32, #tpu.memory_space<vmem>>[vector<16xi32>, vector<16xi32>], vector<16xi32>,
    %get3A_819 = arith.constant 2 : i32
    %get3A_820 = arith.constant 1 : i32
    %get3A_821 = arith.index_cast %get3A_819 : i32 to index
    %get3A_822 = arith.index_cast %get3A_820 : i32 to index
    %get3A_823 = arith.constant 112 : index
    %get3A_824 = tpu.vector_load %arg5[%get3A_821, %get3A_822, %get3A_823] {strides = array<i32>} : memref<64x2x128xi32, #tpu.memory_space<vmem>>, vector<16xi32>,
    %add3A_825 = vector.broadcast %mul3A_44 : i32 to vector<16xi32>
    %add3A_826 = arith.addi %get3A_824, %add3A_825 : vector<16xi32>
    %mul3A_827 = arith.constant 2 : i32
    %mul3A_828 = vector.broadcast %mul3A_827 : i32 to vector<16xi32>
    %mul3A_829 = arith.muli %mul3A_828, %iota3A : vector<16xi32>
    %add3A_830 = arith.constant 97 : i32
    %add3A_831 = vector.broadcast %add3A_830 : i32 to vector<16xi32>
    %add3A_832 = arith.addi %mul3A_829, %add3A_831 : vector<16xi32>
    %broadcast_in_dim3A_833 = arith.constant 5 : i32
    %broadcast_in_dim3A_834 = vector.broadcast %broadcast_in_dim3A_833 : i32 to vector<16xi32>
    tpu.vector_store_idx %arg6[%broadcast_in_dim3A_834, %add3A_832], %add3A_826 : memref<8x128xi32, #tpu.memory_space<vmem>>[vector<16xi32>, vector<16xi32>], vector<16xi32>,
    %get3A_835 = arith.constant 3 : i32
    %get3A_836 = arith.constant 0 : i32
    %get3A_837 = arith.index_cast %get3A_835 : i32 to index
    %get3A_838 = arith.index_cast %get3A_836 : i32 to index
    %get3A_839 = arith.constant 0 : index
    %get3A_840 = tpu.vector_load %arg5[%get3A_837, %get3A_838, %get3A_839] {strides = array<i32>} : memref<64x2x128xi32, #tpu.memory_space<vmem>>, vector<16xi32>,
    %add3A_841 = vector.broadcast %mul3A_38 : i32 to vector<16xi32>
    %add3A_842 = arith.addi %get3A_840, %add3A_841 : vector<16xi32>
    %mul3A_843 = arith.constant 2 : i32
    %mul3A_844 = vector.broadcast %mul3A_843 : i32 to vector<16xi32>
    %mul3A_845 = arith.muli %mul3A_844, %iota3A : vector<16xi32>
    %add3A_846 = arith.constant 0 : i32
    %add3A_847 = vector.broadcast %add3A_846 : i32 to vector<16xi32>
    %add3A_848 = arith.addi %mul3A_845, %add3A_847 : vector<16xi32>
    %broadcast_in_dim3A_849 = arith.constant 6 : i32
    %broadcast_in_dim3A_850 = vector.broadcast %broadcast_in_dim3A_849 : i32 to vector<16xi32>
    tpu.vector_store_idx %arg6[%broadcast_in_dim3A_850, %add3A_848], %add3A_842 : memref<8x128xi32, #tpu.memory_space<vmem>>[vector<16xi32>, vector<16xi32>], vector<16xi32>,
    %get3A_851 = arith.constant 3 : i32
    %get3A_852 = arith.constant 0 : i32
    %get3A_853 = arith.index_cast %get3A_851 : i32 to index
    %get3A_854 = arith.index_cast %get3A_852 : i32 to index
    %get3A_855 = arith.constant 16 : index
    %get3A_856 = tpu.vector_load %arg5[%get3A_853, %get3A_854, %get3A_855] {strides = array<i32>} : memref<64x2x128xi32, #tpu.memory_space<vmem>>, vector<16xi32>,
    %add3A_857 = vector.broadcast %mul3A_38 : i32 to vector<16xi32>
    %add3A_858 = arith.addi %get3A_856, %add3A_857 : vector<16xi32>
    %mul3A_859 = arith.constant 2 : i32
    %mul3A_860 = vector.broadcast %mul3A_859 : i32 to vector<16xi32>
    %mul3A_861 = arith.muli %mul3A_860, %iota3A : vector<16xi32>
    %add3A_862 = arith.constant 32 : i32
    %add3A_863 = vector.broadcast %add3A_862 : i32 to vector<16xi32>
    %add3A_864 = arith.addi %mul3A_861, %add3A_863 : vector<16xi32>
    %broadcast_in_dim3A_865 = arith.constant 6 : i32
    %broadcast_in_dim3A_866 = vector.broadcast %broadcast_in_dim3A_865 : i32 to vector<16xi32>
    tpu.vector_store_idx %arg6[%broadcast_in_dim3A_866, %add3A_864], %add3A_858 : memref<8x128xi32, #tpu.memory_space<vmem>>[vector<16xi32>, vector<16xi32>], vector<16xi32>,
    %get3A_867 = arith.constant 3 : i32
    %get3A_868 = arith.constant 0 : i32
    %get3A_869 = arith.index_cast %get3A_867 : i32 to index
    %get3A_870 = arith.index_cast %get3A_868 : i32 to index
    %get3A_871 = arith.constant 32 : index
    %get3A_872 = tpu.vector_load %arg5[%get3A_869, %get3A_870, %get3A_871] {strides = array<i32>} : memref<64x2x128xi32, #tpu.memory_space<vmem>>, vector<16xi32>,
    %add3A_873 = vector.broadcast %mul3A_38 : i32 to vector<16xi32>
    %add3A_874 = arith.addi %get3A_872, %add3A_873 : vector<16xi32>
    %mul3A_875 = arith.constant 2 : i32
    %mul3A_876 = vector.broadcast %mul3A_875 : i32 to vector<16xi32>
    %mul3A_877 = arith.muli %mul3A_876, %iota3A : vector<16xi32>
    %add3A_878 = arith.constant 64 : i32
    %add3A_879 = vector.broadcast %add3A_878 : i32 to vector<16xi32>
    %add3A_880 = arith.addi %mul3A_877, %add3A_879 : vector<16xi32>
    %broadcast_in_dim3A_881 = arith.constant 6 : i32
    %broadcast_in_dim3A_882 = vector.broadcast %broadcast_in_dim3A_881 : i32 to vector<16xi32>
    tpu.vector_store_idx %arg6[%broadcast_in_dim3A_882, %add3A_880], %add3A_874 : memref<8x128xi32, #tpu.memory_space<vmem>>[vector<16xi32>, vector<16xi32>], vector<16xi32>,
    %get3A_883 = arith.constant 3 : i32
    %get3A_884 = arith.constant 0 : i32
    %get3A_885 = arith.index_cast %get3A_883 : i32 to index
    %get3A_886 = arith.index_cast %get3A_884 : i32 to index
    %get3A_887 = arith.constant 48 : index
    %get3A_888 = tpu.vector_load %arg5[%get3A_885, %get3A_886, %get3A_887] {strides = array<i32>} : memref<64x2x128xi32, #tpu.memory_space<vmem>>, vector<16xi32>,
    %add3A_889 = vector.broadcast %mul3A_38 : i32 to vector<16xi32>
    %add3A_890 = arith.addi %get3A_888, %add3A_889 : vector<16xi32>
    %mul3A_891 = arith.constant 2 : i32
    %mul3A_892 = vector.broadcast %mul3A_891 : i32 to vector<16xi32>
    %mul3A_893 = arith.muli %mul3A_892, %iota3A : vector<16xi32>
    %add3A_894 = arith.constant 96 : i32
    %add3A_895 = vector.broadcast %add3A_894 : i32 to vector<16xi32>
    %add3A_896 = arith.addi %mul3A_893, %add3A_895 : vector<16xi32>
    %broadcast_in_dim3A_897 = arith.constant 6 : i32
    %broadcast_in_dim3A_898 = vector.broadcast %broadcast_in_dim3A_897 : i32 to vector<16xi32>
    tpu.vector_store_idx %arg6[%broadcast_in_dim3A_898, %add3A_896], %add3A_890 : memref<8x128xi32, #tpu.memory_space<vmem>>[vector<16xi32>, vector<16xi32>], vector<16xi32>,
    %get3A_899 = arith.constant 3 : i32
    %get3A_900 = arith.constant 0 : i32
    %get3A_901 = arith.index_cast %get3A_899 : i32 to index
    %get3A_902 = arith.index_cast %get3A_900 : i32 to index
    %get3A_903 = arith.constant 64 : index
    %get3A_904 = tpu.vector_load %arg5[%get3A_901, %get3A_902, %get3A_903] {strides = array<i32>} : memref<64x2x128xi32, #tpu.memory_space<vmem>>, vector<16xi32>,
    %add3A_905 = vector.broadcast %mul3A_38 : i32 to vector<16xi32>
    %add3A_906 = arith.addi %get3A_904, %add3A_905 : vector<16xi32>
    %mul3A_907 = arith.constant 2 : i32
    %mul3A_908 = vector.broadcast %mul3A_907 : i32 to vector<16xi32>
    %mul3A_909 = arith.muli %mul3A_908, %iota3A : vector<16xi32>
    %add3A_910 = arith.constant 0 : i32
    %add3A_911 = vector.broadcast %add3A_910 : i32 to vector<16xi32>
    %add3A_912 = arith.addi %mul3A_909, %add3A_911 : vector<16xi32>
    %broadcast_in_dim3A_913 = arith.constant 7 : i32
    %broadcast_in_dim3A_914 = vector.broadcast %broadcast_in_dim3A_913 : i32 to vector<16xi32>
    tpu.vector_store_idx %arg6[%broadcast_in_dim3A_914, %add3A_912], %add3A_906 : memref<8x128xi32, #tpu.memory_space<vmem>>[vector<16xi32>, vector<16xi32>], vector<16xi32>,
    %get3A_915 = arith.constant 3 : i32
    %get3A_916 = arith.constant 0 : i32
    %get3A_917 = arith.index_cast %get3A_915 : i32 to index
    %get3A_918 = arith.index_cast %get3A_916 : i32 to index
    %get3A_919 = arith.constant 80 : index
    %get3A_920 = tpu.vector_load %arg5[%get3A_917, %get3A_918, %get3A_919] {strides = array<i32>} : memref<64x2x128xi32, #tpu.memory_space<vmem>>, vector<16xi32>,
    %add3A_921 = vector.broadcast %mul3A_38 : i32 to vector<16xi32>
    %add3A_922 = arith.addi %get3A_920, %add3A_921 : vector<16xi32>
    %mul3A_923 = arith.constant 2 : i32
    %mul3A_924 = vector.broadcast %mul3A_923 : i32 to vector<16xi32>
    %mul3A_925 = arith.muli %mul3A_924, %iota3A : vector<16xi32>
    %add3A_926 = arith.constant 32 : i32
    %add3A_927 = vector.broadcast %add3A_926 : i32 to vector<16xi32>
    %add3A_928 = arith.addi %mul3A_925, %add3A_927 : vector<16xi32>
    %broadcast_in_dim3A_929 = arith.constant 7 : i32
    %broadcast_in_dim3A_930 = vector.broadcast %broadcast_in_dim3A_929 : i32 to vector<16xi32>
    tpu.vector_store_idx %arg6[%broadcast_in_dim3A_930, %add3A_928], %add3A_922 : memref<8x128xi32, #tpu.memory_space<vmem>>[vector<16xi32>, vector<16xi32>], vector<16xi32>,
    %get3A_931 = arith.constant 3 : i32
    %get3A_932 = arith.constant 0 : i32
    %get3A_933 = arith.index_cast %get3A_931 : i32 to index
    %get3A_934 = arith.index_cast %get3A_932 : i32 to index
    %get3A_935 = arith.constant 96 : index
    %get3A_936 = tpu.vector_load %arg5[%get3A_933, %get3A_934, %get3A_935] {strides = array<i32>} : memref<64x2x128xi32, #tpu.memory_space<vmem>>, vector<16xi32>,
    %add3A_937 = vector.broadcast %mul3A_38 : i32 to vector<16xi32>
    %add3A_938 = arith.addi %get3A_936, %add3A_937 : vector<16xi32>
    %mul3A_939 = arith.constant 2 : i32
    %mul3A_940 = vector.broadcast %mul3A_939 : i32 to vector<16xi32>
    %mul3A_941 = arith.muli %mul3A_940, %iota3A : vector<16xi32>
    %add3A_942 = arith.constant 64 : i32
    %add3A_943 = vector.broadcast %add3A_942 : i32 to vector<16xi32>
    %add3A_944 = arith.addi %mul3A_941, %add3A_943 : vector<16xi32>
    %broadcast_in_dim3A_945 = arith.constant 7 : i32
    %broadcast_in_dim3A_946 = vector.broadcast %broadcast_in_dim3A_945 : i32 to vector<16xi32>
    tpu.vector_store_idx %arg6[%broadcast_in_dim3A_946, %add3A_944], %add3A_938 : memref<8x128xi32, #tpu.memory_space<vmem>>[vector<16xi32>, vector<16xi32>], vector<16xi32>,
    %get3A_947 = arith.constant 3 : i32
    %get3A_948 = arith.constant 0 : i32
    %get3A_949 = arith.index_cast %get3A_947 : i32 to index
    %get3A_950 = arith.index_cast %get3A_948 : i32 to index
    %get3A_951 = arith.constant 112 : index
    %get3A_952 = tpu.vector_load %arg5[%get3A_949, %get3A_950, %get3A_951] {strides = array<i32>} : memref<64x2x128xi32, #tpu.memory_space<vmem>>, vector<16xi32>,
    %add3A_953 = vector.broadcast %mul3A_38 : i32 to vector<16xi32>
    %add3A_954 = arith.addi %get3A_952, %add3A_953 : vector<16xi32>
    %mul3A_955 = arith.constant 2 : i32
    %mul3A_956 = vector.broadcast %mul3A_955 : i32 to vector<16xi32>
    %mul3A_957 = arith.muli %mul3A_956, %iota3A : vector<16xi32>
    %add3A_958 = arith.constant 96 : i32
    %add3A_959 = vector.broadcast %add3A_958 : i32 to vector<16xi32>
    %add3A_960 = arith.addi %mul3A_957, %add3A_959 : vector<16xi32>
    %broadcast_in_dim3A_961 = arith.constant 7 : i32
    %broadcast_in_dim3A_962 = vector.broadcast %broadcast_in_dim3A_961 : i32 to vector<16xi32>
    tpu.vector_store_idx %arg6[%broadcast_in_dim3A_962, %add3A_960], %add3A_954 : memref<8x128xi32, #tpu.memory_space<vmem>>[vector<16xi32>, vector<16xi32>], vector<16xi32>,
    %get3A_963 = arith.constant 3 : i32
    %get3A_964 = arith.constant 1 : i32
    %get3A_965 = arith.index_cast %get3A_963 : i32 to index
    %get3A_966 = arith.index_cast %get3A_964 : i32 to index
    %get3A_967 = arith.constant 0 : index
    %get3A_968 = tpu.vector_load %arg5[%get3A_965, %get3A_966, %get3A_967] {strides = array<i32>} : memref<64x2x128xi32, #tpu.memory_space<vmem>>, vector<16xi32>,
    %add3A_969 = vector.broadcast %mul3A_44 : i32 to vector<16xi32>
    %add3A_970 = arith.addi %get3A_968, %add3A_969 : vector<16xi32>
    %mul3A_971 = arith.constant 2 : i32
    %mul3A_972 = vector.broadcast %mul3A_971 : i32 to vector<16xi32>
    %mul3A_973 = arith.muli %mul3A_972, %iota3A : vector<16xi32>
    %add3A_974 = arith.constant 1 : i32
    %add3A_975 = vector.broadcast %add3A_974 : i32 to vector<16xi32>
    %add3A_976 = arith.addi %mul3A_973, %add3A_975 : vector<16xi32>
    %broadcast_in_dim3A_977 = arith.constant 6 : i32
    %broadcast_in_dim3A_978 = vector.broadcast %broadcast_in_dim3A_977 : i32 to vector<16xi32>
    tpu.vector_store_idx %arg6[%broadcast_in_dim3A_978, %add3A_976], %add3A_970 : memref<8x128xi32, #tpu.memory_space<vmem>>[vector<16xi32>, vector<16xi32>], vector<16xi32>,
    %get3A_979 = arith.constant 3 : i32
    %get3A_980 = arith.constant 1 : i32
    %get3A_981 = arith.index_cast %get3A_979 : i32 to index
    %get3A_982 = arith.index_cast %get3A_980 : i32 to index
    %get3A_983 = arith.constant 16 : index
    %get3A_984 = tpu.vector_load %arg5[%get3A_981, %get3A_982, %get3A_983] {strides = array<i32>} : memref<64x2x128xi32, #tpu.memory_space<vmem>>, vector<16xi32>,
    %add3A_985 = vector.broadcast %mul3A_44 : i32 to vector<16xi32>
    %add3A_986 = arith.addi %get3A_984, %add3A_985 : vector<16xi32>
    %mul3A_987 = arith.constant 2 : i32
    %mul3A_988 = vector.broadcast %mul3A_987 : i32 to vector<16xi32>
    %mul3A_989 = arith.muli %mul3A_988, %iota3A : vector<16xi32>
    %add3A_990 = arith.constant 33 : i32
    %add3A_991 = vector.broadcast %add3A_990 : i32 to vector<16xi32>
    %add3A_992 = arith.addi %mul3A_989, %add3A_991 : vector<16xi32>
    %broadcast_in_dim3A_993 = arith.constant 6 : i32
    %broadcast_in_dim3A_994 = vector.broadcast %broadcast_in_dim3A_993 : i32 to vector<16xi32>
    tpu.vector_store_idx %arg6[%broadcast_in_dim3A_994, %add3A_992], %add3A_986 : memref<8x128xi32, #tpu.memory_space<vmem>>[vector<16xi32>, vector<16xi32>], vector<16xi32>,
    %get3A_995 = arith.constant 3 : i32
    %get3A_996 = arith.constant 1 : i32
    %get3A_997 = arith.index_cast %get3A_995 : i32 to index
    %get3A_998 = arith.index_cast %get3A_996 : i32 to index
    %get3A_999 = arith.constant 32 : index
    %get3A_1000 = tpu.vector_load %arg5[%get3A_997, %get3A_998, %get3A_999] {strides = array<i32>} : memref<64x2x128xi32, #tpu.memory_space<vmem>>, vector<16xi32>,
    %add3A_1001 = vector.broadcast %mul3A_44 : i32 to vector<16xi32>
    %add3A_1002 = arith.addi %get3A_1000, %add3A_1001 : vector<16xi32>
    %mul3A_1003 = arith.constant 2 : i32
    %mul3A_1004 = vector.broadcast %mul3A_1003 : i32 to vector<16xi32>
    %mul3A_1005 = arith.muli %mul3A_1004, %iota3A : vector<16xi32>
    %add3A_1006 = arith.constant 65 : i32
    %add3A_1007 = vector.broadcast %add3A_1006 : i32 to vector<16xi32>
    %add3A_1008 = arith.addi %mul3A_1005, %add3A_1007 : vector<16xi32>
    %broadcast_in_dim3A_1009 = arith.constant 6 : i32
    %broadcast_in_dim3A_1010 = vector.broadcast %broadcast_in_dim3A_1009 : i32 to vector<16xi32>
    tpu.vector_store_idx %arg6[%broadcast_in_dim3A_1010, %add3A_1008], %add3A_1002 : memref<8x128xi32, #tpu.memory_space<vmem>>[vector<16xi32>, vector<16xi32>], vector<16xi32>,
    %get3A_1011 = arith.constant 3 : i32
    %get3A_1012 = arith.constant 1 : i32
    %get3A_1013 = arith.index_cast %get3A_1011 : i32 to index
    %get3A_1014 = arith.index_cast %get3A_1012 : i32 to index
    %get3A_1015 = arith.constant 48 : index
    %get3A_1016 = tpu.vector_load %arg5[%get3A_1013, %get3A_1014, %get3A_1015] {strides = array<i32>} : memref<64x2x128xi32, #tpu.memory_space<vmem>>, vector<16xi32>,
    %add3A_1017 = vector.broadcast %mul3A_44 : i32 to vector<16xi32>
    %add3A_1018 = arith.addi %get3A_1016, %add3A_1017 : vector<16xi32>
    %mul3A_1019 = arith.constant 2 : i32
    %mul3A_1020 = vector.broadcast %mul3A_1019 : i32 to vector<16xi32>
    %mul3A_1021 = arith.muli %mul3A_1020, %iota3A : vector<16xi32>
    %add3A_1022 = arith.constant 97 : i32
    %add3A_1023 = vector.broadcast %add3A_1022 : i32 to vector<16xi32>
    %add3A_1024 = arith.addi %mul3A_1021, %add3A_1023 : vector<16xi32>
    %broadcast_in_dim3A_1025 = arith.constant 6 : i32
    %broadcast_in_dim3A_1026 = vector.broadcast %broadcast_in_dim3A_1025 : i32 to vector<16xi32>
    tpu.vector_store_idx %arg6[%broadcast_in_dim3A_1026, %add3A_1024], %add3A_1018 : memref<8x128xi32, #tpu.memory_space<vmem>>[vector<16xi32>, vector<16xi32>], vector<16xi32>,
    %get3A_1027 = arith.constant 3 : i32
    %get3A_1028 = arith.constant 1 : i32
    %get3A_1029 = arith.index_cast %get3A_1027 : i32 to index
    %get3A_1030 = arith.index_cast %get3A_1028 : i32 to index
    %get3A_1031 = arith.constant 64 : index
    %get3A_1032 = tpu.vector_load %arg5[%get3A_1029, %get3A_1030, %get3A_1031] {strides = array<i32>} : memref<64x2x128xi32, #tpu.memory_space<vmem>>, vector<16xi32>,
    %add3A_1033 = vector.broadcast %mul3A_44 : i32 to vector<16xi32>
    %add3A_1034 = arith.addi %get3A_1032, %add3A_1033 : vector<16xi32>
    %mul3A_1035 = arith.constant 2 : i32
    %mul3A_1036 = vector.broadcast %mul3A_1035 : i32 to vector<16xi32>
    %mul3A_1037 = arith.muli %mul3A_1036, %iota3A : vector<16xi32>
    %add3A_1038 = arith.constant 1 : i32
    %add3A_1039 = vector.broadcast %add3A_1038 : i32 to vector<16xi32>
    %add3A_1040 = arith.addi %mul3A_1037, %add3A_1039 : vector<16xi32>
    %broadcast_in_dim3A_1041 = arith.constant 7 : i32
    %broadcast_in_dim3A_1042 = vector.broadcast %broadcast_in_dim3A_1041 : i32 to vector<16xi32>
    tpu.vector_store_idx %arg6[%broadcast_in_dim3A_1042, %add3A_1040], %add3A_1034 : memref<8x128xi32, #tpu.memory_space<vmem>>[vector<16xi32>, vector<16xi32>], vector<16xi32>,
    %get3A_1043 = arith.constant 3 : i32
    %get3A_1044 = arith.constant 1 : i32
    %get3A_1045 = arith.index_cast %get3A_1043 : i32 to index
    %get3A_1046 = arith.index_cast %get3A_1044 : i32 to index
    %get3A_1047 = arith.constant 80 : index
    %get3A_1048 = tpu.vector_load %arg5[%get3A_1045, %get3A_1046, %get3A_1047] {strides = array<i32>} : memref<64x2x128xi32, #tpu.memory_space<vmem>>, vector<16xi32>,
    %add3A_1049 = vector.broadcast %mul3A_44 : i32 to vector<16xi32>
    %add3A_1050 = arith.addi %get3A_1048, %add3A_1049 : vector<16xi32>
    %mul3A_1051 = arith.constant 2 : i32
    %mul3A_1052 = vector.broadcast %mul3A_1051 : i32 to vector<16xi32>
    %mul3A_1053 = arith.muli %mul3A_1052, %iota3A : vector<16xi32>
    %add3A_1054 = arith.constant 33 : i32
    %add3A_1055 = vector.broadcast %add3A_1054 : i32 to vector<16xi32>
    %add3A_1056 = arith.addi %mul3A_1053, %add3A_1055 : vector<16xi32>
    %broadcast_in_dim3A_1057 = arith.constant 7 : i32
    %broadcast_in_dim3A_1058 = vector.broadcast %broadcast_in_dim3A_1057 : i32 to vector<16xi32>
    tpu.vector_store_idx %arg6[%broadcast_in_dim3A_1058, %add3A_1056], %add3A_1050 : memref<8x128xi32, #tpu.memory_space<vmem>>[vector<16xi32>, vector<16xi32>], vector<16xi32>,
    %get3A_1059 = arith.constant 3 : i32
    %get3A_1060 = arith.constant 1 : i32
    %get3A_1061 = arith.index_cast %get3A_1059 : i32 to index
    %get3A_1062 = arith.index_cast %get3A_1060 : i32 to index
    %get3A_1063 = arith.constant 96 : index
    %get3A_1064 = tpu.vector_load %arg5[%get3A_1061, %get3A_1062, %get3A_1063] {strides = array<i32>} : memref<64x2x128xi32, #tpu.memory_space<vmem>>, vector<16xi32>,
    %add3A_1065 = vector.broadcast %mul3A_44 : i32 to vector<16xi32>
    %add3A_1066 = arith.addi %get3A_1064, %add3A_1065 : vector<16xi32>
    %mul3A_1067 = arith.constant 2 : i32
    %mul3A_1068 = vector.broadcast %mul3A_1067 : i32 to vector<16xi32>
    %mul3A_1069 = arith.muli %mul3A_1068, %iota3A : vector<16xi32>
    %add3A_1070 = arith.constant 65 : i32
    %add3A_1071 = vector.broadcast %add3A_1070 : i32 to vector<16xi32>
    %add3A_1072 = arith.addi %mul3A_1069, %add3A_1071 : vector<16xi32>
    %broadcast_in_dim3A_1073 = arith.constant 7 : i32
    %broadcast_in_dim3A_1074 = vector.broadcast %broadcast_in_dim3A_1073 : i32 to vector<16xi32>
    tpu.vector_store_idx %arg6[%broadcast_in_dim3A_1074, %add3A_1072], %add3A_1066 : memref<8x128xi32, #tpu.memory_space<vmem>>[vector<16xi32>, vector<16xi32>], vector<16xi32>,
    %get3A_1075 = arith.constant 3 : i32
    %get3A_1076 = arith.constant 1 : i32
    %get3A_1077 = arith.index_cast %get3A_1075 : i32 to index
    %get3A_1078 = arith.index_cast %get3A_1076 : i32 to index
    %get3A_1079 = arith.constant 112 : index
    %get3A_1080 = tpu.vector_load %arg5[%get3A_1077, %get3A_1078, %get3A_1079] {strides = array<i32>} : memref<64x2x128xi32, #tpu.memory_space<vmem>>, vector<16xi32>,
    %add3A_1081 = vector.broadcast %mul3A_44 : i32 to vector<16xi32>
    %add3A_1082 = arith.addi %get3A_1080, %add3A_1081 : vector<16xi32>
    %mul3A_1083 = arith.constant 2 : i32
    %mul3A_1084 = vector.broadcast %mul3A_1083 : i32 to vector<16xi32>
    %mul3A_1085 = arith.muli %mul3A_1084, %iota3A : vector<16xi32>
    %add3A_1086 = arith.constant 97 : i32
    %add3A_1087 = vector.broadcast %add3A_1086 : i32 to vector<16xi32>
    %add3A_1088 = arith.addi %mul3A_1085, %add3A_1087 : vector<16xi32>
    %broadcast_in_dim3A_1089 = arith.constant 7 : i32
    %broadcast_in_dim3A_1090 = vector.broadcast %broadcast_in_dim3A_1089 : i32 to vector<16xi32>
    tpu.vector_store_idx %arg6[%broadcast_in_dim3A_1090, %add3A_1088], %add3A_1082 : memref<8x128xi32, #tpu.memory_space<vmem>>[vector<16xi32>, vector<16xi32>], vector<16xi32>,
    %scan3A = arith.constant 0 : i32
    %scan3A_1091 = arith.constant 16 : i32
    %scan3A_1092 = arith.addi %scan3A, %scan3A_1091 : i32
    %scan3A_1093 = arith.constant 1 : i32
    scf.for %scan3A_1196 = %scan3A to %scan3A_1092 step %scan3A_1093  : i32 {
      %mul3A_1197 = arith.constant 2 : i32
      %mul3A_1198 = arith.muli %mul3A_1197, %scan3A_1196 : i32
      %mul3A_1199 = arith.constant 65536 : i32
      %mul3A_1200 = arith.muli %select_n3A, %mul3A_1199 : i32
      %add3A_1201 = arith.constant 65536 : i32
      %add3A_1202 = arith.addi %add3A_1201, %mul3A_1200 : i32
      %add3A_1203 = arith.addi %add3A_1202, %mul3A_32 : i32
      %mul3A_1204 = arith.constant 256 : i32
      %mul3A_1205 = arith.muli %mul3A_1198, %mul3A_1204 : i32
      %add3A_1206 = arith.addi %add3A_1203, %mul3A_1205 : i32
      %jit3A_1207 = arith.constant 64 : i32
      %div3A_1208 = arith.divsi %add3A_1206, %jit3A_1207 : i32
      %sign3A_1209 = arith.constant 0 : i32
      %sign3A_1210 = arith.cmpi sgt, %add3A_1206, %sign3A_1209 : i32
      %sign3A_1211 = arith.extui %sign3A_1210 : i1 to i32
      %sign3A_1212 = arith.constant 0 : i32
      %sign3A_1213 = arith.cmpi slt, %add3A_1206, %sign3A_1212 : i32
      %sign3A_1214 = arith.extui %sign3A_1213 : i1 to i32
      %sign3A_1215 = arith.subi %sign3A_1211, %sign3A_1214 : i32
      %sign3A_1216 = arith.constant 0 : i32
      %sign3A_1217 = arith.cmpi sgt, %jit3A_1207, %sign3A_1216 : i32
      %sign3A_1218 = arith.extui %sign3A_1217 : i1 to i32
      %sign3A_1219 = arith.constant 0 : i32
      %sign3A_1220 = arith.cmpi slt, %jit3A_1207, %sign3A_1219 : i32
      %sign3A_1221 = arith.extui %sign3A_1220 : i1 to i32
      %sign3A_1222 = arith.subi %sign3A_1218, %sign3A_1221 : i32
      %ne3A_1223 = arith.cmpi ne, %sign3A_1215, %sign3A_1222 : i32
      %rem3A_1224 = arith.remsi %add3A_1206, %jit3A_1207 : i32
      %ne3A_1225 = arith.constant 0 : i32
      %ne3A_1226 = arith.cmpi ne, %rem3A_1224, %ne3A_1225 : i32
      %and3A_1227 = arith.andi %ne3A_1223, %ne3A_1226 : i1
      %sub3A_1228 = arith.constant 1 : i32
      %sub3A_1229 = arith.subi %div3A_1208, %sub3A_1228 : i32
      %select_n3A_1230 = arith.select %and3A_1227, %sub3A_1229, %div3A_1208 : i32
      %add3A_1231 = arith.constant 1 : i32
      %add3A_1232 = arith.addi %mul3A_1198, %add3A_1231 : i32
      %mul3A_1233 = arith.constant 65536 : i32
      %mul3A_1234 = arith.muli %select_n3A, %mul3A_1233 : i32
      %add3A_1235 = arith.constant 65536 : i32
      %add3A_1236 = arith.addi %add3A_1235, %mul3A_1234 : i32
      %add3A_1237 = arith.addi %add3A_1236, %mul3A_32 : i32
      %mul3A_1238 = arith.constant 256 : i32
      %mul3A_1239 = arith.muli %add3A_1232, %mul3A_1238 : i32
      %add3A_1240 = arith.addi %add3A_1237, %mul3A_1239 : i32
      %jit3A_1241 = arith.constant 64 : i32
      %div3A_1242 = arith.divsi %add3A_1240, %jit3A_1241 : i32
      %sign3A_1243 = arith.constant 0 : i32
      %sign3A_1244 = arith.cmpi sgt, %add3A_1240, %sign3A_1243 : i32
      %sign3A_1245 = arith.extui %sign3A_1244 : i1 to i32
      %sign3A_1246 = arith.constant 0 : i32
      %sign3A_1247 = arith.cmpi slt, %add3A_1240, %sign3A_1246 : i32
      %sign3A_1248 = arith.extui %sign3A_1247 : i1 to i32
      %sign3A_1249 = arith.subi %sign3A_1245, %sign3A_1248 : i32
      %sign3A_1250 = arith.constant 0 : i32
      %sign3A_1251 = arith.cmpi sgt, %jit3A_1241, %sign3A_1250 : i32
      %sign3A_1252 = arith.extui %sign3A_1251 : i1 to i32
      %sign3A_1253 = arith.constant 0 : i32
      %sign3A_1254 = arith.cmpi slt, %jit3A_1241, %sign3A_1253 : i32
      %sign3A_1255 = arith.extui %sign3A_1254 : i1 to i32
      %sign3A_1256 = arith.subi %sign3A_1252, %sign3A_1255 : i32
      %ne3A_1257 = arith.cmpi ne, %sign3A_1249, %sign3A_1256 : i32
      %rem3A_1258 = arith.remsi %add3A_1240, %jit3A_1241 : i32
      %ne3A_1259 = arith.constant 0 : i32
      %ne3A_1260 = arith.cmpi ne, %rem3A_1258, %ne3A_1259 : i32
      %and3A_1261 = arith.andi %ne3A_1257, %ne3A_1260 : i1
      %sub3A_1262 = arith.constant 1 : i32
      %sub3A_1263 = arith.subi %div3A_1242, %sub3A_1262 : i32
      %select_n3A_1264 = arith.select %and3A_1261, %sub3A_1263, %div3A_1242 : i32
      %ge3A = arith.constant 2 : i32
      %ge3A_1265 = arith.cmpi sge, %mul3A_1198, %ge3A : i32
      %convert_element_type3A = arith.extui %ge3A_1265 : i1 to i32
      %cond3A = arith.constant 0 : i32
      %cond3A_1266 = arith.cmpi ne, %convert_element_type3A, %cond3A : i32
      scf.if %cond3A_1266 {
        %dma_wait3A_1526 = arith.constant 0 : i32
        %dma_wait3A_1527 = arith.constant 0 : i32
        %dma_wait3A_1528 = arith.constant 0 : i32
        %dma_wait3A_1529 = arith.constant 0 : i32
        %dma_wait3A_1530 = arith.constant 0 : i32
        %dma_wait3A_1531 = tpu.memref_slice %arg7[%dma_wait3A_1526, %dma_wait3A_1528, %dma_wait3A_1529, %dma_wait3A_1530] : memref<2x4x128x64xf32, #tpu.memory_space<vmem>> -> memref<1x4x128x64xf32, #tpu.memory_space<vmem>>
        %dma_wait3A_1532 = tpu.memref_squeeze %dma_wait3A_1531 : memref<1x4x128x64xf32, #tpu.memory_space<vmem>> -> memref<4x128x64xf32, #tpu.memory_space<vmem>>
        %dma_wait3A_1533 = arith.constant 0 : i32
        %dma_wait3A_1534 = arith.constant 0 : i32
        %dma_wait3A_1535 = tpu.memref_slice %arg4[%select_n3A_1230, %dma_wait3A_1533, %dma_wait3A_1534] : memref<5120x128x64xf32, #tpu.memory_space<hbm>> -> memref<4x128x64xf32, #tpu.memory_space<hbm>>
        %dma_wait3A_1536 = tpu.memref_slice %arg9[%dma_wait3A_1527] : memref<2x!tpu.dma_semaphore, #tpu.memory_space<semaphore_mem>> -> memref<1x!tpu.dma_semaphore, #tpu.memory_space<semaphore_mem>>
        %dma_wait3A_1537 = tpu.memref_squeeze %dma_wait3A_1536 : memref<1x!tpu.dma_semaphore, #tpu.memory_space<semaphore_mem>> -> memref<!tpu.dma_semaphore, #tpu.memory_space<semaphore_mem>>
        %dma_wait3A_1538 = arith.constant 0 : i32
        %dma_wait3A_1539 = arith.constant 0 : i32
        %dma_wait3A_1540 = tpu.memref_slice %arg4[%select_n3A_1230, %dma_wait3A_1538, %dma_wait3A_1539] : memref<5120x128x64xf32, #tpu.memory_space<hbm>> -> memref<4x128x64xf32, #tpu.memory_space<hbm>>
        %dma_wait3A_1541 = arith.constant 0 : i32
        %dma_wait3A_1542 = arith.constant 0 : i32
        %dma_wait3A_1543 = arith.constant 0 : i32
        %dma_wait3A_1544 = tpu.memref_slice %arg7[%dma_wait3A_1526, %dma_wait3A_1541, %dma_wait3A_1542, %dma_wait3A_1543] : memref<2x4x128x64xf32, #tpu.memory_space<vmem>> -> memref<1x4x128x64xf32, #tpu.memory_space<vmem>>
        %dma_wait3A_1545 = tpu.memref_squeeze %dma_wait3A_1544 : memref<1x4x128x64xf32, #tpu.memory_space<vmem>> -> memref<4x128x64xf32, #tpu.memory_space<vmem>>
        tpu.wait_dma2 semaphore(%dma_wait3A_1537 : memref<!tpu.dma_semaphore, #tpu.memory_space<semaphore_mem>>) src(%dma_wait3A_1545 : memref<4x128x64xf32, #tpu.memory_space<vmem>>) dst(%dma_wait3A_1540 : memref<4x128x64xf32, #tpu.memory_space<hbm>>)
      } else {
      }
      %dma_start3A = arith.constant 0 : i32
      %dma_start3A_1267 = arith.constant 0 : i32
      %dma_start3A_1268 = arith.constant 0 : i32
      %dma_start3A_1269 = arith.constant 0 : i32
      %dma_start3A_1270 = arith.constant 0 : i32
      %dma_start3A_1271 = tpu.memref_slice %arg7[%dma_start3A_1267, %dma_start3A_1268, %dma_start3A_1269, %dma_start3A_1270] : memref<2x4x128x64xf32, #tpu.memory_space<vmem>> -> memref<1x1x128x64xf32, #tpu.memory_space<vmem>>
      %dma_start3A_1272 = tpu.memref_squeeze %dma_start3A_1271 : memref<1x1x128x64xf32, #tpu.memory_space<vmem>> -> memref<128x64xf32, #tpu.memory_space<vmem>>
      %dma_start3A_1273 = arith.constant 0 : i32
      %dma_start3A_1274 = tpu.memref_slice %arg6[%dma_start3A, %dma_start3A_1273] : memref<8x128xi32, #tpu.memory_space<vmem>> -> memref<1x128xi32, #tpu.memory_space<vmem>>
      %dma_start3A_1275 = tpu.memref_squeeze %dma_start3A_1274 : memref<1x128xi32, #tpu.memory_space<vmem>> -> memref<128xi32, #tpu.memory_space<vmem>>
      %dma_start3A_1276 = arith.constant 0 : i32
      %dma_start3A_1277 = arith.constant 0 : i32
      %dma_start3A_1278 = tpu.memref_slice %arg2[%dma_start3A_1276, %dma_start3A_1277] : memref<65536x64xf32, #tpu.memory_space<hbm>> -> memref<65536x64xf32, #tpu.memory_space<hbm>>
      tpu.enqueue_indirect_dma source(%dma_start3A_1278 : memref<65536x64xf32, #tpu.memory_space<hbm>>) target(%dma_start3A_1272 : memref<128x64xf32, #tpu.memory_space<vmem>>) offsets(%dma_start3A_1275 : memref<128xi32, #tpu.memory_space<vmem>>) semaphore(%arg8 : memref<!tpu.dma_semaphore, #tpu.memory_space<semaphore_mem>>)
      %dma_start3A_1279 = arith.constant 1 : i32
      %dma_start3A_1280 = arith.constant 0 : i32
      %dma_start3A_1281 = arith.constant 1 : i32
      %dma_start3A_1282 = arith.constant 0 : i32
      %dma_start3A_1283 = arith.constant 0 : i32
      %dma_start3A_1284 = tpu.memref_slice %arg7[%dma_start3A_1280, %dma_start3A_1281, %dma_start3A_1282, %dma_start3A_1283] : memref<2x4x128x64xf32, #tpu.memory_space<vmem>> -> memref<1x1x128x64xf32, #tpu.memory_space<vmem>>
      %dma_start3A_1285 = tpu.memref_squeeze %dma_start3A_1284 : memref<1x1x128x64xf32, #tpu.memory_space<vmem>> -> memref<128x64xf32, #tpu.memory_space<vmem>>
      %dma_start3A_1286 = arith.constant 0 : i32
      %dma_start3A_1287 = tpu.memref_slice %arg6[%dma_start3A_1279, %dma_start3A_1286] : memref<8x128xi32, #tpu.memory_space<vmem>> -> memref<1x128xi32, #tpu.memory_space<vmem>>
      %dma_start3A_1288 = tpu.memref_squeeze %dma_start3A_1287 : memref<1x128xi32, #tpu.memory_space<vmem>> -> memref<128xi32, #tpu.memory_space<vmem>>
      %dma_start3A_1289 = arith.constant 0 : i32
      %dma_start3A_1290 = arith.constant 0 : i32
      %dma_start3A_1291 = tpu.memref_slice %arg2[%dma_start3A_1289, %dma_start3A_1290] : memref<65536x64xf32, #tpu.memory_space<hbm>> -> memref<65536x64xf32, #tpu.memory_space<hbm>>
      tpu.enqueue_indirect_dma source(%dma_start3A_1291 : memref<65536x64xf32, #tpu.memory_space<hbm>>) target(%dma_start3A_1285 : memref<128x64xf32, #tpu.memory_space<vmem>>) offsets(%dma_start3A_1288 : memref<128xi32, #tpu.memory_space<vmem>>) semaphore(%arg8 : memref<!tpu.dma_semaphore, #tpu.memory_space<semaphore_mem>>)
      %dma_start3A_1292 = arith.constant 2 : i32
      %dma_start3A_1293 = arith.constant 0 : i32
      %dma_start3A_1294 = arith.constant 2 : i32
      %dma_start3A_1295 = arith.constant 0 : i32
      %dma_start3A_1296 = arith.constant 0 : i32
      %dma_start3A_1297 = tpu.memref_slice %arg7[%dma_start3A_1293, %dma_start3A_1294, %dma_start3A_1295, %dma_start3A_1296] : memref<2x4x128x64xf32, #tpu.memory_space<vmem>> -> memref<1x1x128x64xf32, #tpu.memory_space<vmem>>
      %dma_start3A_1298 = tpu.memref_squeeze %dma_start3A_1297 : memref<1x1x128x64xf32, #tpu.memory_space<vmem>> -> memref<128x64xf32, #tpu.memory_space<vmem>>
      %dma_start3A_1299 = arith.constant 0 : i32
      %dma_start3A_1300 = tpu.memref_slice %arg6[%dma_start3A_1292, %dma_start3A_1299] : memref<8x128xi32, #tpu.memory_space<vmem>> -> memref<1x128xi32, #tpu.memory_space<vmem>>
      %dma_start3A_1301 = tpu.memref_squeeze %dma_start3A_1300 : memref<1x128xi32, #tpu.memory_space<vmem>> -> memref<128xi32, #tpu.memory_space<vmem>>
      %dma_start3A_1302 = arith.constant 0 : i32
      %dma_start3A_1303 = arith.constant 0 : i32
      %dma_start3A_1304 = tpu.memref_slice %arg2[%dma_start3A_1302, %dma_start3A_1303] : memref<65536x64xf32, #tpu.memory_space<hbm>> -> memref<65536x64xf32, #tpu.memory_space<hbm>>
      tpu.enqueue_indirect_dma source(%dma_start3A_1304 : memref<65536x64xf32, #tpu.memory_space<hbm>>) target(%dma_start3A_1298 : memref<128x64xf32, #tpu.memory_space<vmem>>) offsets(%dma_start3A_1301 : memref<128xi32, #tpu.memory_space<vmem>>) semaphore(%arg8 : memref<!tpu.dma_semaphore, #tpu.memory_space<semaphore_mem>>)
      %dma_start3A_1305 = arith.constant 3 : i32
      %dma_start3A_1306 = arith.constant 0 : i32
      %dma_start3A_1307 = arith.constant 3 : i32
      %dma_start3A_1308 = arith.constant 0 : i32
      %dma_start3A_1309 = arith.constant 0 : i32
      %dma_start3A_1310 = tpu.memref_slice %arg7[%dma_start3A_1306, %dma_start3A_1307, %dma_start3A_1308, %dma_start3A_1309] : memref<2x4x128x64xf32, #tpu.memory_space<vmem>> -> memref<1x1x128x64xf32, #tpu.memory_space<vmem>>
      %dma_start3A_1311 = tpu.memref_squeeze %dma_start3A_1310 : memref<1x1x128x64xf32, #tpu.memory_space<vmem>> -> memref<128x64xf32, #tpu.memory_space<vmem>>
      %dma_start3A_1312 = arith.constant 0 : i32
      %dma_start3A_1313 = tpu.memref_slice %arg6[%dma_start3A_1305, %dma_start3A_1312] : memref<8x128xi32, #tpu.memory_space<vmem>> -> memref<1x128xi32, #tpu.memory_space<vmem>>
      %dma_start3A_1314 = tpu.memref_squeeze %dma_start3A_1313 : memref<1x128xi32, #tpu.memory_space<vmem>> -> memref<128xi32, #tpu.memory_space<vmem>>
      %dma_start3A_1315 = arith.constant 0 : i32
      %dma_start3A_1316 = arith.constant 0 : i32
      %dma_start3A_1317 = tpu.memref_slice %arg2[%dma_start3A_1315, %dma_start3A_1316] : memref<65536x64xf32, #tpu.memory_space<hbm>> -> memref<65536x64xf32, #tpu.memory_space<hbm>>
      tpu.enqueue_indirect_dma source(%dma_start3A_1317 : memref<65536x64xf32, #tpu.memory_space<hbm>>) target(%dma_start3A_1311 : memref<128x64xf32, #tpu.memory_space<vmem>>) offsets(%dma_start3A_1314 : memref<128xi32, #tpu.memory_space<vmem>>) semaphore(%arg8 : memref<!tpu.dma_semaphore, #tpu.memory_space<semaphore_mem>>)
      %ge3A_1318 = arith.constant 2 : i32
      %ge3A_1319 = arith.cmpi sge, %mul3A_1198, %ge3A_1318 : i32
      %convert_element_type3A_1320 = arith.extui %ge3A_1319 : i1 to i32
      %cond3A_1321 = arith.constant 0 : i32
      %cond3A_1322 = arith.cmpi ne, %convert_element_type3A_1320, %cond3A_1321 : i32
      scf.if %cond3A_1322 {
        %dma_wait3A_1526 = arith.constant 1 : i32
        %dma_wait3A_1527 = arith.constant 1 : i32
        %dma_wait3A_1528 = arith.constant 0 : i32
        %dma_wait3A_1529 = arith.constant 0 : i32
        %dma_wait3A_1530 = arith.constant 0 : i32
        %dma_wait3A_1531 = tpu.memref_slice %arg7[%dma_wait3A_1526, %dma_wait3A_1528, %dma_wait3A_1529, %dma_wait3A_1530] : memref<2x4x128x64xf32, #tpu.memory_space<vmem>> -> memref<1x4x128x64xf32, #tpu.memory_space<vmem>>
        %dma_wait3A_1532 = tpu.memref_squeeze %dma_wait3A_1531 : memref<1x4x128x64xf32, #tpu.memory_space<vmem>> -> memref<4x128x64xf32, #tpu.memory_space<vmem>>
        %dma_wait3A_1533 = arith.constant 0 : i32
        %dma_wait3A_1534 = arith.constant 0 : i32
        %dma_wait3A_1535 = tpu.memref_slice %arg4[%select_n3A_1264, %dma_wait3A_1533, %dma_wait3A_1534] : memref<5120x128x64xf32, #tpu.memory_space<hbm>> -> memref<4x128x64xf32, #tpu.memory_space<hbm>>
        %dma_wait3A_1536 = tpu.memref_slice %arg9[%dma_wait3A_1527] : memref<2x!tpu.dma_semaphore, #tpu.memory_space<semaphore_mem>> -> memref<1x!tpu.dma_semaphore, #tpu.memory_space<semaphore_mem>>
        %dma_wait3A_1537 = tpu.memref_squeeze %dma_wait3A_1536 : memref<1x!tpu.dma_semaphore, #tpu.memory_space<semaphore_mem>> -> memref<!tpu.dma_semaphore, #tpu.memory_space<semaphore_mem>>
        %dma_wait3A_1538 = arith.constant 0 : i32
        %dma_wait3A_1539 = arith.constant 0 : i32
        %dma_wait3A_1540 = tpu.memref_slice %arg4[%select_n3A_1264, %dma_wait3A_1538, %dma_wait3A_1539] : memref<5120x128x64xf32, #tpu.memory_space<hbm>> -> memref<4x128x64xf32, #tpu.memory_space<hbm>>
        %dma_wait3A_1541 = arith.constant 0 : i32
        %dma_wait3A_1542 = arith.constant 0 : i32
        %dma_wait3A_1543 = arith.constant 0 : i32
        %dma_wait3A_1544 = tpu.memref_slice %arg7[%dma_wait3A_1526, %dma_wait3A_1541, %dma_wait3A_1542, %dma_wait3A_1543] : memref<2x4x128x64xf32, #tpu.memory_space<vmem>> -> memref<1x4x128x64xf32, #tpu.memory_space<vmem>>
        %dma_wait3A_1545 = tpu.memref_squeeze %dma_wait3A_1544 : memref<1x4x128x64xf32, #tpu.memory_space<vmem>> -> memref<4x128x64xf32, #tpu.memory_space<vmem>>
        tpu.wait_dma2 semaphore(%dma_wait3A_1537 : memref<!tpu.dma_semaphore, #tpu.memory_space<semaphore_mem>>) src(%dma_wait3A_1545 : memref<4x128x64xf32, #tpu.memory_space<vmem>>) dst(%dma_wait3A_1540 : memref<4x128x64xf32, #tpu.memory_space<hbm>>)
      } else {
      }
      %dma_start3A_1323 = arith.constant 4 : i32
      %dma_start3A_1324 = arith.constant 1 : i32
      %dma_start3A_1325 = arith.constant 0 : i32
      %dma_start3A_1326 = arith.constant 0 : i32
      %dma_start3A_1327 = arith.constant 0 : i32
      %dma_start3A_1328 = tpu.memref_slice %arg7[%dma_start3A_1324, %dma_start3A_1325, %dma_start3A_1326, %dma_start3A_1327] : memref<2x4x128x64xf32, #tpu.memory_space<vmem>> -> memref<1x1x128x64xf32, #tpu.memory_space<vmem>>
      %dma_start3A_1329 = tpu.memref_squeeze %dma_start3A_1328 : memref<1x1x128x64xf32, #tpu.memory_space<vmem>> -> memref<128x64xf32, #tpu.memory_space<vmem>>
      %dma_start3A_1330 = arith.constant 0 : i32
      %dma_start3A_1331 = tpu.memref_slice %arg6[%dma_start3A_1323, %dma_start3A_1330] : memref<8x128xi32, #tpu.memory_space<vmem>> -> memref<1x128xi32, #tpu.memory_space<vmem>>
      %dma_start3A_1332 = tpu.memref_squeeze %dma_start3A_1331 : memref<1x128xi32, #tpu.memory_space<vmem>> -> memref<128xi32, #tpu.memory_space<vmem>>
      %dma_start3A_1333 = arith.constant 0 : i32
      %dma_start3A_1334 = arith.constant 0 : i32
      %dma_start3A_1335 = tpu.memref_slice %arg2[%dma_start3A_1333, %dma_start3A_1334] : memref<65536x64xf32, #tpu.memory_space<hbm>> -> memref<65536x64xf32, #tpu.memory_space<hbm>>
      tpu.enqueue_indirect_dma source(%dma_start3A_1335 : memref<65536x64xf32, #tpu.memory_space<hbm>>) target(%dma_start3A_1329 : memref<128x64xf32, #tpu.memory_space<vmem>>) offsets(%dma_start3A_1332 : memref<128xi32, #tpu.memory_space<vmem>>) semaphore(%arg8 : memref<!tpu.dma_semaphore, #tpu.memory_space<semaphore_mem>>)
      %dma_start3A_1336 = arith.constant 5 : i32
      %dma_start3A_1337 = arith.constant 1 : i32
      %dma_start3A_1338 = arith.constant 1 : i32
      %dma_start3A_1339 = arith.constant 0 : i32
      %dma_start3A_1340 = arith.constant 0 : i32
      %dma_start3A_1341 = tpu.memref_slice %arg7[%dma_start3A_1337, %dma_start3A_1338, %dma_start3A_1339, %dma_start3A_1340] : memref<2x4x128x64xf32, #tpu.memory_space<vmem>> -> memref<1x1x128x64xf32, #tpu.memory_space<vmem>>
      %dma_start3A_1342 = tpu.memref_squeeze %dma_start3A_1341 : memref<1x1x128x64xf32, #tpu.memory_space<vmem>> -> memref<128x64xf32, #tpu.memory_space<vmem>>
      %dma_start3A_1343 = arith.constant 0 : i32
      %dma_start3A_1344 = tpu.memref_slice %arg6[%dma_start3A_1336, %dma_start3A_1343] : memref<8x128xi32, #tpu.memory_space<vmem>> -> memref<1x128xi32, #tpu.memory_space<vmem>>
      %dma_start3A_1345 = tpu.memref_squeeze %dma_start3A_1344 : memref<1x128xi32, #tpu.memory_space<vmem>> -> memref<128xi32, #tpu.memory_space<vmem>>
      %dma_start3A_1346 = arith.constant 0 : i32
      %dma_start3A_1347 = arith.constant 0 : i32
      %dma_start3A_1348 = tpu.memref_slice %arg2[%dma_start3A_1346, %dma_start3A_1347] : memref<65536x64xf32, #tpu.memory_space<hbm>> -> memref<65536x64xf32, #tpu.memory_space<hbm>>
      tpu.enqueue_indirect_dma source(%dma_start3A_1348 : memref<65536x64xf32, #tpu.memory_space<hbm>>) target(%dma_start3A_1342 : memref<128x64xf32, #tpu.memory_space<vmem>>) offsets(%dma_start3A_1345 : memref<128xi32, #tpu.memory_space<vmem>>) semaphore(%arg8 : memref<!tpu.dma_semaphore, #tpu.memory_space<semaphore_mem>>)
      %dma_start3A_1349 = arith.constant 6 : i32
      %dma_start3A_1350 = arith.constant 1 : i32
      %dma_start3A_1351 = arith.constant 2 : i32
      %dma_start3A_1352 = arith.constant 0 : i32
      %dma_start3A_1353 = arith.constant 0 : i32
      %dma_start3A_1354 = tpu.memref_slice %arg7[%dma_start3A_1350, %dma_start3A_1351, %dma_start3A_1352, %dma_start3A_1353] : memref<2x4x128x64xf32, #tpu.memory_space<vmem>> -> memref<1x1x128x64xf32, #tpu.memory_space<vmem>>
      %dma_start3A_1355 = tpu.memref_squeeze %dma_start3A_1354 : memref<1x1x128x64xf32, #tpu.memory_space<vmem>> -> memref<128x64xf32, #tpu.memory_space<vmem>>
      %dma_start3A_1356 = arith.constant 0 : i32
      %dma_start3A_1357 = tpu.memref_slice %arg6[%dma_start3A_1349, %dma_start3A_1356] : memref<8x128xi32, #tpu.memory_space<vmem>> -> memref<1x128xi32, #tpu.memory_space<vmem>>
      %dma_start3A_1358 = tpu.memref_squeeze %dma_start3A_1357 : memref<1x128xi32, #tpu.memory_space<vmem>> -> memref<128xi32, #tpu.memory_space<vmem>>
      %dma_start3A_1359 = arith.constant 0 : i32
      %dma_start3A_1360 = arith.constant 0 : i32
      %dma_start3A_1361 = tpu.memref_slice %arg2[%dma_start3A_1359, %dma_start3A_1360] : memref<65536x64xf32, #tpu.memory_space<hbm>> -> memref<65536x64xf32, #tpu.memory_space<hbm>>
      tpu.enqueue_indirect_dma source(%dma_start3A_1361 : memref<65536x64xf32, #tpu.memory_space<hbm>>) target(%dma_start3A_1355 : memref<128x64xf32, #tpu.memory_space<vmem>>) offsets(%dma_start3A_1358 : memref<128xi32, #tpu.memory_space<vmem>>) semaphore(%arg8 : memref<!tpu.dma_semaphore, #tpu.memory_space<semaphore_mem>>)
      %dma_start3A_1362 = arith.constant 7 : i32
      %dma_start3A_1363 = arith.constant 1 : i32
      %dma_start3A_1364 = arith.constant 3 : i32
      %dma_start3A_1365 = arith.constant 0 : i32
      %dma_start3A_1366 = arith.constant 0 : i32
      %dma_start3A_1367 = tpu.memref_slice %arg7[%dma_start3A_1363, %dma_start3A_1364, %dma_start3A_1365, %dma_start3A_1366] : memref<2x4x128x64xf32, #tpu.memory_space<vmem>> -> memref<1x1x128x64xf32, #tpu.memory_space<vmem>>
      %dma_start3A_1368 = tpu.memref_squeeze %dma_start3A_1367 : memref<1x1x128x64xf32, #tpu.memory_space<vmem>> -> memref<128x64xf32, #tpu.memory_space<vmem>>
      %dma_start3A_1369 = arith.constant 0 : i32
      %dma_start3A_1370 = tpu.memref_slice %arg6[%dma_start3A_1362, %dma_start3A_1369] : memref<8x128xi32, #tpu.memory_space<vmem>> -> memref<1x128xi32, #tpu.memory_space<vmem>>
      %dma_start3A_1371 = tpu.memref_squeeze %dma_start3A_1370 : memref<1x128xi32, #tpu.memory_space<vmem>> -> memref<128xi32, #tpu.memory_space<vmem>>
      %dma_start3A_1372 = arith.constant 0 : i32
      %dma_start3A_1373 = arith.constant 0 : i32
      %dma_start3A_1374 = tpu.memref_slice %arg2[%dma_start3A_1372, %dma_start3A_1373] : memref<65536x64xf32, #tpu.memory_space<hbm>> -> memref<65536x64xf32, #tpu.memory_space<hbm>>
      tpu.enqueue_indirect_dma source(%dma_start3A_1374 : memref<65536x64xf32, #tpu.memory_space<hbm>>) target(%dma_start3A_1368 : memref<128x64xf32, #tpu.memory_space<vmem>>) offsets(%dma_start3A_1371 : memref<128xi32, #tpu.memory_space<vmem>>) semaphore(%arg8 : memref<!tpu.dma_semaphore, #tpu.memory_space<semaphore_mem>>)
      %dma_wait3A_1375 = arith.constant 0 : i32
      %dma_wait3A_1376 = arith.constant 0 : i32
      %dma_wait3A_1377 = arith.constant 0 : i32
      %dma_wait3A_1378 = arith.constant 0 : i32
      %dma_wait3A_1379 = arith.constant 0 : i32
      %dma_wait3A_1380 = tpu.memref_slice %arg7[%dma_wait3A_1376, %dma_wait3A_1377, %dma_wait3A_1378, %dma_wait3A_1379] : memref<2x4x128x64xf32, #tpu.memory_space<vmem>> -> memref<1x1x128x64xf32, #tpu.memory_space<vmem>>
      %dma_wait3A_1381 = tpu.memref_squeeze %dma_wait3A_1380 : memref<1x1x128x64xf32, #tpu.memory_space<vmem>> -> memref<128x64xf32, #tpu.memory_space<vmem>>
      %dma_wait3A_1382 = arith.constant 0 : i32
      %dma_wait3A_1383 = tpu.memref_slice %arg6[%dma_wait3A_1375, %dma_wait3A_1382] : memref<8x128xi32, #tpu.memory_space<vmem>> -> memref<1x128xi32, #tpu.memory_space<vmem>>
      %dma_wait3A_1384 = tpu.memref_squeeze %dma_wait3A_1383 : memref<1x128xi32, #tpu.memory_space<vmem>> -> memref<128xi32, #tpu.memory_space<vmem>>
      %dma_wait3A_1385 = arith.constant 0 : i32
      %dma_wait3A_1386 = arith.constant 0 : i32
      %dma_wait3A_1387 = tpu.memref_slice %arg2[%dma_wait3A_1385, %dma_wait3A_1386] : memref<65536x64xf32, #tpu.memory_space<hbm>> -> memref<65536x64xf32, #tpu.memory_space<hbm>>
      tpu.wait_indirect_dma semaphore(%arg8 : memref<!tpu.dma_semaphore, #tpu.memory_space<semaphore_mem>>) src(%dma_wait3A_1387 : memref<65536x64xf32, #tpu.memory_space<hbm>>) dst(%dma_wait3A_1381 : memref<128x64xf32, #tpu.memory_space<vmem>>)
      %dma_wait3A_1388 = arith.constant 1 : i32
      %dma_wait3A_1389 = arith.constant 0 : i32
      %dma_wait3A_1390 = arith.constant 1 : i32
      %dma_wait3A_1391 = arith.constant 0 : i32
      %dma_wait3A_1392 = arith.constant 0 : i32
      %dma_wait3A_1393 = tpu.memref_slice %arg7[%dma_wait3A_1389, %dma_wait3A_1390, %dma_wait3A_1391, %dma_wait3A_1392] : memref<2x4x128x64xf32, #tpu.memory_space<vmem>> -> memref<1x1x128x64xf32, #tpu.memory_space<vmem>>
      %dma_wait3A_1394 = tpu.memref_squeeze %dma_wait3A_1393 : memref<1x1x128x64xf32, #tpu.memory_space<vmem>> -> memref<128x64xf32, #tpu.memory_space<vmem>>
      %dma_wait3A_1395 = arith.constant 0 : i32
      %dma_wait3A_1396 = tpu.memref_slice %arg6[%dma_wait3A_1388, %dma_wait3A_1395] : memref<8x128xi32, #tpu.memory_space<vmem>> -> memref<1x128xi32, #tpu.memory_space<vmem>>
      %dma_wait3A_1397 = tpu.memref_squeeze %dma_wait3A_1396 : memref<1x128xi32, #tpu.memory_space<vmem>> -> memref<128xi32, #tpu.memory_space<vmem>>
      %dma_wait3A_1398 = arith.constant 0 : i32
      %dma_wait3A_1399 = arith.constant 0 : i32
      %dma_wait3A_1400 = tpu.memref_slice %arg2[%dma_wait3A_1398, %dma_wait3A_1399] : memref<65536x64xf32, #tpu.memory_space<hbm>> -> memref<65536x64xf32, #tpu.memory_space<hbm>>
      tpu.wait_indirect_dma semaphore(%arg8 : memref<!tpu.dma_semaphore, #tpu.memory_space<semaphore_mem>>) src(%dma_wait3A_1400 : memref<65536x64xf32, #tpu.memory_space<hbm>>) dst(%dma_wait3A_1394 : memref<128x64xf32, #tpu.memory_space<vmem>>)
      %dma_wait3A_1401 = arith.constant 2 : i32
      %dma_wait3A_1402 = arith.constant 0 : i32
      %dma_wait3A_1403 = arith.constant 2 : i32
      %dma_wait3A_1404 = arith.constant 0 : i32
      %dma_wait3A_1405 = arith.constant 0 : i32
      %dma_wait3A_1406 = tpu.memref_slice %arg7[%dma_wait3A_1402, %dma_wait3A_1403, %dma_wait3A_1404, %dma_wait3A_1405] : memref<2x4x128x64xf32, #tpu.memory_space<vmem>> -> memref<1x1x128x64xf32, #tpu.memory_space<vmem>>
      %dma_wait3A_1407 = tpu.memref_squeeze %dma_wait3A_1406 : memref<1x1x128x64xf32, #tpu.memory_space<vmem>> -> memref<128x64xf32, #tpu.memory_space<vmem>>
      %dma_wait3A_1408 = arith.constant 0 : i32
      %dma_wait3A_1409 = tpu.memref_slice %arg6[%dma_wait3A_1401, %dma_wait3A_1408] : memref<8x128xi32, #tpu.memory_space<vmem>> -> memref<1x128xi32, #tpu.memory_space<vmem>>
      %dma_wait3A_1410 = tpu.memref_squeeze %dma_wait3A_1409 : memref<1x128xi32, #tpu.memory_space<vmem>> -> memref<128xi32, #tpu.memory_space<vmem>>
      %dma_wait3A_1411 = arith.constant 0 : i32
      %dma_wait3A_1412 = arith.constant 0 : i32
      %dma_wait3A_1413 = tpu.memref_slice %arg2[%dma_wait3A_1411, %dma_wait3A_1412] : memref<65536x64xf32, #tpu.memory_space<hbm>> -> memref<65536x64xf32, #tpu.memory_space<hbm>>
      tpu.wait_indirect_dma semaphore(%arg8 : memref<!tpu.dma_semaphore, #tpu.memory_space<semaphore_mem>>) src(%dma_wait3A_1413 : memref<65536x64xf32, #tpu.memory_space<hbm>>) dst(%dma_wait3A_1407 : memref<128x64xf32, #tpu.memory_space<vmem>>)
      %dma_wait3A_1414 = arith.constant 3 : i32
      %dma_wait3A_1415 = arith.constant 0 : i32
      %dma_wait3A_1416 = arith.constant 3 : i32
      %dma_wait3A_1417 = arith.constant 0 : i32
      %dma_wait3A_1418 = arith.constant 0 : i32
      %dma_wait3A_1419 = tpu.memref_slice %arg7[%dma_wait3A_1415, %dma_wait3A_1416, %dma_wait3A_1417, %dma_wait3A_1418] : memref<2x4x128x64xf32, #tpu.memory_space<vmem>> -> memref<1x1x128x64xf32, #tpu.memory_space<vmem>>
      %dma_wait3A_1420 = tpu.memref_squeeze %dma_wait3A_1419 : memref<1x1x128x64xf32, #tpu.memory_space<vmem>> -> memref<128x64xf32, #tpu.memory_space<vmem>>
      %dma_wait3A_1421 = arith.constant 0 : i32
      %dma_wait3A_1422 = tpu.memref_slice %arg6[%dma_wait3A_1414, %dma_wait3A_1421] : memref<8x128xi32, #tpu.memory_space<vmem>> -> memref<1x128xi32, #tpu.memory_space<vmem>>
      %dma_wait3A_1423 = tpu.memref_squeeze %dma_wait3A_1422 : memref<1x128xi32, #tpu.memory_space<vmem>> -> memref<128xi32, #tpu.memory_space<vmem>>
      %dma_wait3A_1424 = arith.constant 0 : i32
      %dma_wait3A_1425 = arith.constant 0 : i32
      %dma_wait3A_1426 = tpu.memref_slice %arg2[%dma_wait3A_1424, %dma_wait3A_1425] : memref<65536x64xf32, #tpu.memory_space<hbm>> -> memref<65536x64xf32, #tpu.memory_space<hbm>>
      tpu.wait_indirect_dma semaphore(%arg8 : memref<!tpu.dma_semaphore, #tpu.memory_space<semaphore_mem>>) src(%dma_wait3A_1426 : memref<65536x64xf32, #tpu.memory_space<hbm>>) dst(%dma_wait3A_1420 : memref<128x64xf32, #tpu.memory_space<vmem>>)
      %dma_start3A_1427 = arith.constant 0 : i32
      %dma_start3A_1428 = arith.constant 0 : i32
      %dma_start3A_1429 = arith.constant 0 : i32
      %dma_start3A_1430 = arith.constant 0 : i32
      %dma_start3A_1431 = arith.constant 0 : i32
      %dma_start3A_1432 = tpu.memref_slice %arg7[%dma_start3A_1427, %dma_start3A_1429, %dma_start3A_1430, %dma_start3A_1431] : memref<2x4x128x64xf32, #tpu.memory_space<vmem>> -> memref<1x4x128x64xf32, #tpu.memory_space<vmem>>
      %dma_start3A_1433 = tpu.memref_squeeze %dma_start3A_1432 : memref<1x4x128x64xf32, #tpu.memory_space<vmem>> -> memref<4x128x64xf32, #tpu.memory_space<vmem>>
      %dma_start3A_1434 = arith.constant 0 : i32
      %dma_start3A_1435 = arith.constant 0 : i32
      %dma_start3A_1436 = tpu.memref_slice %arg4[%select_n3A_1230, %dma_start3A_1434, %dma_start3A_1435] : memref<5120x128x64xf32, #tpu.memory_space<hbm>> -> memref<4x128x64xf32, #tpu.memory_space<hbm>>
      %dma_start3A_1437 = tpu.memref_slice %arg9[%dma_start3A_1428] : memref<2x!tpu.dma_semaphore, #tpu.memory_space<semaphore_mem>> -> memref<1x!tpu.dma_semaphore, #tpu.memory_space<semaphore_mem>>
      %dma_start3A_1438 = tpu.memref_squeeze %dma_start3A_1437 : memref<1x!tpu.dma_semaphore, #tpu.memory_space<semaphore_mem>> -> memref<!tpu.dma_semaphore, #tpu.memory_space<semaphore_mem>>
      %dma_start3A_1439 = arith.constant 0 : i32
      %dma_start3A_1440 = arith.constant 0 : i32
      %dma_start3A_1441 = tpu.memref_slice %arg4[%select_n3A_1230, %dma_start3A_1439, %dma_start3A_1440] : memref<5120x128x64xf32, #tpu.memory_space<hbm>> -> memref<4x128x64xf32, #tpu.memory_space<hbm>>
      %dma_start3A_1442 = arith.constant 0 : i32
      %dma_start3A_1443 = arith.constant 0 : i32
      %dma_start3A_1444 = arith.constant 0 : i32
      %dma_start3A_1445 = tpu.memref_slice %arg7[%dma_start3A_1427, %dma_start3A_1442, %dma_start3A_1443, %dma_start3A_1444] : memref<2x4x128x64xf32, #tpu.memory_space<vmem>> -> memref<1x4x128x64xf32, #tpu.memory_space<vmem>>
      %dma_start3A_1446 = tpu.memref_squeeze %dma_start3A_1445 : memref<1x4x128x64xf32, #tpu.memory_space<vmem>> -> memref<4x128x64xf32, #tpu.memory_space<vmem>>
      tpu.enqueue_dma source(%dma_start3A_1446 : memref<4x128x64xf32, #tpu.memory_space<vmem>>) target(%dma_start3A_1441 : memref<4x128x64xf32, #tpu.memory_space<hbm>>) target_semaphore(%dma_start3A_1438 : memref<!tpu.dma_semaphore, #tpu.memory_space<semaphore_mem>>)
      %dma_wait3A_1447 = arith.constant 4 : i32
      %dma_wait3A_1448 = arith.constant 1 : i32
      %dma_wait3A_1449 = arith.constant 0 : i32
      %dma_wait3A_1450 = arith.constant 0 : i32
      %dma_wait3A_1451 = arith.constant 0 : i32
      %dma_wait3A_1452 = tpu.memref_slice %arg7[%dma_wait3A_1448, %dma_wait3A_1449, %dma_wait3A_1450, %dma_wait3A_1451] : memref<2x4x128x64xf32, #tpu.memory_space<vmem>> -> memref<1x1x128x64xf32, #tpu.memory_space<vmem>>
      %dma_wait3A_1453 = tpu.memref_squeeze %dma_wait3A_1452 : memref<1x1x128x64xf32, #tpu.memory_space<vmem>> -> memref<128x64xf32, #tpu.memory_space<vmem>>
      %dma_wait3A_1454 = arith.constant 0 : i32
      %dma_wait3A_1455 = tpu.memref_slice %arg6[%dma_wait3A_1447, %dma_wait3A_1454] : memref<8x128xi32, #tpu.memory_space<vmem>> -> memref<1x128xi32, #tpu.memory_space<vmem>>
      %dma_wait3A_1456 = tpu.memref_squeeze %dma_wait3A_1455 : memref<1x128xi32, #tpu.memory_space<vmem>> -> memref<128xi32, #tpu.memory_space<vmem>>
      %dma_wait3A_1457 = arith.constant 0 : i32
      %dma_wait3A_1458 = arith.constant 0 : i32
      %dma_wait3A_1459 = tpu.memref_slice %arg2[%dma_wait3A_1457, %dma_wait3A_1458] : memref<65536x64xf32, #tpu.memory_space<hbm>> -> memref<65536x64xf32, #tpu.memory_space<hbm>>
      tpu.wait_indirect_dma semaphore(%arg8 : memref<!tpu.dma_semaphore, #tpu.memory_space<semaphore_mem>>) src(%dma_wait3A_1459 : memref<65536x64xf32, #tpu.memory_space<hbm>>) dst(%dma_wait3A_1453 : memref<128x64xf32, #tpu.memory_space<vmem>>)
      %dma_wait3A_1460 = arith.constant 5 : i32
      %dma_wait3A_1461 = arith.constant 1 : i32
      %dma_wait3A_1462 = arith.constant 1 : i32
      %dma_wait3A_1463 = arith.constant 0 : i32
      %dma_wait3A_1464 = arith.constant 0 : i32
      %dma_wait3A_1465 = tpu.memref_slice %arg7[%dma_wait3A_1461, %dma_wait3A_1462, %dma_wait3A_1463, %dma_wait3A_1464] : memref<2x4x128x64xf32, #tpu.memory_space<vmem>> -> memref<1x1x128x64xf32, #tpu.memory_space<vmem>>
      %dma_wait3A_1466 = tpu.memref_squeeze %dma_wait3A_1465 : memref<1x1x128x64xf32, #tpu.memory_space<vmem>> -> memref<128x64xf32, #tpu.memory_space<vmem>>
      %dma_wait3A_1467 = arith.constant 0 : i32
      %dma_wait3A_1468 = tpu.memref_slice %arg6[%dma_wait3A_1460, %dma_wait3A_1467] : memref<8x128xi32, #tpu.memory_space<vmem>> -> memref<1x128xi32, #tpu.memory_space<vmem>>
      %dma_wait3A_1469 = tpu.memref_squeeze %dma_wait3A_1468 : memref<1x128xi32, #tpu.memory_space<vmem>> -> memref<128xi32, #tpu.memory_space<vmem>>
      %dma_wait3A_1470 = arith.constant 0 : i32
      %dma_wait3A_1471 = arith.constant 0 : i32
      %dma_wait3A_1472 = tpu.memref_slice %arg2[%dma_wait3A_1470, %dma_wait3A_1471] : memref<65536x64xf32, #tpu.memory_space<hbm>> -> memref<65536x64xf32, #tpu.memory_space<hbm>>
      tpu.wait_indirect_dma semaphore(%arg8 : memref<!tpu.dma_semaphore, #tpu.memory_space<semaphore_mem>>) src(%dma_wait3A_1472 : memref<65536x64xf32, #tpu.memory_space<hbm>>) dst(%dma_wait3A_1466 : memref<128x64xf32, #tpu.memory_space<vmem>>)
      %dma_wait3A_1473 = arith.constant 6 : i32
      %dma_wait3A_1474 = arith.constant 1 : i32
      %dma_wait3A_1475 = arith.constant 2 : i32
      %dma_wait3A_1476 = arith.constant 0 : i32
      %dma_wait3A_1477 = arith.constant 0 : i32
      %dma_wait3A_1478 = tpu.memref_slice %arg7[%dma_wait3A_1474, %dma_wait3A_1475, %dma_wait3A_1476, %dma_wait3A_1477] : memref<2x4x128x64xf32, #tpu.memory_space<vmem>> -> memref<1x1x128x64xf32, #tpu.memory_space<vmem>>
      %dma_wait3A_1479 = tpu.memref_squeeze %dma_wait3A_1478 : memref<1x1x128x64xf32, #tpu.memory_space<vmem>> -> memref<128x64xf32, #tpu.memory_space<vmem>>
      %dma_wait3A_1480 = arith.constant 0 : i32
      %dma_wait3A_1481 = tpu.memref_slice %arg6[%dma_wait3A_1473, %dma_wait3A_1480] : memref<8x128xi32, #tpu.memory_space<vmem>> -> memref<1x128xi32, #tpu.memory_space<vmem>>
      %dma_wait3A_1482 = tpu.memref_squeeze %dma_wait3A_1481 : memref<1x128xi32, #tpu.memory_space<vmem>> -> memref<128xi32, #tpu.memory_space<vmem>>
      %dma_wait3A_1483 = arith.constant 0 : i32
      %dma_wait3A_1484 = arith.constant 0 : i32
      %dma_wait3A_1485 = tpu.memref_slice %arg2[%dma_wait3A_1483, %dma_wait3A_1484] : memref<65536x64xf32, #tpu.memory_space<hbm>> -> memref<65536x64xf32, #tpu.memory_space<hbm>>
      tpu.wait_indirect_dma semaphore(%arg8 : memref<!tpu.dma_semaphore, #tpu.memory_space<semaphore_mem>>) src(%dma_wait3A_1485 : memref<65536x64xf32, #tpu.memory_space<hbm>>) dst(%dma_wait3A_1479 : memref<128x64xf32, #tpu.memory_space<vmem>>)
      %dma_wait3A_1486 = arith.constant 7 : i32
      %dma_wait3A_1487 = arith.constant 1 : i32
      %dma_wait3A_1488 = arith.constant 3 : i32
      %dma_wait3A_1489 = arith.constant 0 : i32
      %dma_wait3A_1490 = arith.constant 0 : i32
      %dma_wait3A_1491 = tpu.memref_slice %arg7[%dma_wait3A_1487, %dma_wait3A_1488, %dma_wait3A_1489, %dma_wait3A_1490] : memref<2x4x128x64xf32, #tpu.memory_space<vmem>> -> memref<1x1x128x64xf32, #tpu.memory_space<vmem>>
      %dma_wait3A_1492 = tpu.memref_squeeze %dma_wait3A_1491 : memref<1x1x128x64xf32, #tpu.memory_space<vmem>> -> memref<128x64xf32, #tpu.memory_space<vmem>>
      %dma_wait3A_1493 = arith.constant 0 : i32
      %dma_wait3A_1494 = tpu.memref_slice %arg6[%dma_wait3A_1486, %dma_wait3A_1493] : memref<8x128xi32, #tpu.memory_space<vmem>> -> memref<1x128xi32, #tpu.memory_space<vmem>>
      %dma_wait3A_1495 = tpu.memref_squeeze %dma_wait3A_1494 : memref<1x128xi32, #tpu.memory_space<vmem>> -> memref<128xi32, #tpu.memory_space<vmem>>
      %dma_wait3A_1496 = arith.constant 0 : i32
      %dma_wait3A_1497 = arith.constant 0 : i32
      %dma_wait3A_1498 = tpu.memref_slice %arg2[%dma_wait3A_1496, %dma_wait3A_1497] : memref<65536x64xf32, #tpu.memory_space<hbm>> -> memref<65536x64xf32, #tpu.memory_space<hbm>>
      tpu.wait_indirect_dma semaphore(%arg8 : memref<!tpu.dma_semaphore, #tpu.memory_space<semaphore_mem>>) src(%dma_wait3A_1498 : memref<65536x64xf32, #tpu.memory_space<hbm>>) dst(%dma_wait3A_1492 : memref<128x64xf32, #tpu.memory_space<vmem>>)
      %dma_start3A_1499 = arith.constant 1 : i32
      %dma_start3A_1500 = arith.constant 1 : i32
      %dma_start3A_1501 = arith.constant 0 : i32
      %dma_start3A_1502 = arith.constant 0 : i32
      %dma_start3A_1503 = arith.constant 0 : i32
      %dma_start3A_1504 = tpu.memref_slice %arg7[%dma_start3A_1499, %dma_start3A_1501, %dma_start3A_1502, %dma_start3A_1503] : memref<2x4x128x64xf32, #tpu.memory_space<vmem>> -> memref<1x4x128x64xf32, #tpu.memory_space<vmem>>
      %dma_start3A_1505 = tpu.memref_squeeze %dma_start3A_1504 : memref<1x4x128x64xf32, #tpu.memory_space<vmem>> -> memref<4x128x64xf32, #tpu.memory_space<vmem>>
      %dma_start3A_1506 = arith.constant 0 : i32
      %dma_start3A_1507 = arith.constant 0 : i32
      %dma_start3A_1508 = tpu.memref_slice %arg4[%select_n3A_1264, %dma_start3A_1506, %dma_start3A_1507] : memref<5120x128x64xf32, #tpu.memory_space<hbm>> -> memref<4x128x64xf32, #tpu.memory_space<hbm>>
      %dma_start3A_1509 = tpu.memref_slice %arg9[%dma_start3A_1500] : memref<2x!tpu.dma_semaphore, #tpu.memory_space<semaphore_mem>> -> memref<1x!tpu.dma_semaphore, #tpu.memory_space<semaphore_mem>>
      %dma_start3A_1510 = tpu.memref_squeeze %dma_start3A_1509 : memref<1x!tpu.dma_semaphore, #tpu.memory_space<semaphore_mem>> -> memref<!tpu.dma_semaphore, #tpu.memory_space<semaphore_mem>>
      %dma_start3A_1511 = arith.constant 0 : i32
      %dma_start3A_1512 = arith.constant 0 : i32
      %dma_start3A_1513 = tpu.memref_slice %arg4[%select_n3A_1264, %dma_start3A_1511, %dma_start3A_1512] : memref<5120x128x64xf32, #tpu.memory_space<hbm>> -> memref<4x128x64xf32, #tpu.memory_space<hbm>>
      %dma_start3A_1514 = arith.constant 0 : i32
      %dma_start3A_1515 = arith.constant 0 : i32
      %dma_start3A_1516 = arith.constant 0 : i32
      %dma_start3A_1517 = tpu.memref_slice %arg7[%dma_start3A_1499, %dma_start3A_1514, %dma_start3A_1515, %dma_start3A_1516] : memref<2x4x128x64xf32, #tpu.memory_space<vmem>> -> memref<1x4x128x64xf32, #tpu.memory_space<vmem>>
      %dma_start3A_1518 = tpu.memref_squeeze %dma_start3A_1517 : memref<1x4x128x64xf32, #tpu.memory_space<vmem>> -> memref<4x128x64xf32, #tpu.memory_space<vmem>>
      tpu.enqueue_dma source(%dma_start3A_1518 : memref<4x128x64xf32, #tpu.memory_space<vmem>>) target(%dma_start3A_1513 : memref<4x128x64xf32, #tpu.memory_space<hbm>>) target_semaphore(%dma_start3A_1510 : memref<!tpu.dma_semaphore, #tpu.memory_space<semaphore_mem>>)
      %add3A_1519 = arith.constant 1 : i32
      %add3A_1520 = arith.addi %scan3A_1196, %add3A_1519 : i32
      %lt3A_1521 = arith.constant 16 : i32
      %lt3A_1522 = arith.cmpi slt, %add3A_1520, %lt3A_1521 : i32
      %convert_element_type3A_1523 = arith.extui %lt3A_1522 : i1 to i32
      %cond3A_1524 = arith.constant 0 : i32
      %cond3A_1525 = arith.cmpi ne, %convert_element_type3A_1523, %cond3A_1524 : i32
      scf.if %cond3A_1525 {
        %add3A_1526 = arith.constant 1 : i32
        %add3A_1527 = arith.addi %scan3A_1196, %add3A_1526 : i32
        %mul3A_1528 = arith.constant 4 : i32
        %mul3A_1529 = arith.muli %mul3A_1528, %add3A_1527 : i32
        %add3A_1530 = arith.constant 0 : i32
        %add3A_1531 = arith.addi %mul3A_1529, %add3A_1530 : i32
        %get3A_1532 = arith.constant 0 : i32
        %get3A_1533 = arith.index_cast %add3A_1531 : i32 to index
        %get3A_1534 = arith.index_cast %get3A_1532 : i32 to index
        %get3A_1535 = arith.constant 0 : index
        %get3A_1536 = tpu.vector_load %arg5[%get3A_1533, %get3A_1534, %get3A_1535] {strides = array<i32>} : memref<64x2x128xi32, #tpu.memory_space<vmem>>, vector<16xi32>,
        %add3A_1537 = vector.broadcast %mul3A_38 : i32 to vector<16xi32>
        %add3A_1538 = arith.addi %get3A_1536, %add3A_1537 : vector<16xi32>
        %mul3A_1539 = arith.constant 2 : i32
        %mul3A_1540 = vector.broadcast %mul3A_1539 : i32 to vector<16xi32>
        %mul3A_1541 = arith.muli %mul3A_1540, %iota3A : vector<16xi32>
        %add3A_1542 = arith.constant 0 : i32
        %add3A_1543 = vector.broadcast %add3A_1542 : i32 to vector<16xi32>
        %add3A_1544 = arith.addi %mul3A_1541, %add3A_1543 : vector<16xi32>
        %broadcast_in_dim3A_1545 = arith.constant 0 : i32
        %broadcast_in_dim3A_1546 = vector.broadcast %broadcast_in_dim3A_1545 : i32 to vector<16xi32>
        tpu.vector_store_idx %arg6[%broadcast_in_dim3A_1546, %add3A_1544], %add3A_1538 : memref<8x128xi32, #tpu.memory_space<vmem>>[vector<16xi32>, vector<16xi32>], vector<16xi32>,
        %mul3A_1547 = arith.constant 4 : i32
        %mul3A_1548 = arith.muli %mul3A_1547, %add3A_1527 : i32
        %add3A_1549 = arith.constant 0 : i32
        %add3A_1550 = arith.addi %mul3A_1548, %add3A_1549 : i32
        %get3A_1551 = arith.constant 0 : i32
        %get3A_1552 = arith.index_cast %add3A_1550 : i32 to index
        %get3A_1553 = arith.index_cast %get3A_1551 : i32 to index
        %get3A_1554 = arith.constant 16 : index
        %get3A_1555 = tpu.vector_load %arg5[%get3A_1552, %get3A_1553, %get3A_1554] {strides = array<i32>} : memref<64x2x128xi32, #tpu.memory_space<vmem>>, vector<16xi32>,
        %add3A_1556 = vector.broadcast %mul3A_38 : i32 to vector<16xi32>
        %add3A_1557 = arith.addi %get3A_1555, %add3A_1556 : vector<16xi32>
        %mul3A_1558 = arith.constant 2 : i32
        %mul3A_1559 = vector.broadcast %mul3A_1558 : i32 to vector<16xi32>
        %mul3A_1560 = arith.muli %mul3A_1559, %iota3A : vector<16xi32>
        %add3A_1561 = arith.constant 32 : i32
        %add3A_1562 = vector.broadcast %add3A_1561 : i32 to vector<16xi32>
        %add3A_1563 = arith.addi %mul3A_1560, %add3A_1562 : vector<16xi32>
        %broadcast_in_dim3A_1564 = arith.constant 0 : i32
        %broadcast_in_dim3A_1565 = vector.broadcast %broadcast_in_dim3A_1564 : i32 to vector<16xi32>
        tpu.vector_store_idx %arg6[%broadcast_in_dim3A_1565, %add3A_1563], %add3A_1557 : memref<8x128xi32, #tpu.memory_space<vmem>>[vector<16xi32>, vector<16xi32>], vector<16xi32>,
        %mul3A_1566 = arith.constant 4 : i32
        %mul3A_1567 = arith.muli %mul3A_1566, %add3A_1527 : i32
        %add3A_1568 = arith.constant 0 : i32
        %add3A_1569 = arith.addi %mul3A_1567, %add3A_1568 : i32
        %get3A_1570 = arith.constant 0 : i32
        %get3A_1571 = arith.index_cast %add3A_1569 : i32 to index
        %get3A_1572 = arith.index_cast %get3A_1570 : i32 to index
        %get3A_1573 = arith.constant 32 : index
        %get3A_1574 = tpu.vector_load %arg5[%get3A_1571, %get3A_1572, %get3A_1573] {strides = array<i32>} : memref<64x2x128xi32, #tpu.memory_space<vmem>>, vector<16xi32>,
        %add3A_1575 = vector.broadcast %mul3A_38 : i32 to vector<16xi32>
        %add3A_1576 = arith.addi %get3A_1574, %add3A_1575 : vector<16xi32>
        %mul3A_1577 = arith.constant 2 : i32
        %mul3A_1578 = vector.broadcast %mul3A_1577 : i32 to vector<16xi32>
        %mul3A_1579 = arith.muli %mul3A_1578, %iota3A : vector<16xi32>
        %add3A_1580 = arith.constant 64 : i32
        %add3A_1581 = vector.broadcast %add3A_1580 : i32 to vector<16xi32>
        %add3A_1582 = arith.addi %mul3A_1579, %add3A_1581 : vector<16xi32>
        %broadcast_in_dim3A_1583 = arith.constant 0 : i32
        %broadcast_in_dim3A_1584 = vector.broadcast %broadcast_in_dim3A_1583 : i32 to vector<16xi32>
        tpu.vector_store_idx %arg6[%broadcast_in_dim3A_1584, %add3A_1582], %add3A_1576 : memref<8x128xi32, #tpu.memory_space<vmem>>[vector<16xi32>, vector<16xi32>], vector<16xi32>,
        %mul3A_1585 = arith.constant 4 : i32
        %mul3A_1586 = arith.muli %mul3A_1585, %add3A_1527 : i32
        %add3A_1587 = arith.constant 0 : i32
        %add3A_1588 = arith.addi %mul3A_1586, %add3A_1587 : i32
        %get3A_1589 = arith.constant 0 : i32
        %get3A_1590 = arith.index_cast %add3A_1588 : i32 to index
        %get3A_1591 = arith.index_cast %get3A_1589 : i32 to index
        %get3A_1592 = arith.constant 48 : index
        %get3A_1593 = tpu.vector_load %arg5[%get3A_1590, %get3A_1591, %get3A_1592] {strides = array<i32>} : memref<64x2x128xi32, #tpu.memory_space<vmem>>, vector<16xi32>,
        %add3A_1594 = vector.broadcast %mul3A_38 : i32 to vector<16xi32>
        %add3A_1595 = arith.addi %get3A_1593, %add3A_1594 : vector<16xi32>
        %mul3A_1596 = arith.constant 2 : i32
        %mul3A_1597 = vector.broadcast %mul3A_1596 : i32 to vector<16xi32>
        %mul3A_1598 = arith.muli %mul3A_1597, %iota3A : vector<16xi32>
        %add3A_1599 = arith.constant 96 : i32
        %add3A_1600 = vector.broadcast %add3A_1599 : i32 to vector<16xi32>
        %add3A_1601 = arith.addi %mul3A_1598, %add3A_1600 : vector<16xi32>
        %broadcast_in_dim3A_1602 = arith.constant 0 : i32
        %broadcast_in_dim3A_1603 = vector.broadcast %broadcast_in_dim3A_1602 : i32 to vector<16xi32>
        tpu.vector_store_idx %arg6[%broadcast_in_dim3A_1603, %add3A_1601], %add3A_1595 : memref<8x128xi32, #tpu.memory_space<vmem>>[vector<16xi32>, vector<16xi32>], vector<16xi32>,
        %mul3A_1604 = arith.constant 4 : i32
        %mul3A_1605 = arith.muli %mul3A_1604, %add3A_1527 : i32
        %add3A_1606 = arith.constant 0 : i32
        %add3A_1607 = arith.addi %mul3A_1605, %add3A_1606 : i32
        %get3A_1608 = arith.constant 0 : i32
        %get3A_1609 = arith.index_cast %add3A_1607 : i32 to index
        %get3A_1610 = arith.index_cast %get3A_1608 : i32 to index
        %get3A_1611 = arith.constant 64 : index
        %get3A_1612 = tpu.vector_load %arg5[%get3A_1609, %get3A_1610, %get3A_1611] {strides = array<i32>} : memref<64x2x128xi32, #tpu.memory_space<vmem>>, vector<16xi32>,
        %add3A_1613 = vector.broadcast %mul3A_38 : i32 to vector<16xi32>
        %add3A_1614 = arith.addi %get3A_1612, %add3A_1613 : vector<16xi32>
        %mul3A_1615 = arith.constant 2 : i32
        %mul3A_1616 = vector.broadcast %mul3A_1615 : i32 to vector<16xi32>
        %mul3A_1617 = arith.muli %mul3A_1616, %iota3A : vector<16xi32>
        %add3A_1618 = arith.constant 0 : i32
        %add3A_1619 = vector.broadcast %add3A_1618 : i32 to vector<16xi32>
        %add3A_1620 = arith.addi %mul3A_1617, %add3A_1619 : vector<16xi32>
        %broadcast_in_dim3A_1621 = arith.constant 1 : i32
        %broadcast_in_dim3A_1622 = vector.broadcast %broadcast_in_dim3A_1621 : i32 to vector<16xi32>
        tpu.vector_store_idx %arg6[%broadcast_in_dim3A_1622, %add3A_1620], %add3A_1614 : memref<8x128xi32, #tpu.memory_space<vmem>>[vector<16xi32>, vector<16xi32>], vector<16xi32>,
        %mul3A_1623 = arith.constant 4 : i32
        %mul3A_1624 = arith.muli %mul3A_1623, %add3A_1527 : i32
        %add3A_1625 = arith.constant 0 : i32
        %add3A_1626 = arith.addi %mul3A_1624, %add3A_1625 : i32
        %get3A_1627 = arith.constant 0 : i32
        %get3A_1628 = arith.index_cast %add3A_1626 : i32 to index
        %get3A_1629 = arith.index_cast %get3A_1627 : i32 to index
        %get3A_1630 = arith.constant 80 : index
        %get3A_1631 = tpu.vector_load %arg5[%get3A_1628, %get3A_1629, %get3A_1630] {strides = array<i32>} : memref<64x2x128xi32, #tpu.memory_space<vmem>>, vector<16xi32>,
        %add3A_1632 = vector.broadcast %mul3A_38 : i32 to vector<16xi32>
        %add3A_1633 = arith.addi %get3A_1631, %add3A_1632 : vector<16xi32>
        %mul3A_1634 = arith.constant 2 : i32
        %mul3A_1635 = vector.broadcast %mul3A_1634 : i32 to vector<16xi32>
        %mul3A_1636 = arith.muli %mul3A_1635, %iota3A : vector<16xi32>
        %add3A_1637 = arith.constant 32 : i32
        %add3A_1638 = vector.broadcast %add3A_1637 : i32 to vector<16xi32>
        %add3A_1639 = arith.addi %mul3A_1636, %add3A_1638 : vector<16xi32>
        %broadcast_in_dim3A_1640 = arith.constant 1 : i32
        %broadcast_in_dim3A_1641 = vector.broadcast %broadcast_in_dim3A_1640 : i32 to vector<16xi32>
        tpu.vector_store_idx %arg6[%broadcast_in_dim3A_1641, %add3A_1639], %add3A_1633 : memref<8x128xi32, #tpu.memory_space<vmem>>[vector<16xi32>, vector<16xi32>], vector<16xi32>,
        %mul3A_1642 = arith.constant 4 : i32
        %mul3A_1643 = arith.muli %mul3A_1642, %add3A_1527 : i32
        %add3A_1644 = arith.constant 0 : i32
        %add3A_1645 = arith.addi %mul3A_1643, %add3A_1644 : i32
        %get3A_1646 = arith.constant 0 : i32
        %get3A_1647 = arith.index_cast %add3A_1645 : i32 to index
        %get3A_1648 = arith.index_cast %get3A_1646 : i32 to index
        %get3A_1649 = arith.constant 96 : index
        %get3A_1650 = tpu.vector_load %arg5[%get3A_1647, %get3A_1648, %get3A_1649] {strides = array<i32>} : memref<64x2x128xi32, #tpu.memory_space<vmem>>, vector<16xi32>,
        %add3A_1651 = vector.broadcast %mul3A_38 : i32 to vector<16xi32>
        %add3A_1652 = arith.addi %get3A_1650, %add3A_1651 : vector<16xi32>
        %mul3A_1653 = arith.constant 2 : i32
        %mul3A_1654 = vector.broadcast %mul3A_1653 : i32 to vector<16xi32>
        %mul3A_1655 = arith.muli %mul3A_1654, %iota3A : vector<16xi32>
        %add3A_1656 = arith.constant 64 : i32
        %add3A_1657 = vector.broadcast %add3A_1656 : i32 to vector<16xi32>
        %add3A_1658 = arith.addi %mul3A_1655, %add3A_1657 : vector<16xi32>
        %broadcast_in_dim3A_1659 = arith.constant 1 : i32
        %broadcast_in_dim3A_1660 = vector.broadcast %broadcast_in_dim3A_1659 : i32 to vector<16xi32>
        tpu.vector_store_idx %arg6[%broadcast_in_dim3A_1660, %add3A_1658], %add3A_1652 : memref<8x128xi32, #tpu.memory_space<vmem>>[vector<16xi32>, vector<16xi32>], vector<16xi32>,
        %mul3A_1661 = arith.constant 4 : i32
        %mul3A_1662 = arith.muli %mul3A_1661, %add3A_1527 : i32
        %add3A_1663 = arith.constant 0 : i32
        %add3A_1664 = arith.addi %mul3A_1662, %add3A_1663 : i32
        %get3A_1665 = arith.constant 0 : i32
        %get3A_1666 = arith.index_cast %add3A_1664 : i32 to index
        %get3A_1667 = arith.index_cast %get3A_1665 : i32 to index
        %get3A_1668 = arith.constant 112 : index
        %get3A_1669 = tpu.vector_load %arg5[%get3A_1666, %get3A_1667, %get3A_1668] {strides = array<i32>} : memref<64x2x128xi32, #tpu.memory_space<vmem>>, vector<16xi32>,
        %add3A_1670 = vector.broadcast %mul3A_38 : i32 to vector<16xi32>
        %add3A_1671 = arith.addi %get3A_1669, %add3A_1670 : vector<16xi32>
        %mul3A_1672 = arith.constant 2 : i32
        %mul3A_1673 = vector.broadcast %mul3A_1672 : i32 to vector<16xi32>
        %mul3A_1674 = arith.muli %mul3A_1673, %iota3A : vector<16xi32>
        %add3A_1675 = arith.constant 96 : i32
        %add3A_1676 = vector.broadcast %add3A_1675 : i32 to vector<16xi32>
        %add3A_1677 = arith.addi %mul3A_1674, %add3A_1676 : vector<16xi32>
        %broadcast_in_dim3A_1678 = arith.constant 1 : i32
        %broadcast_in_dim3A_1679 = vector.broadcast %broadcast_in_dim3A_1678 : i32 to vector<16xi32>
        tpu.vector_store_idx %arg6[%broadcast_in_dim3A_1679, %add3A_1677], %add3A_1671 : memref<8x128xi32, #tpu.memory_space<vmem>>[vector<16xi32>, vector<16xi32>], vector<16xi32>,
        %mul3A_1680 = arith.constant 4 : i32
        %mul3A_1681 = arith.muli %mul3A_1680, %add3A_1527 : i32
        %add3A_1682 = arith.constant 0 : i32
        %add3A_1683 = arith.addi %mul3A_1681, %add3A_1682 : i32
        %get3A_1684 = arith.constant 1 : i32
        %get3A_1685 = arith.index_cast %add3A_1683 : i32 to index
        %get3A_1686 = arith.index_cast %get3A_1684 : i32 to index
        %get3A_1687 = arith.constant 0 : index
        %get3A_1688 = tpu.vector_load %arg5[%get3A_1685, %get3A_1686, %get3A_1687] {strides = array<i32>} : memref<64x2x128xi32, #tpu.memory_space<vmem>>, vector<16xi32>,
        %add3A_1689 = vector.broadcast %mul3A_44 : i32 to vector<16xi32>
        %add3A_1690 = arith.addi %get3A_1688, %add3A_1689 : vector<16xi32>
        %mul3A_1691 = arith.constant 2 : i32
        %mul3A_1692 = vector.broadcast %mul3A_1691 : i32 to vector<16xi32>
        %mul3A_1693 = arith.muli %mul3A_1692, %iota3A : vector<16xi32>
        %add3A_1694 = arith.constant 1 : i32
        %add3A_1695 = vector.broadcast %add3A_1694 : i32 to vector<16xi32>
        %add3A_1696 = arith.addi %mul3A_1693, %add3A_1695 : vector<16xi32>
        %broadcast_in_dim3A_1697 = arith.constant 0 : i32
        %broadcast_in_dim3A_1698 = vector.broadcast %broadcast_in_dim3A_1697 : i32 to vector<16xi32>
        tpu.vector_store_idx %arg6[%broadcast_in_dim3A_1698, %add3A_1696], %add3A_1690 : memref<8x128xi32, #tpu.memory_space<vmem>>[vector<16xi32>, vector<16xi32>], vector<16xi32>,
        %mul3A_1699 = arith.constant 4 : i32
        %mul3A_1700 = arith.muli %mul3A_1699, %add3A_1527 : i32
        %add3A_1701 = arith.constant 0 : i32
        %add3A_1702 = arith.addi %mul3A_1700, %add3A_1701 : i32
        %get3A_1703 = arith.constant 1 : i32
        %get3A_1704 = arith.index_cast %add3A_1702 : i32 to index
        %get3A_1705 = arith.index_cast %get3A_1703 : i32 to index
        %get3A_1706 = arith.constant 16 : index
        %get3A_1707 = tpu.vector_load %arg5[%get3A_1704, %get3A_1705, %get3A_1706] {strides = array<i32>} : memref<64x2x128xi32, #tpu.memory_space<vmem>>, vector<16xi32>,
        %add3A_1708 = vector.broadcast %mul3A_44 : i32 to vector<16xi32>
        %add3A_1709 = arith.addi %get3A_1707, %add3A_1708 : vector<16xi32>
        %mul3A_1710 = arith.constant 2 : i32
        %mul3A_1711 = vector.broadcast %mul3A_1710 : i32 to vector<16xi32>
        %mul3A_1712 = arith.muli %mul3A_1711, %iota3A : vector<16xi32>
        %add3A_1713 = arith.constant 33 : i32
        %add3A_1714 = vector.broadcast %add3A_1713 : i32 to vector<16xi32>
        %add3A_1715 = arith.addi %mul3A_1712, %add3A_1714 : vector<16xi32>
        %broadcast_in_dim3A_1716 = arith.constant 0 : i32
        %broadcast_in_dim3A_1717 = vector.broadcast %broadcast_in_dim3A_1716 : i32 to vector<16xi32>
        tpu.vector_store_idx %arg6[%broadcast_in_dim3A_1717, %add3A_1715], %add3A_1709 : memref<8x128xi32, #tpu.memory_space<vmem>>[vector<16xi32>, vector<16xi32>], vector<16xi32>,
        %mul3A_1718 = arith.constant 4 : i32
        %mul3A_1719 = arith.muli %mul3A_1718, %add3A_1527 : i32
        %add3A_1720 = arith.constant 0 : i32
        %add3A_1721 = arith.addi %mul3A_1719, %add3A_1720 : i32
        %get3A_1722 = arith.constant 1 : i32
        %get3A_1723 = arith.index_cast %add3A_1721 : i32 to index
        %get3A_1724 = arith.index_cast %get3A_1722 : i32 to index
        %get3A_1725 = arith.constant 32 : index
        %get3A_1726 = tpu.vector_load %arg5[%get3A_1723, %get3A_1724, %get3A_1725] {strides = array<i32>} : memref<64x2x128xi32, #tpu.memory_space<vmem>>, vector<16xi32>,
        %add3A_1727 = vector.broadcast %mul3A_44 : i32 to vector<16xi32>
        %add3A_1728 = arith.addi %get3A_1726, %add3A_1727 : vector<16xi32>
        %mul3A_1729 = arith.constant 2 : i32
        %mul3A_1730 = vector.broadcast %mul3A_1729 : i32 to vector<16xi32>
        %mul3A_1731 = arith.muli %mul3A_1730, %iota3A : vector<16xi32>
        %add3A_1732 = arith.constant 65 : i32
        %add3A_1733 = vector.broadcast %add3A_1732 : i32 to vector<16xi32>
        %add3A_1734 = arith.addi %mul3A_1731, %add3A_1733 : vector<16xi32>
        %broadcast_in_dim3A_1735 = arith.constant 0 : i32
        %broadcast_in_dim3A_1736 = vector.broadcast %broadcast_in_dim3A_1735 : i32 to vector<16xi32>
        tpu.vector_store_idx %arg6[%broadcast_in_dim3A_1736, %add3A_1734], %add3A_1728 : memref<8x128xi32, #tpu.memory_space<vmem>>[vector<16xi32>, vector<16xi32>], vector<16xi32>,
        %mul3A_1737 = arith.constant 4 : i32
        %mul3A_1738 = arith.muli %mul3A_1737, %add3A_1527 : i32
        %add3A_1739 = arith.constant 0 : i32
        %add3A_1740 = arith.addi %mul3A_1738, %add3A_1739 : i32
        %get3A_1741 = arith.constant 1 : i32
        %get3A_1742 = arith.index_cast %add3A_1740 : i32 to index
        %get3A_1743 = arith.index_cast %get3A_1741 : i32 to index
        %get3A_1744 = arith.constant 48 : index
        %get3A_1745 = tpu.vector_load %arg5[%get3A_1742, %get3A_1743, %get3A_1744] {strides = array<i32>} : memref<64x2x128xi32, #tpu.memory_space<vmem>>, vector<16xi32>,
        %add3A_1746 = vector.broadcast %mul3A_44 : i32 to vector<16xi32>
        %add3A_1747 = arith.addi %get3A_1745, %add3A_1746 : vector<16xi32>
        %mul3A_1748 = arith.constant 2 : i32
        %mul3A_1749 = vector.broadcast %mul3A_1748 : i32 to vector<16xi32>
        %mul3A_1750 = arith.muli %mul3A_1749, %iota3A : vector<16xi32>
        %add3A_1751 = arith.constant 97 : i32
        %add3A_1752 = vector.broadcast %add3A_1751 : i32 to vector<16xi32>
        %add3A_1753 = arith.addi %mul3A_1750, %add3A_1752 : vector<16xi32>
        %broadcast_in_dim3A_1754 = arith.constant 0 : i32
        %broadcast_in_dim3A_1755 = vector.broadcast %broadcast_in_dim3A_1754 : i32 to vector<16xi32>
        tpu.vector_store_idx %arg6[%broadcast_in_dim3A_1755, %add3A_1753], %add3A_1747 : memref<8x128xi32, #tpu.memory_space<vmem>>[vector<16xi32>, vector<16xi32>], vector<16xi32>,
        %mul3A_1756 = arith.constant 4 : i32
        %mul3A_1757 = arith.muli %mul3A_1756, %add3A_1527 : i32
        %add3A_1758 = arith.constant 0 : i32
        %add3A_1759 = arith.addi %mul3A_1757, %add3A_1758 : i32
        %get3A_1760 = arith.constant 1 : i32
        %get3A_1761 = arith.index_cast %add3A_1759 : i32 to index
        %get3A_1762 = arith.index_cast %get3A_1760 : i32 to index
        %get3A_1763 = arith.constant 64 : index
        %get3A_1764 = tpu.vector_load %arg5[%get3A_1761, %get3A_1762, %get3A_1763] {strides = array<i32>} : memref<64x2x128xi32, #tpu.memory_space<vmem>>, vector<16xi32>,
        %add3A_1765 = vector.broadcast %mul3A_44 : i32 to vector<16xi32>
        %add3A_1766 = arith.addi %get3A_1764, %add3A_1765 : vector<16xi32>
        %mul3A_1767 = arith.constant 2 : i32
        %mul3A_1768 = vector.broadcast %mul3A_1767 : i32 to vector<16xi32>
        %mul3A_1769 = arith.muli %mul3A_1768, %iota3A : vector<16xi32>
        %add3A_1770 = arith.constant 1 : i32
        %add3A_1771 = vector.broadcast %add3A_1770 : i32 to vector<16xi32>
        %add3A_1772 = arith.addi %mul3A_1769, %add3A_1771 : vector<16xi32>
        %broadcast_in_dim3A_1773 = arith.constant 1 : i32
        %broadcast_in_dim3A_1774 = vector.broadcast %broadcast_in_dim3A_1773 : i32 to vector<16xi32>
        tpu.vector_store_idx %arg6[%broadcast_in_dim3A_1774, %add3A_1772], %add3A_1766 : memref<8x128xi32, #tpu.memory_space<vmem>>[vector<16xi32>, vector<16xi32>], vector<16xi32>,
        %mul3A_1775 = arith.constant 4 : i32
        %mul3A_1776 = arith.muli %mul3A_1775, %add3A_1527 : i32
        %add3A_1777 = arith.constant 0 : i32
        %add3A_1778 = arith.addi %mul3A_1776, %add3A_1777 : i32
        %get3A_1779 = arith.constant 1 : i32
        %get3A_1780 = arith.index_cast %add3A_1778 : i32 to index
        %get3A_1781 = arith.index_cast %get3A_1779 : i32 to index
        %get3A_1782 = arith.constant 80 : index
        %get3A_1783 = tpu.vector_load %arg5[%get3A_1780, %get3A_1781, %get3A_1782] {strides = array<i32>} : memref<64x2x128xi32, #tpu.memory_space<vmem>>, vector<16xi32>,
        %add3A_1784 = vector.broadcast %mul3A_44 : i32 to vector<16xi32>
        %add3A_1785 = arith.addi %get3A_1783, %add3A_1784 : vector<16xi32>
        %mul3A_1786 = arith.constant 2 : i32
        %mul3A_1787 = vector.broadcast %mul3A_1786 : i32 to vector<16xi32>
        %mul3A_1788 = arith.muli %mul3A_1787, %iota3A : vector<16xi32>
        %add3A_1789 = arith.constant 33 : i32
        %add3A_1790 = vector.broadcast %add3A_1789 : i32 to vector<16xi32>
        %add3A_1791 = arith.addi %mul3A_1788, %add3A_1790 : vector<16xi32>
        %broadcast_in_dim3A_1792 = arith.constant 1 : i32
        %broadcast_in_dim3A_1793 = vector.broadcast %broadcast_in_dim3A_1792 : i32 to vector<16xi32>
        tpu.vector_store_idx %arg6[%broadcast_in_dim3A_1793, %add3A_1791], %add3A_1785 : memref<8x128xi32, #tpu.memory_space<vmem>>[vector<16xi32>, vector<16xi32>], vector<16xi32>,
        %mul3A_1794 = arith.constant 4 : i32
        %mul3A_1795 = arith.muli %mul3A_1794, %add3A_1527 : i32
        %add3A_1796 = arith.constant 0 : i32
        %add3A_1797 = arith.addi %mul3A_1795, %add3A_1796 : i32
        %get3A_1798 = arith.constant 1 : i32
        %get3A_1799 = arith.index_cast %add3A_1797 : i32 to index
        %get3A_1800 = arith.index_cast %get3A_1798 : i32 to index
        %get3A_1801 = arith.constant 96 : index
        %get3A_1802 = tpu.vector_load %arg5[%get3A_1799, %get3A_1800, %get3A_1801] {strides = array<i32>} : memref<64x2x128xi32, #tpu.memory_space<vmem>>, vector<16xi32>,
        %add3A_1803 = vector.broadcast %mul3A_44 : i32 to vector<16xi32>
        %add3A_1804 = arith.addi %get3A_1802, %add3A_1803 : vector<16xi32>
        %mul3A_1805 = arith.constant 2 : i32
        %mul3A_1806 = vector.broadcast %mul3A_1805 : i32 to vector<16xi32>
        %mul3A_1807 = arith.muli %mul3A_1806, %iota3A : vector<16xi32>
        %add3A_1808 = arith.constant 65 : i32
        %add3A_1809 = vector.broadcast %add3A_1808 : i32 to vector<16xi32>
        %add3A_1810 = arith.addi %mul3A_1807, %add3A_1809 : vector<16xi32>
        %broadcast_in_dim3A_1811 = arith.constant 1 : i32
        %broadcast_in_dim3A_1812 = vector.broadcast %broadcast_in_dim3A_1811 : i32 to vector<16xi32>
        tpu.vector_store_idx %arg6[%broadcast_in_dim3A_1812, %add3A_1810], %add3A_1804 : memref<8x128xi32, #tpu.memory_space<vmem>>[vector<16xi32>, vector<16xi32>], vector<16xi32>,
        %mul3A_1813 = arith.constant 4 : i32
        %mul3A_1814 = arith.muli %mul3A_1813, %add3A_1527 : i32
        %add3A_1815 = arith.constant 0 : i32
        %add3A_1816 = arith.addi %mul3A_1814, %add3A_1815 : i32
        %get3A_1817 = arith.constant 1 : i32
        %get3A_1818 = arith.index_cast %add3A_1816 : i32 to index
        %get3A_1819 = arith.index_cast %get3A_1817 : i32 to index
        %get3A_1820 = arith.constant 112 : index
        %get3A_1821 = tpu.vector_load %arg5[%get3A_1818, %get3A_1819, %get3A_1820] {strides = array<i32>} : memref<64x2x128xi32, #tpu.memory_space<vmem>>, vector<16xi32>,
        %add3A_1822 = vector.broadcast %mul3A_44 : i32 to vector<16xi32>
        %add3A_1823 = arith.addi %get3A_1821, %add3A_1822 : vector<16xi32>
        %mul3A_1824 = arith.constant 2 : i32
        %mul3A_1825 = vector.broadcast %mul3A_1824 : i32 to vector<16xi32>
        %mul3A_1826 = arith.muli %mul3A_1825, %iota3A : vector<16xi32>
        %add3A_1827 = arith.constant 97 : i32
        %add3A_1828 = vector.broadcast %add3A_1827 : i32 to vector<16xi32>
        %add3A_1829 = arith.addi %mul3A_1826, %add3A_1828 : vector<16xi32>
        %broadcast_in_dim3A_1830 = arith.constant 1 : i32
        %broadcast_in_dim3A_1831 = vector.broadcast %broadcast_in_dim3A_1830 : i32 to vector<16xi32>
        tpu.vector_store_idx %arg6[%broadcast_in_dim3A_1831, %add3A_1829], %add3A_1823 : memref<8x128xi32, #tpu.memory_space<vmem>>[vector<16xi32>, vector<16xi32>], vector<16xi32>,
        %mul3A_1832 = arith.constant 4 : i32
        %mul3A_1833 = arith.muli %mul3A_1832, %add3A_1527 : i32
        %add3A_1834 = arith.constant 1 : i32
        %add3A_1835 = arith.addi %mul3A_1833, %add3A_1834 : i32
        %get3A_1836 = arith.constant 0 : i32
        %get3A_1837 = arith.index_cast %add3A_1835 : i32 to index
        %get3A_1838 = arith.index_cast %get3A_1836 : i32 to index
        %get3A_1839 = arith.constant 0 : index
        %get3A_1840 = tpu.vector_load %arg5[%get3A_1837, %get3A_1838, %get3A_1839] {strides = array<i32>} : memref<64x2x128xi32, #tpu.memory_space<vmem>>, vector<16xi32>,
        %add3A_1841 = vector.broadcast %mul3A_38 : i32 to vector<16xi32>
        %add3A_1842 = arith.addi %get3A_1840, %add3A_1841 : vector<16xi32>
        %mul3A_1843 = arith.constant 2 : i32
        %mul3A_1844 = vector.broadcast %mul3A_1843 : i32 to vector<16xi32>
        %mul3A_1845 = arith.muli %mul3A_1844, %iota3A : vector<16xi32>
        %add3A_1846 = arith.constant 0 : i32
        %add3A_1847 = vector.broadcast %add3A_1846 : i32 to vector<16xi32>
        %add3A_1848 = arith.addi %mul3A_1845, %add3A_1847 : vector<16xi32>
        %broadcast_in_dim3A_1849 = arith.constant 2 : i32
        %broadcast_in_dim3A_1850 = vector.broadcast %broadcast_in_dim3A_1849 : i32 to vector<16xi32>
        tpu.vector_store_idx %arg6[%broadcast_in_dim3A_1850, %add3A_1848], %add3A_1842 : memref<8x128xi32, #tpu.memory_space<vmem>>[vector<16xi32>, vector<16xi32>], vector<16xi32>,
        %mul3A_1851 = arith.constant 4 : i32
        %mul3A_1852 = arith.muli %mul3A_1851, %add3A_1527 : i32
        %add3A_1853 = arith.constant 1 : i32
        %add3A_1854 = arith.addi %mul3A_1852, %add3A_1853 : i32
        %get3A_1855 = arith.constant 0 : i32
        %get3A_1856 = arith.index_cast %add3A_1854 : i32 to index
        %get3A_1857 = arith.index_cast %get3A_1855 : i32 to index
        %get3A_1858 = arith.constant 16 : index
        %get3A_1859 = tpu.vector_load %arg5[%get3A_1856, %get3A_1857, %get3A_1858] {strides = array<i32>} : memref<64x2x128xi32, #tpu.memory_space<vmem>>, vector<16xi32>,
        %add3A_1860 = vector.broadcast %mul3A_38 : i32 to vector<16xi32>
        %add3A_1861 = arith.addi %get3A_1859, %add3A_1860 : vector<16xi32>
        %mul3A_1862 = arith.constant 2 : i32
        %mul3A_1863 = vector.broadcast %mul3A_1862 : i32 to vector<16xi32>
        %mul3A_1864 = arith.muli %mul3A_1863, %iota3A : vector<16xi32>
        %add3A_1865 = arith.constant 32 : i32
        %add3A_1866 = vector.broadcast %add3A_1865 : i32 to vector<16xi32>
        %add3A_1867 = arith.addi %mul3A_1864, %add3A_1866 : vector<16xi32>
        %broadcast_in_dim3A_1868 = arith.constant 2 : i32
        %broadcast_in_dim3A_1869 = vector.broadcast %broadcast_in_dim3A_1868 : i32 to vector<16xi32>
        tpu.vector_store_idx %arg6[%broadcast_in_dim3A_1869, %add3A_1867], %add3A_1861 : memref<8x128xi32, #tpu.memory_space<vmem>>[vector<16xi32>, vector<16xi32>], vector<16xi32>,
        %mul3A_1870 = arith.constant 4 : i32
        %mul3A_1871 = arith.muli %mul3A_1870, %add3A_1527 : i32
        %add3A_1872 = arith.constant 1 : i32
        %add3A_1873 = arith.addi %mul3A_1871, %add3A_1872 : i32
        %get3A_1874 = arith.constant 0 : i32
        %get3A_1875 = arith.index_cast %add3A_1873 : i32 to index
        %get3A_1876 = arith.index_cast %get3A_1874 : i32 to index
        %get3A_1877 = arith.constant 32 : index
        %get3A_1878 = tpu.vector_load %arg5[%get3A_1875, %get3A_1876, %get3A_1877] {strides = array<i32>} : memref<64x2x128xi32, #tpu.memory_space<vmem>>, vector<16xi32>,
        %add3A_1879 = vector.broadcast %mul3A_38 : i32 to vector<16xi32>
        %add3A_1880 = arith.addi %get3A_1878, %add3A_1879 : vector<16xi32>
        %mul3A_1881 = arith.constant 2 : i32
        %mul3A_1882 = vector.broadcast %mul3A_1881 : i32 to vector<16xi32>
        %mul3A_1883 = arith.muli %mul3A_1882, %iota3A : vector<16xi32>
        %add3A_1884 = arith.constant 64 : i32
        %add3A_1885 = vector.broadcast %add3A_1884 : i32 to vector<16xi32>
        %add3A_1886 = arith.addi %mul3A_1883, %add3A_1885 : vector<16xi32>
        %broadcast_in_dim3A_1887 = arith.constant 2 : i32
        %broadcast_in_dim3A_1888 = vector.broadcast %broadcast_in_dim3A_1887 : i32 to vector<16xi32>
        tpu.vector_store_idx %arg6[%broadcast_in_dim3A_1888, %add3A_1886], %add3A_1880 : memref<8x128xi32, #tpu.memory_space<vmem>>[vector<16xi32>, vector<16xi32>], vector<16xi32>,
        %mul3A_1889 = arith.constant 4 : i32
        %mul3A_1890 = arith.muli %mul3A_1889, %add3A_1527 : i32
        %add3A_1891 = arith.constant 1 : i32
        %add3A_1892 = arith.addi %mul3A_1890, %add3A_1891 : i32
        %get3A_1893 = arith.constant 0 : i32
        %get3A_1894 = arith.index_cast %add3A_1892 : i32 to index
        %get3A_1895 = arith.index_cast %get3A_1893 : i32 to index
        %get3A_1896 = arith.constant 48 : index
        %get3A_1897 = tpu.vector_load %arg5[%get3A_1894, %get3A_1895, %get3A_1896] {strides = array<i32>} : memref<64x2x128xi32, #tpu.memory_space<vmem>>, vector<16xi32>,
        %add3A_1898 = vector.broadcast %mul3A_38 : i32 to vector<16xi32>
        %add3A_1899 = arith.addi %get3A_1897, %add3A_1898 : vector<16xi32>
        %mul3A_1900 = arith.constant 2 : i32
        %mul3A_1901 = vector.broadcast %mul3A_1900 : i32 to vector<16xi32>
        %mul3A_1902 = arith.muli %mul3A_1901, %iota3A : vector<16xi32>
        %add3A_1903 = arith.constant 96 : i32
        %add3A_1904 = vector.broadcast %add3A_1903 : i32 to vector<16xi32>
        %add3A_1905 = arith.addi %mul3A_1902, %add3A_1904 : vector<16xi32>
        %broadcast_in_dim3A_1906 = arith.constant 2 : i32
        %broadcast_in_dim3A_1907 = vector.broadcast %broadcast_in_dim3A_1906 : i32 to vector<16xi32>
        tpu.vector_store_idx %arg6[%broadcast_in_dim3A_1907, %add3A_1905], %add3A_1899 : memref<8x128xi32, #tpu.memory_space<vmem>>[vector<16xi32>, vector<16xi32>], vector<16xi32>,
        %mul3A_1908 = arith.constant 4 : i32
        %mul3A_1909 = arith.muli %mul3A_1908, %add3A_1527 : i32
        %add3A_1910 = arith.constant 1 : i32
        %add3A_1911 = arith.addi %mul3A_1909, %add3A_1910 : i32
        %get3A_1912 = arith.constant 0 : i32
        %get3A_1913 = arith.index_cast %add3A_1911 : i32 to index
        %get3A_1914 = arith.index_cast %get3A_1912 : i32 to index
        %get3A_1915 = arith.constant 64 : index
        %get3A_1916 = tpu.vector_load %arg5[%get3A_1913, %get3A_1914, %get3A_1915] {strides = array<i32>} : memref<64x2x128xi32, #tpu.memory_space<vmem>>, vector<16xi32>,
        %add3A_1917 = vector.broadcast %mul3A_38 : i32 to vector<16xi32>
        %add3A_1918 = arith.addi %get3A_1916, %add3A_1917 : vector<16xi32>
        %mul3A_1919 = arith.constant 2 : i32
        %mul3A_1920 = vector.broadcast %mul3A_1919 : i32 to vector<16xi32>
        %mul3A_1921 = arith.muli %mul3A_1920, %iota3A : vector<16xi32>
        %add3A_1922 = arith.constant 0 : i32
        %add3A_1923 = vector.broadcast %add3A_1922 : i32 to vector<16xi32>
        %add3A_1924 = arith.addi %mul3A_1921, %add3A_1923 : vector<16xi32>
        %broadcast_in_dim3A_1925 = arith.constant 3 : i32
        %broadcast_in_dim3A_1926 = vector.broadcast %broadcast_in_dim3A_1925 : i32 to vector<16xi32>
        tpu.vector_store_idx %arg6[%broadcast_in_dim3A_1926, %add3A_1924], %add3A_1918 : memref<8x128xi32, #tpu.memory_space<vmem>>[vector<16xi32>, vector<16xi32>], vector<16xi32>,
        %mul3A_1927 = arith.constant 4 : i32
        %mul3A_1928 = arith.muli %mul3A_1927, %add3A_1527 : i32
        %add3A_1929 = arith.constant 1 : i32
        %add3A_1930 = arith.addi %mul3A_1928, %add3A_1929 : i32
        %get3A_1931 = arith.constant 0 : i32
        %get3A_1932 = arith.index_cast %add3A_1930 : i32 to index
        %get3A_1933 = arith.index_cast %get3A_1931 : i32 to index
        %get3A_1934 = arith.constant 80 : index
        %get3A_1935 = tpu.vector_load %arg5[%get3A_1932, %get3A_1933, %get3A_1934] {strides = array<i32>} : memref<64x2x128xi32, #tpu.memory_space<vmem>>, vector<16xi32>,
        %add3A_1936 = vector.broadcast %mul3A_38 : i32 to vector<16xi32>
        %add3A_1937 = arith.addi %get3A_1935, %add3A_1936 : vector<16xi32>
        %mul3A_1938 = arith.constant 2 : i32
        %mul3A_1939 = vector.broadcast %mul3A_1938 : i32 to vector<16xi32>
        %mul3A_1940 = arith.muli %mul3A_1939, %iota3A : vector<16xi32>
        %add3A_1941 = arith.constant 32 : i32
        %add3A_1942 = vector.broadcast %add3A_1941 : i32 to vector<16xi32>
        %add3A_1943 = arith.addi %mul3A_1940, %add3A_1942 : vector<16xi32>
        %broadcast_in_dim3A_1944 = arith.constant 3 : i32
        %broadcast_in_dim3A_1945 = vector.broadcast %broadcast_in_dim3A_1944 : i32 to vector<16xi32>
        tpu.vector_store_idx %arg6[%broadcast_in_dim3A_1945, %add3A_1943], %add3A_1937 : memref<8x128xi32, #tpu.memory_space<vmem>>[vector<16xi32>, vector<16xi32>], vector<16xi32>,
        %mul3A_1946 = arith.constant 4 : i32
        %mul3A_1947 = arith.muli %mul3A_1946, %add3A_1527 : i32
        %add3A_1948 = arith.constant 1 : i32
        %add3A_1949 = arith.addi %mul3A_1947, %add3A_1948 : i32
        %get3A_1950 = arith.constant 0 : i32
        %get3A_1951 = arith.index_cast %add3A_1949 : i32 to index
        %get3A_1952 = arith.index_cast %get3A_1950 : i32 to index
        %get3A_1953 = arith.constant 96 : index
        %get3A_1954 = tpu.vector_load %arg5[%get3A_1951, %get3A_1952, %get3A_1953] {strides = array<i32>} : memref<64x2x128xi32, #tpu.memory_space<vmem>>, vector<16xi32>,
        %add3A_1955 = vector.broadcast %mul3A_38 : i32 to vector<16xi32>
        %add3A_1956 = arith.addi %get3A_1954, %add3A_1955 : vector<16xi32>
        %mul3A_1957 = arith.constant 2 : i32
        %mul3A_1958 = vector.broadcast %mul3A_1957 : i32 to vector<16xi32>
        %mul3A_1959 = arith.muli %mul3A_1958, %iota3A : vector<16xi32>
        %add3A_1960 = arith.constant 64 : i32
        %add3A_1961 = vector.broadcast %add3A_1960 : i32 to vector<16xi32>
        %add3A_1962 = arith.addi %mul3A_1959, %add3A_1961 : vector<16xi32>
        %broadcast_in_dim3A_1963 = arith.constant 3 : i32
        %broadcast_in_dim3A_1964 = vector.broadcast %broadcast_in_dim3A_1963 : i32 to vector<16xi32>
        tpu.vector_store_idx %arg6[%broadcast_in_dim3A_1964, %add3A_1962], %add3A_1956 : memref<8x128xi32, #tpu.memory_space<vmem>>[vector<16xi32>, vector<16xi32>], vector<16xi32>,
        %mul3A_1965 = arith.constant 4 : i32
        %mul3A_1966 = arith.muli %mul3A_1965, %add3A_1527 : i32
        %add3A_1967 = arith.constant 1 : i32
        %add3A_1968 = arith.addi %mul3A_1966, %add3A_1967 : i32
        %get3A_1969 = arith.constant 0 : i32
        %get3A_1970 = arith.index_cast %add3A_1968 : i32 to index
        %get3A_1971 = arith.index_cast %get3A_1969 : i32 to index
        %get3A_1972 = arith.constant 112 : index
        %get3A_1973 = tpu.vector_load %arg5[%get3A_1970, %get3A_1971, %get3A_1972] {strides = array<i32>} : memref<64x2x128xi32, #tpu.memory_space<vmem>>, vector<16xi32>,
        %add3A_1974 = vector.broadcast %mul3A_38 : i32 to vector<16xi32>
        %add3A_1975 = arith.addi %get3A_1973, %add3A_1974 : vector<16xi32>
        %mul3A_1976 = arith.constant 2 : i32
        %mul3A_1977 = vector.broadcast %mul3A_1976 : i32 to vector<16xi32>
        %mul3A_1978 = arith.muli %mul3A_1977, %iota3A : vector<16xi32>
        %add3A_1979 = arith.constant 96 : i32
        %add3A_1980 = vector.broadcast %add3A_1979 : i32 to vector<16xi32>
        %add3A_1981 = arith.addi %mul3A_1978, %add3A_1980 : vector<16xi32>
        %broadcast_in_dim3A_1982 = arith.constant 3 : i32
        %broadcast_in_dim3A_1983 = vector.broadcast %broadcast_in_dim3A_1982 : i32 to vector<16xi32>
        tpu.vector_store_idx %arg6[%broadcast_in_dim3A_1983, %add3A_1981], %add3A_1975 : memref<8x128xi32, #tpu.memory_space<vmem>>[vector<16xi32>, vector<16xi32>], vector<16xi32>,
        %mul3A_1984 = arith.constant 4 : i32
        %mul3A_1985 = arith.muli %mul3A_1984, %add3A_1527 : i32
        %add3A_1986 = arith.constant 1 : i32
        %add3A_1987 = arith.addi %mul3A_1985, %add3A_1986 : i32
        %get3A_1988 = arith.constant 1 : i32
        %get3A_1989 = arith.index_cast %add3A_1987 : i32 to index
        %get3A_1990 = arith.index_cast %get3A_1988 : i32 to index
        %get3A_1991 = arith.constant 0 : index
        %get3A_1992 = tpu.vector_load %arg5[%get3A_1989, %get3A_1990, %get3A_1991] {strides = array<i32>} : memref<64x2x128xi32, #tpu.memory_space<vmem>>, vector<16xi32>,
        %add3A_1993 = vector.broadcast %mul3A_44 : i32 to vector<16xi32>
        %add3A_1994 = arith.addi %get3A_1992, %add3A_1993 : vector<16xi32>
        %mul3A_1995 = arith.constant 2 : i32
        %mul3A_1996 = vector.broadcast %mul3A_1995 : i32 to vector<16xi32>
        %mul3A_1997 = arith.muli %mul3A_1996, %iota3A : vector<16xi32>
        %add3A_1998 = arith.constant 1 : i32
        %add3A_1999 = vector.broadcast %add3A_1998 : i32 to vector<16xi32>
        %add3A_2000 = arith.addi %mul3A_1997, %add3A_1999 : vector<16xi32>
        %broadcast_in_dim3A_2001 = arith.constant 2 : i32
        %broadcast_in_dim3A_2002 = vector.broadcast %broadcast_in_dim3A_2001 : i32 to vector<16xi32>
        tpu.vector_store_idx %arg6[%broadcast_in_dim3A_2002, %add3A_2000], %add3A_1994 : memref<8x128xi32, #tpu.memory_space<vmem>>[vector<16xi32>, vector<16xi32>], vector<16xi32>,
        %mul3A_2003 = arith.constant 4 : i32
        %mul3A_2004 = arith.muli %mul3A_2003, %add3A_1527 : i32
        %add3A_2005 = arith.constant 1 : i32
        %add3A_2006 = arith.addi %mul3A_2004, %add3A_2005 : i32
        %get3A_2007 = arith.constant 1 : i32
        %get3A_2008 = arith.index_cast %add3A_2006 : i32 to index
        %get3A_2009 = arith.index_cast %get3A_2007 : i32 to index
        %get3A_2010 = arith.constant 16 : index
        %get3A_2011 = tpu.vector_load %arg5[%get3A_2008, %get3A_2009, %get3A_2010] {strides = array<i32>} : memref<64x2x128xi32, #tpu.memory_space<vmem>>, vector<16xi32>,
        %add3A_2012 = vector.broadcast %mul3A_44 : i32 to vector<16xi32>
        %add3A_2013 = arith.addi %get3A_2011, %add3A_2012 : vector<16xi32>
        %mul3A_2014 = arith.constant 2 : i32
        %mul3A_2015 = vector.broadcast %mul3A_2014 : i32 to vector<16xi32>
        %mul3A_2016 = arith.muli %mul3A_2015, %iota3A : vector<16xi32>
        %add3A_2017 = arith.constant 33 : i32
        %add3A_2018 = vector.broadcast %add3A_2017 : i32 to vector<16xi32>
        %add3A_2019 = arith.addi %mul3A_2016, %add3A_2018 : vector<16xi32>
        %broadcast_in_dim3A_2020 = arith.constant 2 : i32
        %broadcast_in_dim3A_2021 = vector.broadcast %broadcast_in_dim3A_2020 : i32 to vector<16xi32>
        tpu.vector_store_idx %arg6[%broadcast_in_dim3A_2021, %add3A_2019], %add3A_2013 : memref<8x128xi32, #tpu.memory_space<vmem>>[vector<16xi32>, vector<16xi32>], vector<16xi32>,
        %mul3A_2022 = arith.constant 4 : i32
        %mul3A_2023 = arith.muli %mul3A_2022, %add3A_1527 : i32
        %add3A_2024 = arith.constant 1 : i32
        %add3A_2025 = arith.addi %mul3A_2023, %add3A_2024 : i32
        %get3A_2026 = arith.constant 1 : i32
        %get3A_2027 = arith.index_cast %add3A_2025 : i32 to index
        %get3A_2028 = arith.index_cast %get3A_2026 : i32 to index
        %get3A_2029 = arith.constant 32 : index
        %get3A_2030 = tpu.vector_load %arg5[%get3A_2027, %get3A_2028, %get3A_2029] {strides = array<i32>} : memref<64x2x128xi32, #tpu.memory_space<vmem>>, vector<16xi32>,
        %add3A_2031 = vector.broadcast %mul3A_44 : i32 to vector<16xi32>
        %add3A_2032 = arith.addi %get3A_2030, %add3A_2031 : vector<16xi32>
        %mul3A_2033 = arith.constant 2 : i32
        %mul3A_2034 = vector.broadcast %mul3A_2033 : i32 to vector<16xi32>
        %mul3A_2035 = arith.muli %mul3A_2034, %iota3A : vector<16xi32>
        %add3A_2036 = arith.constant 65 : i32
        %add3A_2037 = vector.broadcast %add3A_2036 : i32 to vector<16xi32>
        %add3A_2038 = arith.addi %mul3A_2035, %add3A_2037 : vector<16xi32>
        %broadcast_in_dim3A_2039 = arith.constant 2 : i32
        %broadcast_in_dim3A_2040 = vector.broadcast %broadcast_in_dim3A_2039 : i32 to vector<16xi32>
        tpu.vector_store_idx %arg6[%broadcast_in_dim3A_2040, %add3A_2038], %add3A_2032 : memref<8x128xi32, #tpu.memory_space<vmem>>[vector<16xi32>, vector<16xi32>], vector<16xi32>,
        %mul3A_2041 = arith.constant 4 : i32
        %mul3A_2042 = arith.muli %mul3A_2041, %add3A_1527 : i32
        %add3A_2043 = arith.constant 1 : i32
        %add3A_2044 = arith.addi %mul3A_2042, %add3A_2043 : i32
        %get3A_2045 = arith.constant 1 : i32
        %get3A_2046 = arith.index_cast %add3A_2044 : i32 to index
        %get3A_2047 = arith.index_cast %get3A_2045 : i32 to index
        %get3A_2048 = arith.constant 48 : index
        %get3A_2049 = tpu.vector_load %arg5[%get3A_2046, %get3A_2047, %get3A_2048] {strides = array<i32>} : memref<64x2x128xi32, #tpu.memory_space<vmem>>, vector<16xi32>,
        %add3A_2050 = vector.broadcast %mul3A_44 : i32 to vector<16xi32>
        %add3A_2051 = arith.addi %get3A_2049, %add3A_2050 : vector<16xi32>
        %mul3A_2052 = arith.constant 2 : i32
        %mul3A_2053 = vector.broadcast %mul3A_2052 : i32 to vector<16xi32>
        %mul3A_2054 = arith.muli %mul3A_2053, %iota3A : vector<16xi32>
        %add3A_2055 = arith.constant 97 : i32
        %add3A_2056 = vector.broadcast %add3A_2055 : i32 to vector<16xi32>
        %add3A_2057 = arith.addi %mul3A_2054, %add3A_2056 : vector<16xi32>
        %broadcast_in_dim3A_2058 = arith.constant 2 : i32
        %broadcast_in_dim3A_2059 = vector.broadcast %broadcast_in_dim3A_2058 : i32 to vector<16xi32>
        tpu.vector_store_idx %arg6[%broadcast_in_dim3A_2059, %add3A_2057], %add3A_2051 : memref<8x128xi32, #tpu.memory_space<vmem>>[vector<16xi32>, vector<16xi32>], vector<16xi32>,
        %mul3A_2060 = arith.constant 4 : i32
        %mul3A_2061 = arith.muli %mul3A_2060, %add3A_1527 : i32
        %add3A_2062 = arith.constant 1 : i32
        %add3A_2063 = arith.addi %mul3A_2061, %add3A_2062 : i32
        %get3A_2064 = arith.constant 1 : i32
        %get3A_2065 = arith.index_cast %add3A_2063 : i32 to index
        %get3A_2066 = arith.index_cast %get3A_2064 : i32 to index
        %get3A_2067 = arith.constant 64 : index
        %get3A_2068 = tpu.vector_load %arg5[%get3A_2065, %get3A_2066, %get3A_2067] {strides = array<i32>} : memref<64x2x128xi32, #tpu.memory_space<vmem>>, vector<16xi32>,
        %add3A_2069 = vector.broadcast %mul3A_44 : i32 to vector<16xi32>
        %add3A_2070 = arith.addi %get3A_2068, %add3A_2069 : vector<16xi32>
        %mul3A_2071 = arith.constant 2 : i32
        %mul3A_2072 = vector.broadcast %mul3A_2071 : i32 to vector<16xi32>
        %mul3A_2073 = arith.muli %mul3A_2072, %iota3A : vector<16xi32>
        %add3A_2074 = arith.constant 1 : i32
        %add3A_2075 = vector.broadcast %add3A_2074 : i32 to vector<16xi32>
        %add3A_2076 = arith.addi %mul3A_2073, %add3A_2075 : vector<16xi32>
        %broadcast_in_dim3A_2077 = arith.constant 3 : i32
        %broadcast_in_dim3A_2078 = vector.broadcast %broadcast_in_dim3A_2077 : i32 to vector<16xi32>
        tpu.vector_store_idx %arg6[%broadcast_in_dim3A_2078, %add3A_2076], %add3A_2070 : memref<8x128xi32, #tpu.memory_space<vmem>>[vector<16xi32>, vector<16xi32>], vector<16xi32>,
        %mul3A_2079 = arith.constant 4 : i32
        %mul3A_2080 = arith.muli %mul3A_2079, %add3A_1527 : i32
        %add3A_2081 = arith.constant 1 : i32
        %add3A_2082 = arith.addi %mul3A_2080, %add3A_2081 : i32
        %get3A_2083 = arith.constant 1 : i32
        %get3A_2084 = arith.index_cast %add3A_2082 : i32 to index
        %get3A_2085 = arith.index_cast %get3A_2083 : i32 to index
        %get3A_2086 = arith.constant 80 : index
        %get3A_2087 = tpu.vector_load %arg5[%get3A_2084, %get3A_2085, %get3A_2086] {strides = array<i32>} : memref<64x2x128xi32, #tpu.memory_space<vmem>>, vector<16xi32>,
        %add3A_2088 = vector.broadcast %mul3A_44 : i32 to vector<16xi32>
        %add3A_2089 = arith.addi %get3A_2087, %add3A_2088 : vector<16xi32>
        %mul3A_2090 = arith.constant 2 : i32
        %mul3A_2091 = vector.broadcast %mul3A_2090 : i32 to vector<16xi32>
        %mul3A_2092 = arith.muli %mul3A_2091, %iota3A : vector<16xi32>
        %add3A_2093 = arith.constant 33 : i32
        %add3A_2094 = vector.broadcast %add3A_2093 : i32 to vector<16xi32>
        %add3A_2095 = arith.addi %mul3A_2092, %add3A_2094 : vector<16xi32>
        %broadcast_in_dim3A_2096 = arith.constant 3 : i32
        %broadcast_in_dim3A_2097 = vector.broadcast %broadcast_in_dim3A_2096 : i32 to vector<16xi32>
        tpu.vector_store_idx %arg6[%broadcast_in_dim3A_2097, %add3A_2095], %add3A_2089 : memref<8x128xi32, #tpu.memory_space<vmem>>[vector<16xi32>, vector<16xi32>], vector<16xi32>,
        %mul3A_2098 = arith.constant 4 : i32
        %mul3A_2099 = arith.muli %mul3A_2098, %add3A_1527 : i32
        %add3A_2100 = arith.constant 1 : i32
        %add3A_2101 = arith.addi %mul3A_2099, %add3A_2100 : i32
        %get3A_2102 = arith.constant 1 : i32
        %get3A_2103 = arith.index_cast %add3A_2101 : i32 to index
        %get3A_2104 = arith.index_cast %get3A_2102 : i32 to index
        %get3A_2105 = arith.constant 96 : index
        %get3A_2106 = tpu.vector_load %arg5[%get3A_2103, %get3A_2104, %get3A_2105] {strides = array<i32>} : memref<64x2x128xi32, #tpu.memory_space<vmem>>, vector<16xi32>,
        %add3A_2107 = vector.broadcast %mul3A_44 : i32 to vector<16xi32>
        %add3A_2108 = arith.addi %get3A_2106, %add3A_2107 : vector<16xi32>
        %mul3A_2109 = arith.constant 2 : i32
        %mul3A_2110 = vector.broadcast %mul3A_2109 : i32 to vector<16xi32>
        %mul3A_2111 = arith.muli %mul3A_2110, %iota3A : vector<16xi32>
        %add3A_2112 = arith.constant 65 : i32
        %add3A_2113 = vector.broadcast %add3A_2112 : i32 to vector<16xi32>
        %add3A_2114 = arith.addi %mul3A_2111, %add3A_2113 : vector<16xi32>
        %broadcast_in_dim3A_2115 = arith.constant 3 : i32
        %broadcast_in_dim3A_2116 = vector.broadcast %broadcast_in_dim3A_2115 : i32 to vector<16xi32>
        tpu.vector_store_idx %arg6[%broadcast_in_dim3A_2116, %add3A_2114], %add3A_2108 : memref<8x128xi32, #tpu.memory_space<vmem>>[vector<16xi32>, vector<16xi32>], vector<16xi32>,
        %mul3A_2117 = arith.constant 4 : i32
        %mul3A_2118 = arith.muli %mul3A_2117, %add3A_1527 : i32
        %add3A_2119 = arith.constant 1 : i32
        %add3A_2120 = arith.addi %mul3A_2118, %add3A_2119 : i32
        %get3A_2121 = arith.constant 1 : i32
        %get3A_2122 = arith.index_cast %add3A_2120 : i32 to index
        %get3A_2123 = arith.index_cast %get3A_2121 : i32 to index
        %get3A_2124 = arith.constant 112 : index
        %get3A_2125 = tpu.vector_load %arg5[%get3A_2122, %get3A_2123, %get3A_2124] {strides = array<i32>} : memref<64x2x128xi32, #tpu.memory_space<vmem>>, vector<16xi32>,
        %add3A_2126 = vector.broadcast %mul3A_44 : i32 to vector<16xi32>
        %add3A_2127 = arith.addi %get3A_2125, %add3A_2126 : vector<16xi32>
        %mul3A_2128 = arith.constant 2 : i32
        %mul3A_2129 = vector.broadcast %mul3A_2128 : i32 to vector<16xi32>
        %mul3A_2130 = arith.muli %mul3A_2129, %iota3A : vector<16xi32>
        %add3A_2131 = arith.constant 97 : i32
        %add3A_2132 = vector.broadcast %add3A_2131 : i32 to vector<16xi32>
        %add3A_2133 = arith.addi %mul3A_2130, %add3A_2132 : vector<16xi32>
        %broadcast_in_dim3A_2134 = arith.constant 3 : i32
        %broadcast_in_dim3A_2135 = vector.broadcast %broadcast_in_dim3A_2134 : i32 to vector<16xi32>
        tpu.vector_store_idx %arg6[%broadcast_in_dim3A_2135, %add3A_2133], %add3A_2127 : memref<8x128xi32, #tpu.memory_space<vmem>>[vector<16xi32>, vector<16xi32>], vector<16xi32>,
        %mul3A_2136 = arith.constant 4 : i32
        %mul3A_2137 = arith.muli %mul3A_2136, %add3A_1527 : i32
        %add3A_2138 = arith.constant 2 : i32
        %add3A_2139 = arith.addi %mul3A_2137, %add3A_2138 : i32
        %get3A_2140 = arith.constant 0 : i32
        %get3A_2141 = arith.index_cast %add3A_2139 : i32 to index
        %get3A_2142 = arith.index_cast %get3A_2140 : i32 to index
        %get3A_2143 = arith.constant 0 : index
        %get3A_2144 = tpu.vector_load %arg5[%get3A_2141, %get3A_2142, %get3A_2143] {strides = array<i32>} : memref<64x2x128xi32, #tpu.memory_space<vmem>>, vector<16xi32>,
        %add3A_2145 = vector.broadcast %mul3A_38 : i32 to vector<16xi32>
        %add3A_2146 = arith.addi %get3A_2144, %add3A_2145 : vector<16xi32>
        %mul3A_2147 = arith.constant 2 : i32
        %mul3A_2148 = vector.broadcast %mul3A_2147 : i32 to vector<16xi32>
        %mul3A_2149 = arith.muli %mul3A_2148, %iota3A : vector<16xi32>
        %add3A_2150 = arith.constant 0 : i32
        %add3A_2151 = vector.broadcast %add3A_2150 : i32 to vector<16xi32>
        %add3A_2152 = arith.addi %mul3A_2149, %add3A_2151 : vector<16xi32>
        %broadcast_in_dim3A_2153 = arith.constant 4 : i32
        %broadcast_in_dim3A_2154 = vector.broadcast %broadcast_in_dim3A_2153 : i32 to vector<16xi32>
        tpu.vector_store_idx %arg6[%broadcast_in_dim3A_2154, %add3A_2152], %add3A_2146 : memref<8x128xi32, #tpu.memory_space<vmem>>[vector<16xi32>, vector<16xi32>], vector<16xi32>,
        %mul3A_2155 = arith.constant 4 : i32
        %mul3A_2156 = arith.muli %mul3A_2155, %add3A_1527 : i32
        %add3A_2157 = arith.constant 2 : i32
        %add3A_2158 = arith.addi %mul3A_2156, %add3A_2157 : i32
        %get3A_2159 = arith.constant 0 : i32
        %get3A_2160 = arith.index_cast %add3A_2158 : i32 to index
        %get3A_2161 = arith.index_cast %get3A_2159 : i32 to index
        %get3A_2162 = arith.constant 16 : index
        %get3A_2163 = tpu.vector_load %arg5[%get3A_2160, %get3A_2161, %get3A_2162] {strides = array<i32>} : memref<64x2x128xi32, #tpu.memory_space<vmem>>, vector<16xi32>,
        %add3A_2164 = vector.broadcast %mul3A_38 : i32 to vector<16xi32>
        %add3A_2165 = arith.addi %get3A_2163, %add3A_2164 : vector<16xi32>
        %mul3A_2166 = arith.constant 2 : i32
        %mul3A_2167 = vector.broadcast %mul3A_2166 : i32 to vector<16xi32>
        %mul3A_2168 = arith.muli %mul3A_2167, %iota3A : vector<16xi32>
        %add3A_2169 = arith.constant 32 : i32
        %add3A_2170 = vector.broadcast %add3A_2169 : i32 to vector<16xi32>
        %add3A_2171 = arith.addi %mul3A_2168, %add3A_2170 : vector<16xi32>
        %broadcast_in_dim3A_2172 = arith.constant 4 : i32
        %broadcast_in_dim3A_2173 = vector.broadcast %broadcast_in_dim3A_2172 : i32 to vector<16xi32>
        tpu.vector_store_idx %arg6[%broadcast_in_dim3A_2173, %add3A_2171], %add3A_2165 : memref<8x128xi32, #tpu.memory_space<vmem>>[vector<16xi32>, vector<16xi32>], vector<16xi32>,
        %mul3A_2174 = arith.constant 4 : i32
        %mul3A_2175 = arith.muli %mul3A_2174, %add3A_1527 : i32
        %add3A_2176 = arith.constant 2 : i32
        %add3A_2177 = arith.addi %mul3A_2175, %add3A_2176 : i32
        %get3A_2178 = arith.constant 0 : i32
        %get3A_2179 = arith.index_cast %add3A_2177 : i32 to index
        %get3A_2180 = arith.index_cast %get3A_2178 : i32 to index
        %get3A_2181 = arith.constant 32 : index
        %get3A_2182 = tpu.vector_load %arg5[%get3A_2179, %get3A_2180, %get3A_2181] {strides = array<i32>} : memref<64x2x128xi32, #tpu.memory_space<vmem>>, vector<16xi32>,
        %add3A_2183 = vector.broadcast %mul3A_38 : i32 to vector<16xi32>
        %add3A_2184 = arith.addi %get3A_2182, %add3A_2183 : vector<16xi32>
        %mul3A_2185 = arith.constant 2 : i32
        %mul3A_2186 = vector.broadcast %mul3A_2185 : i32 to vector<16xi32>
        %mul3A_2187 = arith.muli %mul3A_2186, %iota3A : vector<16xi32>
        %add3A_2188 = arith.constant 64 : i32
        %add3A_2189 = vector.broadcast %add3A_2188 : i32 to vector<16xi32>
        %add3A_2190 = arith.addi %mul3A_2187, %add3A_2189 : vector<16xi32>
        %broadcast_in_dim3A_2191 = arith.constant 4 : i32
        %broadcast_in_dim3A_2192 = vector.broadcast %broadcast_in_dim3A_2191 : i32 to vector<16xi32>
        tpu.vector_store_idx %arg6[%broadcast_in_dim3A_2192, %add3A_2190], %add3A_2184 : memref<8x128xi32, #tpu.memory_space<vmem>>[vector<16xi32>, vector<16xi32>], vector<16xi32>,
        %mul3A_2193 = arith.constant 4 : i32
        %mul3A_2194 = arith.muli %mul3A_2193, %add3A_1527 : i32
        %add3A_2195 = arith.constant 2 : i32
        %add3A_2196 = arith.addi %mul3A_2194, %add3A_2195 : i32
        %get3A_2197 = arith.constant 0 : i32
        %get3A_2198 = arith.index_cast %add3A_2196 : i32 to index
        %get3A_2199 = arith.index_cast %get3A_2197 : i32 to index
        %get3A_2200 = arith.constant 48 : index
        %get3A_2201 = tpu.vector_load %arg5[%get3A_2198, %get3A_2199, %get3A_2200] {strides = array<i32>} : memref<64x2x128xi32, #tpu.memory_space<vmem>>, vector<16xi32>,
        %add3A_2202 = vector.broadcast %mul3A_38 : i32 to vector<16xi32>
        %add3A_2203 = arith.addi %get3A_2201, %add3A_2202 : vector<16xi32>
        %mul3A_2204 = arith.constant 2 : i32
        %mul3A_2205 = vector.broadcast %mul3A_2204 : i32 to vector<16xi32>
        %mul3A_2206 = arith.muli %mul3A_2205, %iota3A : vector<16xi32>
        %add3A_2207 = arith.constant 96 : i32
        %add3A_2208 = vector.broadcast %add3A_2207 : i32 to vector<16xi32>
        %add3A_2209 = arith.addi %mul3A_2206, %add3A_2208 : vector<16xi32>
        %broadcast_in_dim3A_2210 = arith.constant 4 : i32
        %broadcast_in_dim3A_2211 = vector.broadcast %broadcast_in_dim3A_2210 : i32 to vector<16xi32>
        tpu.vector_store_idx %arg6[%broadcast_in_dim3A_2211, %add3A_2209], %add3A_2203 : memref<8x128xi32, #tpu.memory_space<vmem>>[vector<16xi32>, vector<16xi32>], vector<16xi32>,
        %mul3A_2212 = arith.constant 4 : i32
        %mul3A_2213 = arith.muli %mul3A_2212, %add3A_1527 : i32
        %add3A_2214 = arith.constant 2 : i32
        %add3A_2215 = arith.addi %mul3A_2213, %add3A_2214 : i32
        %get3A_2216 = arith.constant 0 : i32
        %get3A_2217 = arith.index_cast %add3A_2215 : i32 to index
        %get3A_2218 = arith.index_cast %get3A_2216 : i32 to index
        %get3A_2219 = arith.constant 64 : index
        %get3A_2220 = tpu.vector_load %arg5[%get3A_2217, %get3A_2218, %get3A_2219] {strides = array<i32>} : memref<64x2x128xi32, #tpu.memory_space<vmem>>, vector<16xi32>,
        %add3A_2221 = vector.broadcast %mul3A_38 : i32 to vector<16xi32>
        %add3A_2222 = arith.addi %get3A_2220, %add3A_2221 : vector<16xi32>
        %mul3A_2223 = arith.constant 2 : i32
        %mul3A_2224 = vector.broadcast %mul3A_2223 : i32 to vector<16xi32>
        %mul3A_2225 = arith.muli %mul3A_2224, %iota3A : vector<16xi32>
        %add3A_2226 = arith.constant 0 : i32
        %add3A_2227 = vector.broadcast %add3A_2226 : i32 to vector<16xi32>
        %add3A_2228 = arith.addi %mul3A_2225, %add3A_2227 : vector<16xi32>
        %broadcast_in_dim3A_2229 = arith.constant 5 : i32
        %broadcast_in_dim3A_2230 = vector.broadcast %broadcast_in_dim3A_2229 : i32 to vector<16xi32>
        tpu.vector_store_idx %arg6[%broadcast_in_dim3A_2230, %add3A_2228], %add3A_2222 : memref<8x128xi32, #tpu.memory_space<vmem>>[vector<16xi32>, vector<16xi32>], vector<16xi32>,
        %mul3A_2231 = arith.constant 4 : i32
        %mul3A_2232 = arith.muli %mul3A_2231, %add3A_1527 : i32
        %add3A_2233 = arith.constant 2 : i32
        %add3A_2234 = arith.addi %mul3A_2232, %add3A_2233 : i32
        %get3A_2235 = arith.constant 0 : i32
        %get3A_2236 = arith.index_cast %add3A_2234 : i32 to index
        %get3A_2237 = arith.index_cast %get3A_2235 : i32 to index
        %get3A_2238 = arith.constant 80 : index
        %get3A_2239 = tpu.vector_load %arg5[%get3A_2236, %get3A_2237, %get3A_2238] {strides = array<i32>} : memref<64x2x128xi32, #tpu.memory_space<vmem>>, vector<16xi32>,
        %add3A_2240 = vector.broadcast %mul3A_38 : i32 to vector<16xi32>
        %add3A_2241 = arith.addi %get3A_2239, %add3A_2240 : vector<16xi32>
        %mul3A_2242 = arith.constant 2 : i32
        %mul3A_2243 = vector.broadcast %mul3A_2242 : i32 to vector<16xi32>
        %mul3A_2244 = arith.muli %mul3A_2243, %iota3A : vector<16xi32>
        %add3A_2245 = arith.constant 32 : i32
        %add3A_2246 = vector.broadcast %add3A_2245 : i32 to vector<16xi32>
        %add3A_2247 = arith.addi %mul3A_2244, %add3A_2246 : vector<16xi32>
        %broadcast_in_dim3A_2248 = arith.constant 5 : i32
        %broadcast_in_dim3A_2249 = vector.broadcast %broadcast_in_dim3A_2248 : i32 to vector<16xi32>
        tpu.vector_store_idx %arg6[%broadcast_in_dim3A_2249, %add3A_2247], %add3A_2241 : memref<8x128xi32, #tpu.memory_space<vmem>>[vector<16xi32>, vector<16xi32>], vector<16xi32>,
        %mul3A_2250 = arith.constant 4 : i32
        %mul3A_2251 = arith.muli %mul3A_2250, %add3A_1527 : i32
        %add3A_2252 = arith.constant 2 : i32
        %add3A_2253 = arith.addi %mul3A_2251, %add3A_2252 : i32
        %get3A_2254 = arith.constant 0 : i32
        %get3A_2255 = arith.index_cast %add3A_2253 : i32 to index
        %get3A_2256 = arith.index_cast %get3A_2254 : i32 to index
        %get3A_2257 = arith.constant 96 : index
        %get3A_2258 = tpu.vector_load %arg5[%get3A_2255, %get3A_2256, %get3A_2257] {strides = array<i32>} : memref<64x2x128xi32, #tpu.memory_space<vmem>>, vector<16xi32>,
        %add3A_2259 = vector.broadcast %mul3A_38 : i32 to vector<16xi32>
        %add3A_2260 = arith.addi %get3A_2258, %add3A_2259 : vector<16xi32>
        %mul3A_2261 = arith.constant 2 : i32
        %mul3A_2262 = vector.broadcast %mul3A_2261 : i32 to vector<16xi32>
        %mul3A_2263 = arith.muli %mul3A_2262, %iota3A : vector<16xi32>
        %add3A_2264 = arith.constant 64 : i32
        %add3A_2265 = vector.broadcast %add3A_2264 : i32 to vector<16xi32>
        %add3A_2266 = arith.addi %mul3A_2263, %add3A_2265 : vector<16xi32>
        %broadcast_in_dim3A_2267 = arith.constant 5 : i32
        %broadcast_in_dim3A_2268 = vector.broadcast %broadcast_in_dim3A_2267 : i32 to vector<16xi32>
        tpu.vector_store_idx %arg6[%broadcast_in_dim3A_2268, %add3A_2266], %add3A_2260 : memref<8x128xi32, #tpu.memory_space<vmem>>[vector<16xi32>, vector<16xi32>], vector<16xi32>,
        %mul3A_2269 = arith.constant 4 : i32
        %mul3A_2270 = arith.muli %mul3A_2269, %add3A_1527 : i32
        %add3A_2271 = arith.constant 2 : i32
        %add3A_2272 = arith.addi %mul3A_2270, %add3A_2271 : i32
        %get3A_2273 = arith.constant 0 : i32
        %get3A_2274 = arith.index_cast %add3A_2272 : i32 to index
        %get3A_2275 = arith.index_cast %get3A_2273 : i32 to index
        %get3A_2276 = arith.constant 112 : index
        %get3A_2277 = tpu.vector_load %arg5[%get3A_2274, %get3A_2275, %get3A_2276] {strides = array<i32>} : memref<64x2x128xi32, #tpu.memory_space<vmem>>, vector<16xi32>,
        %add3A_2278 = vector.broadcast %mul3A_38 : i32 to vector<16xi32>
        %add3A_2279 = arith.addi %get3A_2277, %add3A_2278 : vector<16xi32>
        %mul3A_2280 = arith.constant 2 : i32
        %mul3A_2281 = vector.broadcast %mul3A_2280 : i32 to vector<16xi32>
        %mul3A_2282 = arith.muli %mul3A_2281, %iota3A : vector<16xi32>
        %add3A_2283 = arith.constant 96 : i32
        %add3A_2284 = vector.broadcast %add3A_2283 : i32 to vector<16xi32>
        %add3A_2285 = arith.addi %mul3A_2282, %add3A_2284 : vector<16xi32>
        %broadcast_in_dim3A_2286 = arith.constant 5 : i32
        %broadcast_in_dim3A_2287 = vector.broadcast %broadcast_in_dim3A_2286 : i32 to vector<16xi32>
        tpu.vector_store_idx %arg6[%broadcast_in_dim3A_2287, %add3A_2285], %add3A_2279 : memref<8x128xi32, #tpu.memory_space<vmem>>[vector<16xi32>, vector<16xi32>], vector<16xi32>,
        %mul3A_2288 = arith.constant 4 : i32
        %mul3A_2289 = arith.muli %mul3A_2288, %add3A_1527 : i32
        %add3A_2290 = arith.constant 2 : i32
        %add3A_2291 = arith.addi %mul3A_2289, %add3A_2290 : i32
        %get3A_2292 = arith.constant 1 : i32
        %get3A_2293 = arith.index_cast %add3A_2291 : i32 to index
        %get3A_2294 = arith.index_cast %get3A_2292 : i32 to index
        %get3A_2295 = arith.constant 0 : index
        %get3A_2296 = tpu.vector_load %arg5[%get3A_2293, %get3A_2294, %get3A_2295] {strides = array<i32>} : memref<64x2x128xi32, #tpu.memory_space<vmem>>, vector<16xi32>,
        %add3A_2297 = vector.broadcast %mul3A_44 : i32 to vector<16xi32>
        %add3A_2298 = arith.addi %get3A_2296, %add3A_2297 : vector<16xi32>
        %mul3A_2299 = arith.constant 2 : i32
        %mul3A_2300 = vector.broadcast %mul3A_2299 : i32 to vector<16xi32>
        %mul3A_2301 = arith.muli %mul3A_2300, %iota3A : vector<16xi32>
        %add3A_2302 = arith.constant 1 : i32
        %add3A_2303 = vector.broadcast %add3A_2302 : i32 to vector<16xi32>
        %add3A_2304 = arith.addi %mul3A_2301, %add3A_2303 : vector<16xi32>
        %broadcast_in_dim3A_2305 = arith.constant 4 : i32
        %broadcast_in_dim3A_2306 = vector.broadcast %broadcast_in_dim3A_2305 : i32 to vector<16xi32>
        tpu.vector_store_idx %arg6[%broadcast_in_dim3A_2306, %add3A_2304], %add3A_2298 : memref<8x128xi32, #tpu.memory_space<vmem>>[vector<16xi32>, vector<16xi32>], vector<16xi32>,
        %mul3A_2307 = arith.constant 4 : i32
        %mul3A_2308 = arith.muli %mul3A_2307, %add3A_1527 : i32
        %add3A_2309 = arith.constant 2 : i32
        %add3A_2310 = arith.addi %mul3A_2308, %add3A_2309 : i32
        %get3A_2311 = arith.constant 1 : i32
        %get3A_2312 = arith.index_cast %add3A_2310 : i32 to index
        %get3A_2313 = arith.index_cast %get3A_2311 : i32 to index
        %get3A_2314 = arith.constant 16 : index
        %get3A_2315 = tpu.vector_load %arg5[%get3A_2312, %get3A_2313, %get3A_2314] {strides = array<i32>} : memref<64x2x128xi32, #tpu.memory_space<vmem>>, vector<16xi32>,
        %add3A_2316 = vector.broadcast %mul3A_44 : i32 to vector<16xi32>
        %add3A_2317 = arith.addi %get3A_2315, %add3A_2316 : vector<16xi32>
        %mul3A_2318 = arith.constant 2 : i32
        %mul3A_2319 = vector.broadcast %mul3A_2318 : i32 to vector<16xi32>
        %mul3A_2320 = arith.muli %mul3A_2319, %iota3A : vector<16xi32>
        %add3A_2321 = arith.constant 33 : i32
        %add3A_2322 = vector.broadcast %add3A_2321 : i32 to vector<16xi32>
        %add3A_2323 = arith.addi %mul3A_2320, %add3A_2322 : vector<16xi32>
        %broadcast_in_dim3A_2324 = arith.constant 4 : i32
        %broadcast_in_dim3A_2325 = vector.broadcast %broadcast_in_dim3A_2324 : i32 to vector<16xi32>
        tpu.vector_store_idx %arg6[%broadcast_in_dim3A_2325, %add3A_2323], %add3A_2317 : memref<8x128xi32, #tpu.memory_space<vmem>>[vector<16xi32>, vector<16xi32>], vector<16xi32>,
        %mul3A_2326 = arith.constant 4 : i32
        %mul3A_2327 = arith.muli %mul3A_2326, %add3A_1527 : i32
        %add3A_2328 = arith.constant 2 : i32
        %add3A_2329 = arith.addi %mul3A_2327, %add3A_2328 : i32
        %get3A_2330 = arith.constant 1 : i32
        %get3A_2331 = arith.index_cast %add3A_2329 : i32 to index
        %get3A_2332 = arith.index_cast %get3A_2330 : i32 to index
        %get3A_2333 = arith.constant 32 : index
        %get3A_2334 = tpu.vector_load %arg5[%get3A_2331, %get3A_2332, %get3A_2333] {strides = array<i32>} : memref<64x2x128xi32, #tpu.memory_space<vmem>>, vector<16xi32>,
        %add3A_2335 = vector.broadcast %mul3A_44 : i32 to vector<16xi32>
        %add3A_2336 = arith.addi %get3A_2334, %add3A_2335 : vector<16xi32>
        %mul3A_2337 = arith.constant 2 : i32
        %mul3A_2338 = vector.broadcast %mul3A_2337 : i32 to vector<16xi32>
        %mul3A_2339 = arith.muli %mul3A_2338, %iota3A : vector<16xi32>
        %add3A_2340 = arith.constant 65 : i32
        %add3A_2341 = vector.broadcast %add3A_2340 : i32 to vector<16xi32>
        %add3A_2342 = arith.addi %mul3A_2339, %add3A_2341 : vector<16xi32>
        %broadcast_in_dim3A_2343 = arith.constant 4 : i32
        %broadcast_in_dim3A_2344 = vector.broadcast %broadcast_in_dim3A_2343 : i32 to vector<16xi32>
        tpu.vector_store_idx %arg6[%broadcast_in_dim3A_2344, %add3A_2342], %add3A_2336 : memref<8x128xi32, #tpu.memory_space<vmem>>[vector<16xi32>, vector<16xi32>], vector<16xi32>,
        %mul3A_2345 = arith.constant 4 : i32
        %mul3A_2346 = arith.muli %mul3A_2345, %add3A_1527 : i32
        %add3A_2347 = arith.constant 2 : i32
        %add3A_2348 = arith.addi %mul3A_2346, %add3A_2347 : i32
        %get3A_2349 = arith.constant 1 : i32
        %get3A_2350 = arith.index_cast %add3A_2348 : i32 to index
        %get3A_2351 = arith.index_cast %get3A_2349 : i32 to index
        %get3A_2352 = arith.constant 48 : index
        %get3A_2353 = tpu.vector_load %arg5[%get3A_2350, %get3A_2351, %get3A_2352] {strides = array<i32>} : memref<64x2x128xi32, #tpu.memory_space<vmem>>, vector<16xi32>,
        %add3A_2354 = vector.broadcast %mul3A_44 : i32 to vector<16xi32>
        %add3A_2355 = arith.addi %get3A_2353, %add3A_2354 : vector<16xi32>
        %mul3A_2356 = arith.constant 2 : i32
        %mul3A_2357 = vector.broadcast %mul3A_2356 : i32 to vector<16xi32>
        %mul3A_2358 = arith.muli %mul3A_2357, %iota3A : vector<16xi32>
        %add3A_2359 = arith.constant 97 : i32
        %add3A_2360 = vector.broadcast %add3A_2359 : i32 to vector<16xi32>
        %add3A_2361 = arith.addi %mul3A_2358, %add3A_2360 : vector<16xi32>
        %broadcast_in_dim3A_2362 = arith.constant 4 : i32
        %broadcast_in_dim3A_2363 = vector.broadcast %broadcast_in_dim3A_2362 : i32 to vector<16xi32>
        tpu.vector_store_idx %arg6[%broadcast_in_dim3A_2363, %add3A_2361], %add3A_2355 : memref<8x128xi32, #tpu.memory_space<vmem>>[vector<16xi32>, vector<16xi32>], vector<16xi32>,
        %mul3A_2364 = arith.constant 4 : i32
        %mul3A_2365 = arith.muli %mul3A_2364, %add3A_1527 : i32
        %add3A_2366 = arith.constant 2 : i32
        %add3A_2367 = arith.addi %mul3A_2365, %add3A_2366 : i32
        %get3A_2368 = arith.constant 1 : i32
        %get3A_2369 = arith.index_cast %add3A_2367 : i32 to index
        %get3A_2370 = arith.index_cast %get3A_2368 : i32 to index
        %get3A_2371 = arith.constant 64 : index
        %get3A_2372 = tpu.vector_load %arg5[%get3A_2369, %get3A_2370, %get3A_2371] {strides = array<i32>} : memref<64x2x128xi32, #tpu.memory_space<vmem>>, vector<16xi32>,
        %add3A_2373 = vector.broadcast %mul3A_44 : i32 to vector<16xi32>
        %add3A_2374 = arith.addi %get3A_2372, %add3A_2373 : vector<16xi32>
        %mul3A_2375 = arith.constant 2 : i32
        %mul3A_2376 = vector.broadcast %mul3A_2375 : i32 to vector<16xi32>
        %mul3A_2377 = arith.muli %mul3A_2376, %iota3A : vector<16xi32>
        %add3A_2378 = arith.constant 1 : i32
        %add3A_2379 = vector.broadcast %add3A_2378 : i32 to vector<16xi32>
        %add3A_2380 = arith.addi %mul3A_2377, %add3A_2379 : vector<16xi32>
        %broadcast_in_dim3A_2381 = arith.constant 5 : i32
        %broadcast_in_dim3A_2382 = vector.broadcast %broadcast_in_dim3A_2381 : i32 to vector<16xi32>
        tpu.vector_store_idx %arg6[%broadcast_in_dim3A_2382, %add3A_2380], %add3A_2374 : memref<8x128xi32, #tpu.memory_space<vmem>>[vector<16xi32>, vector<16xi32>], vector<16xi32>,
        %mul3A_2383 = arith.constant 4 : i32
        %mul3A_2384 = arith.muli %mul3A_2383, %add3A_1527 : i32
        %add3A_2385 = arith.constant 2 : i32
        %add3A_2386 = arith.addi %mul3A_2384, %add3A_2385 : i32
        %get3A_2387 = arith.constant 1 : i32
        %get3A_2388 = arith.index_cast %add3A_2386 : i32 to index
        %get3A_2389 = arith.index_cast %get3A_2387 : i32 to index
        %get3A_2390 = arith.constant 80 : index
        %get3A_2391 = tpu.vector_load %arg5[%get3A_2388, %get3A_2389, %get3A_2390] {strides = array<i32>} : memref<64x2x128xi32, #tpu.memory_space<vmem>>, vector<16xi32>,
        %add3A_2392 = vector.broadcast %mul3A_44 : i32 to vector<16xi32>
        %add3A_2393 = arith.addi %get3A_2391, %add3A_2392 : vector<16xi32>
        %mul3A_2394 = arith.constant 2 : i32
        %mul3A_2395 = vector.broadcast %mul3A_2394 : i32 to vector<16xi32>
        %mul3A_2396 = arith.muli %mul3A_2395, %iota3A : vector<16xi32>
        %add3A_2397 = arith.constant 33 : i32
        %add3A_2398 = vector.broadcast %add3A_2397 : i32 to vector<16xi32>
        %add3A_2399 = arith.addi %mul3A_2396, %add3A_2398 : vector<16xi32>
        %broadcast_in_dim3A_2400 = arith.constant 5 : i32
        %broadcast_in_dim3A_2401 = vector.broadcast %broadcast_in_dim3A_2400 : i32 to vector<16xi32>
        tpu.vector_store_idx %arg6[%broadcast_in_dim3A_2401, %add3A_2399], %add3A_2393 : memref<8x128xi32, #tpu.memory_space<vmem>>[vector<16xi32>, vector<16xi32>], vector<16xi32>,
        %mul3A_2402 = arith.constant 4 : i32
        %mul3A_2403 = arith.muli %mul3A_2402, %add3A_1527 : i32
        %add3A_2404 = arith.constant 2 : i32
        %add3A_2405 = arith.addi %mul3A_2403, %add3A_2404 : i32
        %get3A_2406 = arith.constant 1 : i32
        %get3A_2407 = arith.index_cast %add3A_2405 : i32 to index
        %get3A_2408 = arith.index_cast %get3A_2406 : i32 to index
        %get3A_2409 = arith.constant 96 : index
        %get3A_2410 = tpu.vector_load %arg5[%get3A_2407, %get3A_2408, %get3A_2409] {strides = array<i32>} : memref<64x2x128xi32, #tpu.memory_space<vmem>>, vector<16xi32>,
        %add3A_2411 = vector.broadcast %mul3A_44 : i32 to vector<16xi32>
        %add3A_2412 = arith.addi %get3A_2410, %add3A_2411 : vector<16xi32>
        %mul3A_2413 = arith.constant 2 : i32
        %mul3A_2414 = vector.broadcast %mul3A_2413 : i32 to vector<16xi32>
        %mul3A_2415 = arith.muli %mul3A_2414, %iota3A : vector<16xi32>
        %add3A_2416 = arith.constant 65 : i32
        %add3A_2417 = vector.broadcast %add3A_2416 : i32 to vector<16xi32>
        %add3A_2418 = arith.addi %mul3A_2415, %add3A_2417 : vector<16xi32>
        %broadcast_in_dim3A_2419 = arith.constant 5 : i32
        %broadcast_in_dim3A_2420 = vector.broadcast %broadcast_in_dim3A_2419 : i32 to vector<16xi32>
        tpu.vector_store_idx %arg6[%broadcast_in_dim3A_2420, %add3A_2418], %add3A_2412 : memref<8x128xi32, #tpu.memory_space<vmem>>[vector<16xi32>, vector<16xi32>], vector<16xi32>,
        %mul3A_2421 = arith.constant 4 : i32
        %mul3A_2422 = arith.muli %mul3A_2421, %add3A_1527 : i32
        %add3A_2423 = arith.constant 2 : i32
        %add3A_2424 = arith.addi %mul3A_2422, %add3A_2423 : i32
        %get3A_2425 = arith.constant 1 : i32
        %get3A_2426 = arith.index_cast %add3A_2424 : i32 to index
        %get3A_2427 = arith.index_cast %get3A_2425 : i32 to index
        %get3A_2428 = arith.constant 112 : index
        %get3A_2429 = tpu.vector_load %arg5[%get3A_2426, %get3A_2427, %get3A_2428] {strides = array<i32>} : memref<64x2x128xi32, #tpu.memory_space<vmem>>, vector<16xi32>,
        %add3A_2430 = vector.broadcast %mul3A_44 : i32 to vector<16xi32>
        %add3A_2431 = arith.addi %get3A_2429, %add3A_2430 : vector<16xi32>
        %mul3A_2432 = arith.constant 2 : i32
        %mul3A_2433 = vector.broadcast %mul3A_2432 : i32 to vector<16xi32>
        %mul3A_2434 = arith.muli %mul3A_2433, %iota3A : vector<16xi32>
        %add3A_2435 = arith.constant 97 : i32
        %add3A_2436 = vector.broadcast %add3A_2435 : i32 to vector<16xi32>
        %add3A_2437 = arith.addi %mul3A_2434, %add3A_2436 : vector<16xi32>
        %broadcast_in_dim3A_2438 = arith.constant 5 : i32
        %broadcast_in_dim3A_2439 = vector.broadcast %broadcast_in_dim3A_2438 : i32 to vector<16xi32>
        tpu.vector_store_idx %arg6[%broadcast_in_dim3A_2439, %add3A_2437], %add3A_2431 : memref<8x128xi32, #tpu.memory_space<vmem>>[vector<16xi32>, vector<16xi32>], vector<16xi32>,
        %mul3A_2440 = arith.constant 4 : i32
        %mul3A_2441 = arith.muli %mul3A_2440, %add3A_1527 : i32
        %add3A_2442 = arith.constant 3 : i32
        %add3A_2443 = arith.addi %mul3A_2441, %add3A_2442 : i32
        %get3A_2444 = arith.constant 0 : i32
        %get3A_2445 = arith.index_cast %add3A_2443 : i32 to index
        %get3A_2446 = arith.index_cast %get3A_2444 : i32 to index
        %get3A_2447 = arith.constant 0 : index
        %get3A_2448 = tpu.vector_load %arg5[%get3A_2445, %get3A_2446, %get3A_2447] {strides = array<i32>} : memref<64x2x128xi32, #tpu.memory_space<vmem>>, vector<16xi32>,
        %add3A_2449 = vector.broadcast %mul3A_38 : i32 to vector<16xi32>
        %add3A_2450 = arith.addi %get3A_2448, %add3A_2449 : vector<16xi32>
        %mul3A_2451 = arith.constant 2 : i32
        %mul3A_2452 = vector.broadcast %mul3A_2451 : i32 to vector<16xi32>
        %mul3A_2453 = arith.muli %mul3A_2452, %iota3A : vector<16xi32>
        %add3A_2454 = arith.constant 0 : i32
        %add3A_2455 = vector.broadcast %add3A_2454 : i32 to vector<16xi32>
        %add3A_2456 = arith.addi %mul3A_2453, %add3A_2455 : vector<16xi32>
        %broadcast_in_dim3A_2457 = arith.constant 6 : i32
        %broadcast_in_dim3A_2458 = vector.broadcast %broadcast_in_dim3A_2457 : i32 to vector<16xi32>
        tpu.vector_store_idx %arg6[%broadcast_in_dim3A_2458, %add3A_2456], %add3A_2450 : memref<8x128xi32, #tpu.memory_space<vmem>>[vector<16xi32>, vector<16xi32>], vector<16xi32>,
        %mul3A_2459 = arith.constant 4 : i32
        %mul3A_2460 = arith.muli %mul3A_2459, %add3A_1527 : i32
        %add3A_2461 = arith.constant 3 : i32
        %add3A_2462 = arith.addi %mul3A_2460, %add3A_2461 : i32
        %get3A_2463 = arith.constant 0 : i32
        %get3A_2464 = arith.index_cast %add3A_2462 : i32 to index
        %get3A_2465 = arith.index_cast %get3A_2463 : i32 to index
        %get3A_2466 = arith.constant 16 : index
        %get3A_2467 = tpu.vector_load %arg5[%get3A_2464, %get3A_2465, %get3A_2466] {strides = array<i32>} : memref<64x2x128xi32, #tpu.memory_space<vmem>>, vector<16xi32>,
        %add3A_2468 = vector.broadcast %mul3A_38 : i32 to vector<16xi32>
        %add3A_2469 = arith.addi %get3A_2467, %add3A_2468 : vector<16xi32>
        %mul3A_2470 = arith.constant 2 : i32
        %mul3A_2471 = vector.broadcast %mul3A_2470 : i32 to vector<16xi32>
        %mul3A_2472 = arith.muli %mul3A_2471, %iota3A : vector<16xi32>
        %add3A_2473 = arith.constant 32 : i32
        %add3A_2474 = vector.broadcast %add3A_2473 : i32 to vector<16xi32>
        %add3A_2475 = arith.addi %mul3A_2472, %add3A_2474 : vector<16xi32>
        %broadcast_in_dim3A_2476 = arith.constant 6 : i32
        %broadcast_in_dim3A_2477 = vector.broadcast %broadcast_in_dim3A_2476 : i32 to vector<16xi32>
        tpu.vector_store_idx %arg6[%broadcast_in_dim3A_2477, %add3A_2475], %add3A_2469 : memref<8x128xi32, #tpu.memory_space<vmem>>[vector<16xi32>, vector<16xi32>], vector<16xi32>,
        %mul3A_2478 = arith.constant 4 : i32
        %mul3A_2479 = arith.muli %mul3A_2478, %add3A_1527 : i32
        %add3A_2480 = arith.constant 3 : i32
        %add3A_2481 = arith.addi %mul3A_2479, %add3A_2480 : i32
        %get3A_2482 = arith.constant 0 : i32
        %get3A_2483 = arith.index_cast %add3A_2481 : i32 to index
        %get3A_2484 = arith.index_cast %get3A_2482 : i32 to index
        %get3A_2485 = arith.constant 32 : index
        %get3A_2486 = tpu.vector_load %arg5[%get3A_2483, %get3A_2484, %get3A_2485] {strides = array<i32>} : memref<64x2x128xi32, #tpu.memory_space<vmem>>, vector<16xi32>,
        %add3A_2487 = vector.broadcast %mul3A_38 : i32 to vector<16xi32>
        %add3A_2488 = arith.addi %get3A_2486, %add3A_2487 : vector<16xi32>
        %mul3A_2489 = arith.constant 2 : i32
        %mul3A_2490 = vector.broadcast %mul3A_2489 : i32 to vector<16xi32>
        %mul3A_2491 = arith.muli %mul3A_2490, %iota3A : vector<16xi32>
        %add3A_2492 = arith.constant 64 : i32
        %add3A_2493 = vector.broadcast %add3A_2492 : i32 to vector<16xi32>
        %add3A_2494 = arith.addi %mul3A_2491, %add3A_2493 : vector<16xi32>
        %broadcast_in_dim3A_2495 = arith.constant 6 : i32
        %broadcast_in_dim3A_2496 = vector.broadcast %broadcast_in_dim3A_2495 : i32 to vector<16xi32>
        tpu.vector_store_idx %arg6[%broadcast_in_dim3A_2496, %add3A_2494], %add3A_2488 : memref<8x128xi32, #tpu.memory_space<vmem>>[vector<16xi32>, vector<16xi32>], vector<16xi32>,
        %mul3A_2497 = arith.constant 4 : i32
        %mul3A_2498 = arith.muli %mul3A_2497, %add3A_1527 : i32
        %add3A_2499 = arith.constant 3 : i32
        %add3A_2500 = arith.addi %mul3A_2498, %add3A_2499 : i32
        %get3A_2501 = arith.constant 0 : i32
        %get3A_2502 = arith.index_cast %add3A_2500 : i32 to index
        %get3A_2503 = arith.index_cast %get3A_2501 : i32 to index
        %get3A_2504 = arith.constant 48 : index
        %get3A_2505 = tpu.vector_load %arg5[%get3A_2502, %get3A_2503, %get3A_2504] {strides = array<i32>} : memref<64x2x128xi32, #tpu.memory_space<vmem>>, vector<16xi32>,
        %add3A_2506 = vector.broadcast %mul3A_38 : i32 to vector<16xi32>
        %add3A_2507 = arith.addi %get3A_2505, %add3A_2506 : vector<16xi32>
        %mul3A_2508 = arith.constant 2 : i32
        %mul3A_2509 = vector.broadcast %mul3A_2508 : i32 to vector<16xi32>
        %mul3A_2510 = arith.muli %mul3A_2509, %iota3A : vector<16xi32>
        %add3A_2511 = arith.constant 96 : i32
        %add3A_2512 = vector.broadcast %add3A_2511 : i32 to vector<16xi32>
        %add3A_2513 = arith.addi %mul3A_2510, %add3A_2512 : vector<16xi32>
        %broadcast_in_dim3A_2514 = arith.constant 6 : i32
        %broadcast_in_dim3A_2515 = vector.broadcast %broadcast_in_dim3A_2514 : i32 to vector<16xi32>
        tpu.vector_store_idx %arg6[%broadcast_in_dim3A_2515, %add3A_2513], %add3A_2507 : memref<8x128xi32, #tpu.memory_space<vmem>>[vector<16xi32>, vector<16xi32>], vector<16xi32>,
        %mul3A_2516 = arith.constant 4 : i32
        %mul3A_2517 = arith.muli %mul3A_2516, %add3A_1527 : i32
        %add3A_2518 = arith.constant 3 : i32
        %add3A_2519 = arith.addi %mul3A_2517, %add3A_2518 : i32
        %get3A_2520 = arith.constant 0 : i32
        %get3A_2521 = arith.index_cast %add3A_2519 : i32 to index
        %get3A_2522 = arith.index_cast %get3A_2520 : i32 to index
        %get3A_2523 = arith.constant 64 : index
        %get3A_2524 = tpu.vector_load %arg5[%get3A_2521, %get3A_2522, %get3A_2523] {strides = array<i32>} : memref<64x2x128xi32, #tpu.memory_space<vmem>>, vector<16xi32>,
        %add3A_2525 = vector.broadcast %mul3A_38 : i32 to vector<16xi32>
        %add3A_2526 = arith.addi %get3A_2524, %add3A_2525 : vector<16xi32>
        %mul3A_2527 = arith.constant 2 : i32
        %mul3A_2528 = vector.broadcast %mul3A_2527 : i32 to vector<16xi32>
        %mul3A_2529 = arith.muli %mul3A_2528, %iota3A : vector<16xi32>
        %add3A_2530 = arith.constant 0 : i32
        %add3A_2531 = vector.broadcast %add3A_2530 : i32 to vector<16xi32>
        %add3A_2532 = arith.addi %mul3A_2529, %add3A_2531 : vector<16xi32>
        %broadcast_in_dim3A_2533 = arith.constant 7 : i32
        %broadcast_in_dim3A_2534 = vector.broadcast %broadcast_in_dim3A_2533 : i32 to vector<16xi32>
        tpu.vector_store_idx %arg6[%broadcast_in_dim3A_2534, %add3A_2532], %add3A_2526 : memref<8x128xi32, #tpu.memory_space<vmem>>[vector<16xi32>, vector<16xi32>], vector<16xi32>,
        %mul3A_2535 = arith.constant 4 : i32
        %mul3A_2536 = arith.muli %mul3A_2535, %add3A_1527 : i32
        %add3A_2537 = arith.constant 3 : i32
        %add3A_2538 = arith.addi %mul3A_2536, %add3A_2537 : i32
        %get3A_2539 = arith.constant 0 : i32
        %get3A_2540 = arith.index_cast %add3A_2538 : i32 to index
        %get3A_2541 = arith.index_cast %get3A_2539 : i32 to index
        %get3A_2542 = arith.constant 80 : index
        %get3A_2543 = tpu.vector_load %arg5[%get3A_2540, %get3A_2541, %get3A_2542] {strides = array<i32>} : memref<64x2x128xi32, #tpu.memory_space<vmem>>, vector<16xi32>,
        %add3A_2544 = vector.broadcast %mul3A_38 : i32 to vector<16xi32>
        %add3A_2545 = arith.addi %get3A_2543, %add3A_2544 : vector<16xi32>
        %mul3A_2546 = arith.constant 2 : i32
        %mul3A_2547 = vector.broadcast %mul3A_2546 : i32 to vector<16xi32>
        %mul3A_2548 = arith.muli %mul3A_2547, %iota3A : vector<16xi32>
        %add3A_2549 = arith.constant 32 : i32
        %add3A_2550 = vector.broadcast %add3A_2549 : i32 to vector<16xi32>
        %add3A_2551 = arith.addi %mul3A_2548, %add3A_2550 : vector<16xi32>
        %broadcast_in_dim3A_2552 = arith.constant 7 : i32
        %broadcast_in_dim3A_2553 = vector.broadcast %broadcast_in_dim3A_2552 : i32 to vector<16xi32>
        tpu.vector_store_idx %arg6[%broadcast_in_dim3A_2553, %add3A_2551], %add3A_2545 : memref<8x128xi32, #tpu.memory_space<vmem>>[vector<16xi32>, vector<16xi32>], vector<16xi32>,
        %mul3A_2554 = arith.constant 4 : i32
        %mul3A_2555 = arith.muli %mul3A_2554, %add3A_1527 : i32
        %add3A_2556 = arith.constant 3 : i32
        %add3A_2557 = arith.addi %mul3A_2555, %add3A_2556 : i32
        %get3A_2558 = arith.constant 0 : i32
        %get3A_2559 = arith.index_cast %add3A_2557 : i32 to index
        %get3A_2560 = arith.index_cast %get3A_2558 : i32 to index
        %get3A_2561 = arith.constant 96 : index
        %get3A_2562 = tpu.vector_load %arg5[%get3A_2559, %get3A_2560, %get3A_2561] {strides = array<i32>} : memref<64x2x128xi32, #tpu.memory_space<vmem>>, vector<16xi32>,
        %add3A_2563 = vector.broadcast %mul3A_38 : i32 to vector<16xi32>
        %add3A_2564 = arith.addi %get3A_2562, %add3A_2563 : vector<16xi32>
        %mul3A_2565 = arith.constant 2 : i32
        %mul3A_2566 = vector.broadcast %mul3A_2565 : i32 to vector<16xi32>
        %mul3A_2567 = arith.muli %mul3A_2566, %iota3A : vector<16xi32>
        %add3A_2568 = arith.constant 64 : i32
        %add3A_2569 = vector.broadcast %add3A_2568 : i32 to vector<16xi32>
        %add3A_2570 = arith.addi %mul3A_2567, %add3A_2569 : vector<16xi32>
        %broadcast_in_dim3A_2571 = arith.constant 7 : i32
        %broadcast_in_dim3A_2572 = vector.broadcast %broadcast_in_dim3A_2571 : i32 to vector<16xi32>
        tpu.vector_store_idx %arg6[%broadcast_in_dim3A_2572, %add3A_2570], %add3A_2564 : memref<8x128xi32, #tpu.memory_space<vmem>>[vector<16xi32>, vector<16xi32>], vector<16xi32>,
        %mul3A_2573 = arith.constant 4 : i32
        %mul3A_2574 = arith.muli %mul3A_2573, %add3A_1527 : i32
        %add3A_2575 = arith.constant 3 : i32
        %add3A_2576 = arith.addi %mul3A_2574, %add3A_2575 : i32
        %get3A_2577 = arith.constant 0 : i32
        %get3A_2578 = arith.index_cast %add3A_2576 : i32 to index
        %get3A_2579 = arith.index_cast %get3A_2577 : i32 to index
        %get3A_2580 = arith.constant 112 : index
        %get3A_2581 = tpu.vector_load %arg5[%get3A_2578, %get3A_2579, %get3A_2580] {strides = array<i32>} : memref<64x2x128xi32, #tpu.memory_space<vmem>>, vector<16xi32>,
        %add3A_2582 = vector.broadcast %mul3A_38 : i32 to vector<16xi32>
        %add3A_2583 = arith.addi %get3A_2581, %add3A_2582 : vector<16xi32>
        %mul3A_2584 = arith.constant 2 : i32
        %mul3A_2585 = vector.broadcast %mul3A_2584 : i32 to vector<16xi32>
        %mul3A_2586 = arith.muli %mul3A_2585, %iota3A : vector<16xi32>
        %add3A_2587 = arith.constant 96 : i32
        %add3A_2588 = vector.broadcast %add3A_2587 : i32 to vector<16xi32>
        %add3A_2589 = arith.addi %mul3A_2586, %add3A_2588 : vector<16xi32>
        %broadcast_in_dim3A_2590 = arith.constant 7 : i32
        %broadcast_in_dim3A_2591 = vector.broadcast %broadcast_in_dim3A_2590 : i32 to vector<16xi32>
        tpu.vector_store_idx %arg6[%broadcast_in_dim3A_2591, %add3A_2589], %add3A_2583 : memref<8x128xi32, #tpu.memory_space<vmem>>[vector<16xi32>, vector<16xi32>], vector<16xi32>,
        %mul3A_2592 = arith.constant 4 : i32
        %mul3A_2593 = arith.muli %mul3A_2592, %add3A_1527 : i32
        %add3A_2594 = arith.constant 3 : i32
        %add3A_2595 = arith.addi %mul3A_2593, %add3A_2594 : i32
        %get3A_2596 = arith.constant 1 : i32
        %get3A_2597 = arith.index_cast %add3A_2595 : i32 to index
        %get3A_2598 = arith.index_cast %get3A_2596 : i32 to index
        %get3A_2599 = arith.constant 0 : index
        %get3A_2600 = tpu.vector_load %arg5[%get3A_2597, %get3A_2598, %get3A_2599] {strides = array<i32>} : memref<64x2x128xi32, #tpu.memory_space<vmem>>, vector<16xi32>,
        %add3A_2601 = vector.broadcast %mul3A_44 : i32 to vector<16xi32>
        %add3A_2602 = arith.addi %get3A_2600, %add3A_2601 : vector<16xi32>
        %mul3A_2603 = arith.constant 2 : i32
        %mul3A_2604 = vector.broadcast %mul3A_2603 : i32 to vector<16xi32>
        %mul3A_2605 = arith.muli %mul3A_2604, %iota3A : vector<16xi32>
        %add3A_2606 = arith.constant 1 : i32
        %add3A_2607 = vector.broadcast %add3A_2606 : i32 to vector<16xi32>
        %add3A_2608 = arith.addi %mul3A_2605, %add3A_2607 : vector<16xi32>
        %broadcast_in_dim3A_2609 = arith.constant 6 : i32
        %broadcast_in_dim3A_2610 = vector.broadcast %broadcast_in_dim3A_2609 : i32 to vector<16xi32>
        tpu.vector_store_idx %arg6[%broadcast_in_dim3A_2610, %add3A_2608], %add3A_2602 : memref<8x128xi32, #tpu.memory_space<vmem>>[vector<16xi32>, vector<16xi32>], vector<16xi32>,
        %mul3A_2611 = arith.constant 4 : i32
        %mul3A_2612 = arith.muli %mul3A_2611, %add3A_1527 : i32
        %add3A_2613 = arith.constant 3 : i32
        %add3A_2614 = arith.addi %mul3A_2612, %add3A_2613 : i32
        %get3A_2615 = arith.constant 1 : i32
        %get3A_2616 = arith.index_cast %add3A_2614 : i32 to index
        %get3A_2617 = arith.index_cast %get3A_2615 : i32 to index
        %get3A_2618 = arith.constant 16 : index
        %get3A_2619 = tpu.vector_load %arg5[%get3A_2616, %get3A_2617, %get3A_2618] {strides = array<i32>} : memref<64x2x128xi32, #tpu.memory_space<vmem>>, vector<16xi32>,
        %add3A_2620 = vector.broadcast %mul3A_44 : i32 to vector<16xi32>
        %add3A_2621 = arith.addi %get3A_2619, %add3A_2620 : vector<16xi32>
        %mul3A_2622 = arith.constant 2 : i32
        %mul3A_2623 = vector.broadcast %mul3A_2622 : i32 to vector<16xi32>
        %mul3A_2624 = arith.muli %mul3A_2623, %iota3A : vector<16xi32>
        %add3A_2625 = arith.constant 33 : i32
        %add3A_2626 = vector.broadcast %add3A_2625 : i32 to vector<16xi32>
        %add3A_2627 = arith.addi %mul3A_2624, %add3A_2626 : vector<16xi32>
        %broadcast_in_dim3A_2628 = arith.constant 6 : i32
        %broadcast_in_dim3A_2629 = vector.broadcast %broadcast_in_dim3A_2628 : i32 to vector<16xi32>
        tpu.vector_store_idx %arg6[%broadcast_in_dim3A_2629, %add3A_2627], %add3A_2621 : memref<8x128xi32, #tpu.memory_space<vmem>>[vector<16xi32>, vector<16xi32>], vector<16xi32>,
        %mul3A_2630 = arith.constant 4 : i32
        %mul3A_2631 = arith.muli %mul3A_2630, %add3A_1527 : i32
        %add3A_2632 = arith.constant 3 : i32
        %add3A_2633 = arith.addi %mul3A_2631, %add3A_2632 : i32
        %get3A_2634 = arith.constant 1 : i32
        %get3A_2635 = arith.index_cast %add3A_2633 : i32 to index
        %get3A_2636 = arith.index_cast %get3A_2634 : i32 to index
        %get3A_2637 = arith.constant 32 : index
        %get3A_2638 = tpu.vector_load %arg5[%get3A_2635, %get3A_2636, %get3A_2637] {strides = array<i32>} : memref<64x2x128xi32, #tpu.memory_space<vmem>>, vector<16xi32>,
        %add3A_2639 = vector.broadcast %mul3A_44 : i32 to vector<16xi32>
        %add3A_2640 = arith.addi %get3A_2638, %add3A_2639 : vector<16xi32>
        %mul3A_2641 = arith.constant 2 : i32
        %mul3A_2642 = vector.broadcast %mul3A_2641 : i32 to vector<16xi32>
        %mul3A_2643 = arith.muli %mul3A_2642, %iota3A : vector<16xi32>
        %add3A_2644 = arith.constant 65 : i32
        %add3A_2645 = vector.broadcast %add3A_2644 : i32 to vector<16xi32>
        %add3A_2646 = arith.addi %mul3A_2643, %add3A_2645 : vector<16xi32>
        %broadcast_in_dim3A_2647 = arith.constant 6 : i32
        %broadcast_in_dim3A_2648 = vector.broadcast %broadcast_in_dim3A_2647 : i32 to vector<16xi32>
        tpu.vector_store_idx %arg6[%broadcast_in_dim3A_2648, %add3A_2646], %add3A_2640 : memref<8x128xi32, #tpu.memory_space<vmem>>[vector<16xi32>, vector<16xi32>], vector<16xi32>,
        %mul3A_2649 = arith.constant 4 : i32
        %mul3A_2650 = arith.muli %mul3A_2649, %add3A_1527 : i32
        %add3A_2651 = arith.constant 3 : i32
        %add3A_2652 = arith.addi %mul3A_2650, %add3A_2651 : i32
        %get3A_2653 = arith.constant 1 : i32
        %get3A_2654 = arith.index_cast %add3A_2652 : i32 to index
        %get3A_2655 = arith.index_cast %get3A_2653 : i32 to index
        %get3A_2656 = arith.constant 48 : index
        %get3A_2657 = tpu.vector_load %arg5[%get3A_2654, %get3A_2655, %get3A_2656] {strides = array<i32>} : memref<64x2x128xi32, #tpu.memory_space<vmem>>, vector<16xi32>,
        %add3A_2658 = vector.broadcast %mul3A_44 : i32 to vector<16xi32>
        %add3A_2659 = arith.addi %get3A_2657, %add3A_2658 : vector<16xi32>
        %mul3A_2660 = arith.constant 2 : i32
        %mul3A_2661 = vector.broadcast %mul3A_2660 : i32 to vector<16xi32>
        %mul3A_2662 = arith.muli %mul3A_2661, %iota3A : vector<16xi32>
        %add3A_2663 = arith.constant 97 : i32
        %add3A_2664 = vector.broadcast %add3A_2663 : i32 to vector<16xi32>
        %add3A_2665 = arith.addi %mul3A_2662, %add3A_2664 : vector<16xi32>
        %broadcast_in_dim3A_2666 = arith.constant 6 : i32
        %broadcast_in_dim3A_2667 = vector.broadcast %broadcast_in_dim3A_2666 : i32 to vector<16xi32>
        tpu.vector_store_idx %arg6[%broadcast_in_dim3A_2667, %add3A_2665], %add3A_2659 : memref<8x128xi32, #tpu.memory_space<vmem>>[vector<16xi32>, vector<16xi32>], vector<16xi32>,
        %mul3A_2668 = arith.constant 4 : i32
        %mul3A_2669 = arith.muli %mul3A_2668, %add3A_1527 : i32
        %add3A_2670 = arith.constant 3 : i32
        %add3A_2671 = arith.addi %mul3A_2669, %add3A_2670 : i32
        %get3A_2672 = arith.constant 1 : i32
        %get3A_2673 = arith.index_cast %add3A_2671 : i32 to index
        %get3A_2674 = arith.index_cast %get3A_2672 : i32 to index
        %get3A_2675 = arith.constant 64 : index
        %get3A_2676 = tpu.vector_load %arg5[%get3A_2673, %get3A_2674, %get3A_2675] {strides = array<i32>} : memref<64x2x128xi32, #tpu.memory_space<vmem>>, vector<16xi32>,
        %add3A_2677 = vector.broadcast %mul3A_44 : i32 to vector<16xi32>
        %add3A_2678 = arith.addi %get3A_2676, %add3A_2677 : vector<16xi32>
        %mul3A_2679 = arith.constant 2 : i32
        %mul3A_2680 = vector.broadcast %mul3A_2679 : i32 to vector<16xi32>
        %mul3A_2681 = arith.muli %mul3A_2680, %iota3A : vector<16xi32>
        %add3A_2682 = arith.constant 1 : i32
        %add3A_2683 = vector.broadcast %add3A_2682 : i32 to vector<16xi32>
        %add3A_2684 = arith.addi %mul3A_2681, %add3A_2683 : vector<16xi32>
        %broadcast_in_dim3A_2685 = arith.constant 7 : i32
        %broadcast_in_dim3A_2686 = vector.broadcast %broadcast_in_dim3A_2685 : i32 to vector<16xi32>
        tpu.vector_store_idx %arg6[%broadcast_in_dim3A_2686, %add3A_2684], %add3A_2678 : memref<8x128xi32, #tpu.memory_space<vmem>>[vector<16xi32>, vector<16xi32>], vector<16xi32>,
        %mul3A_2687 = arith.constant 4 : i32
        %mul3A_2688 = arith.muli %mul3A_2687, %add3A_1527 : i32
        %add3A_2689 = arith.constant 3 : i32
        %add3A_2690 = arith.addi %mul3A_2688, %add3A_2689 : i32
        %get3A_2691 = arith.constant 1 : i32
        %get3A_2692 = arith.index_cast %add3A_2690 : i32 to index
        %get3A_2693 = arith.index_cast %get3A_2691 : i32 to index
        %get3A_2694 = arith.constant 80 : index
        %get3A_2695 = tpu.vector_load %arg5[%get3A_2692, %get3A_2693, %get3A_2694] {strides = array<i32>} : memref<64x2x128xi32, #tpu.memory_space<vmem>>, vector<16xi32>,
        %add3A_2696 = vector.broadcast %mul3A_44 : i32 to vector<16xi32>
        %add3A_2697 = arith.addi %get3A_2695, %add3A_2696 : vector<16xi32>
        %mul3A_2698 = arith.constant 2 : i32
        %mul3A_2699 = vector.broadcast %mul3A_2698 : i32 to vector<16xi32>
        %mul3A_2700 = arith.muli %mul3A_2699, %iota3A : vector<16xi32>
        %add3A_2701 = arith.constant 33 : i32
        %add3A_2702 = vector.broadcast %add3A_2701 : i32 to vector<16xi32>
        %add3A_2703 = arith.addi %mul3A_2700, %add3A_2702 : vector<16xi32>
        %broadcast_in_dim3A_2704 = arith.constant 7 : i32
        %broadcast_in_dim3A_2705 = vector.broadcast %broadcast_in_dim3A_2704 : i32 to vector<16xi32>
        tpu.vector_store_idx %arg6[%broadcast_in_dim3A_2705, %add3A_2703], %add3A_2697 : memref<8x128xi32, #tpu.memory_space<vmem>>[vector<16xi32>, vector<16xi32>], vector<16xi32>,
        %mul3A_2706 = arith.constant 4 : i32
        %mul3A_2707 = arith.muli %mul3A_2706, %add3A_1527 : i32
        %add3A_2708 = arith.constant 3 : i32
        %add3A_2709 = arith.addi %mul3A_2707, %add3A_2708 : i32
        %get3A_2710 = arith.constant 1 : i32
        %get3A_2711 = arith.index_cast %add3A_2709 : i32 to index
        %get3A_2712 = arith.index_cast %get3A_2710 : i32 to index
        %get3A_2713 = arith.constant 96 : index
        %get3A_2714 = tpu.vector_load %arg5[%get3A_2711, %get3A_2712, %get3A_2713] {strides = array<i32>} : memref<64x2x128xi32, #tpu.memory_space<vmem>>, vector<16xi32>,
        %add3A_2715 = vector.broadcast %mul3A_44 : i32 to vector<16xi32>
        %add3A_2716 = arith.addi %get3A_2714, %add3A_2715 : vector<16xi32>
        %mul3A_2717 = arith.constant 2 : i32
        %mul3A_2718 = vector.broadcast %mul3A_2717 : i32 to vector<16xi32>
        %mul3A_2719 = arith.muli %mul3A_2718, %iota3A : vector<16xi32>
        %add3A_2720 = arith.constant 65 : i32
        %add3A_2721 = vector.broadcast %add3A_2720 : i32 to vector<16xi32>
        %add3A_2722 = arith.addi %mul3A_2719, %add3A_2721 : vector<16xi32>
        %broadcast_in_dim3A_2723 = arith.constant 7 : i32
        %broadcast_in_dim3A_2724 = vector.broadcast %broadcast_in_dim3A_2723 : i32 to vector<16xi32>
        tpu.vector_store_idx %arg6[%broadcast_in_dim3A_2724, %add3A_2722], %add3A_2716 : memref<8x128xi32, #tpu.memory_space<vmem>>[vector<16xi32>, vector<16xi32>], vector<16xi32>,
        %mul3A_2725 = arith.constant 4 : i32
        %mul3A_2726 = arith.muli %mul3A_2725, %add3A_1527 : i32
        %add3A_2727 = arith.constant 3 : i32
        %add3A_2728 = arith.addi %mul3A_2726, %add3A_2727 : i32
        %get3A_2729 = arith.constant 1 : i32
        %get3A_2730 = arith.index_cast %add3A_2728 : i32 to index
        %get3A_2731 = arith.index_cast %get3A_2729 : i32 to index
        %get3A_2732 = arith.constant 112 : index
        %get3A_2733 = tpu.vector_load %arg5[%get3A_2730, %get3A_2731, %get3A_2732] {strides = array<i32>} : memref<64x2x128xi32, #tpu.memory_space<vmem>>, vector<16xi32>,
        %add3A_2734 = vector.broadcast %mul3A_44 : i32 to vector<16xi32>
        %add3A_2735 = arith.addi %get3A_2733, %add3A_2734 : vector<16xi32>
        %mul3A_2736 = arith.constant 2 : i32
        %mul3A_2737 = vector.broadcast %mul3A_2736 : i32 to vector<16xi32>
        %mul3A_2738 = arith.muli %mul3A_2737, %iota3A : vector<16xi32>
        %add3A_2739 = arith.constant 97 : i32
        %add3A_2740 = vector.broadcast %add3A_2739 : i32 to vector<16xi32>
        %add3A_2741 = arith.addi %mul3A_2738, %add3A_2740 : vector<16xi32>
        %broadcast_in_dim3A_2742 = arith.constant 7 : i32
        %broadcast_in_dim3A_2743 = vector.broadcast %broadcast_in_dim3A_2742 : i32 to vector<16xi32>
        tpu.vector_store_idx %arg6[%broadcast_in_dim3A_2743, %add3A_2741], %add3A_2735 : memref<8x128xi32, #tpu.memory_space<vmem>>[vector<16xi32>, vector<16xi32>], vector<16xi32>,
      } else {
      }
    }
    %scan3A_1094 = arith.constant 16 : i32
    %mul3A_1095 = arith.constant 65536 : i32
    %mul3A_1096 = arith.muli %select_n3A, %mul3A_1095 : i32
    %add3A_1097 = arith.constant 65536 : i32
    %add3A_1098 = arith.addi %add3A_1097, %mul3A_1096 : i32
    %add3A_1099 = arith.addi %add3A_1098, %mul3A_32 : i32
    %add3A_1100 = arith.constant 7680 : i32
    %add3A_1101 = arith.addi %add3A_1099, %add3A_1100 : i32
    %jit3A_1102 = arith.constant 64 : i32
    %div3A_1103 = arith.divsi %add3A_1101, %jit3A_1102 : i32
    %sign3A_1104 = arith.constant 0 : i32
    %sign3A_1105 = arith.cmpi sgt, %add3A_1101, %sign3A_1104 : i32
    %sign3A_1106 = arith.extui %sign3A_1105 : i1 to i32
    %sign3A_1107 = arith.constant 0 : i32
    %sign3A_1108 = arith.cmpi slt, %add3A_1101, %sign3A_1107 : i32
    %sign3A_1109 = arith.extui %sign3A_1108 : i1 to i32
    %sign3A_1110 = arith.subi %sign3A_1106, %sign3A_1109 : i32
    %sign3A_1111 = arith.constant 0 : i32
    %sign3A_1112 = arith.cmpi sgt, %jit3A_1102, %sign3A_1111 : i32
    %sign3A_1113 = arith.extui %sign3A_1112 : i1 to i32
    %sign3A_1114 = arith.constant 0 : i32
    %sign3A_1115 = arith.cmpi slt, %jit3A_1102, %sign3A_1114 : i32
    %sign3A_1116 = arith.extui %sign3A_1115 : i1 to i32
    %sign3A_1117 = arith.subi %sign3A_1113, %sign3A_1116 : i32
    %ne3A_1118 = arith.cmpi ne, %sign3A_1110, %sign3A_1117 : i32
    %rem3A_1119 = arith.remsi %add3A_1101, %jit3A_1102 : i32
    %ne3A_1120 = arith.constant 0 : i32
    %ne3A_1121 = arith.cmpi ne, %rem3A_1119, %ne3A_1120 : i32
    %and3A_1122 = arith.andi %ne3A_1118, %ne3A_1121 : i1
    %sub3A_1123 = arith.constant 1 : i32
    %sub3A_1124 = arith.subi %div3A_1103, %sub3A_1123 : i32
    %select_n3A_1125 = arith.select %and3A_1122, %sub3A_1124, %div3A_1103 : i32
    %dma_wait3A = arith.constant 0 : i32
    %dma_wait3A_1126 = arith.constant 0 : i32
    %dma_wait3A_1127 = arith.constant 0 : i32
    %dma_wait3A_1128 = arith.constant 0 : i32
    %dma_wait3A_1129 = arith.constant 0 : i32
    %dma_wait3A_1130 = tpu.memref_slice %arg7[%dma_wait3A, %dma_wait3A_1127, %dma_wait3A_1128, %dma_wait3A_1129] : memref<2x4x128x64xf32, #tpu.memory_space<vmem>> -> memref<1x4x128x64xf32, #tpu.memory_space<vmem>>
    %dma_wait3A_1131 = tpu.memref_squeeze %dma_wait3A_1130 : memref<1x4x128x64xf32, #tpu.memory_space<vmem>> -> memref<4x128x64xf32, #tpu.memory_space<vmem>>
    %dma_wait3A_1132 = arith.constant 0 : i32
    %dma_wait3A_1133 = arith.constant 0 : i32
    %dma_wait3A_1134 = tpu.memref_slice %arg4[%select_n3A_1125, %dma_wait3A_1132, %dma_wait3A_1133] : memref<5120x128x64xf32, #tpu.memory_space<hbm>> -> memref<4x128x64xf32, #tpu.memory_space<hbm>>
    %dma_wait3A_1135 = tpu.memref_slice %arg9[%dma_wait3A_1126] : memref<2x!tpu.dma_semaphore, #tpu.memory_space<semaphore_mem>> -> memref<1x!tpu.dma_semaphore, #tpu.memory_space<semaphore_mem>>
    %dma_wait3A_1136 = tpu.memref_squeeze %dma_wait3A_1135 : memref<1x!tpu.dma_semaphore, #tpu.memory_space<semaphore_mem>> -> memref<!tpu.dma_semaphore, #tpu.memory_space<semaphore_mem>>
    %dma_wait3A_1137 = arith.constant 0 : i32
    %dma_wait3A_1138 = arith.constant 0 : i32
    %dma_wait3A_1139 = tpu.memref_slice %arg4[%select_n3A_1125, %dma_wait3A_1137, %dma_wait3A_1138] : memref<5120x128x64xf32, #tpu.memory_space<hbm>> -> memref<4x128x64xf32, #tpu.memory_space<hbm>>
    %dma_wait3A_1140 = arith.constant 0 : i32
    %dma_wait3A_1141 = arith.constant 0 : i32
    %dma_wait3A_1142 = arith.constant 0 : i32
    %dma_wait3A_1143 = tpu.memref_slice %arg7[%dma_wait3A, %dma_wait3A_1140, %dma_wait3A_1141, %dma_wait3A_1142] : memref<2x4x128x64xf32, #tpu.memory_space<vmem>> -> memref<1x4x128x64xf32, #tpu.memory_space<vmem>>
    %dma_wait3A_1144 = tpu.memref_squeeze %dma_wait3A_1143 : memref<1x4x128x64xf32, #tpu.memory_space<vmem>> -> memref<4x128x64xf32, #tpu.memory_space<vmem>>
    tpu.wait_dma2 semaphore(%dma_wait3A_1136 : memref<!tpu.dma_semaphore, #tpu.memory_space<semaphore_mem>>) src(%dma_wait3A_1144 : memref<4x128x64xf32, #tpu.memory_space<vmem>>) dst(%dma_wait3A_1139 : memref<4x128x64xf32, #tpu.memory_space<hbm>>)
    %mul3A_1145 = arith.constant 65536 : i32
    %mul3A_1146 = arith.muli %select_n3A, %mul3A_1145 : i32
    %add3A_1147 = arith.constant 65536 : i32
    %add3A_1148 = arith.addi %add3A_1147, %mul3A_1146 : i32
    %add3A_1149 = arith.addi %add3A_1148, %mul3A_32 : i32
    %add3A_1150 = arith.constant 7936 : i32
    %add3A_1151 = arith.addi %add3A_1149, %add3A_1150 : i32
    %jit3A_1152 = arith.constant 64 : i32
    %div3A_1153 = arith.divsi %add3A_1151, %jit3A_1152 : i32
    %sign3A_1154 = arith.constant 0 : i32
    %sign3A_1155 = arith.cmpi sgt, %add3A_1151, %sign3A_1154 : i32
    %sign3A_1156 = arith.extui %sign3A_1155 : i1 to i32
    %sign3A_1157 = arith.constant 0 : i32
    %sign3A_1158 = arith.cmpi slt, %add3A_1151, %sign3A_1157 : i32
    %sign3A_1159 = arith.extui %sign3A_1158 : i1 to i32
    %sign3A_1160 = arith.subi %sign3A_1156, %sign3A_1159 : i32
    %sign3A_1161 = arith.constant 0 : i32
    %sign3A_1162 = arith.cmpi sgt, %jit3A_1152, %sign3A_1161 : i32
    %sign3A_1163 = arith.extui %sign3A_1162 : i1 to i32
    %sign3A_1164 = arith.constant 0 : i32
    %sign3A_1165 = arith.cmpi slt, %jit3A_1152, %sign3A_1164 : i32
    %sign3A_1166 = arith.extui %sign3A_1165 : i1 to i32
    %sign3A_1167 = arith.subi %sign3A_1163, %sign3A_1166 : i32
    %ne3A_1168 = arith.cmpi ne, %sign3A_1160, %sign3A_1167 : i32
    %rem3A_1169 = arith.remsi %add3A_1151, %jit3A_1152 : i32
    %ne3A_1170 = arith.constant 0 : i32
    %ne3A_1171 = arith.cmpi ne, %rem3A_1169, %ne3A_1170 : i32
    %and3A_1172 = arith.andi %ne3A_1168, %ne3A_1171 : i1
    %sub3A_1173 = arith.constant 1 : i32
    %sub3A_1174 = arith.subi %div3A_1153, %sub3A_1173 : i32
    %select_n3A_1175 = arith.select %and3A_1172, %sub3A_1174, %div3A_1153 : i32
    %dma_wait3A_1176 = arith.constant 1 : i32
    %dma_wait3A_1177 = arith.constant 1 : i32
    %dma_wait3A_1178 = arith.constant 0 : i32
    %dma_wait3A_1179 = arith.constant 0 : i32
    %dma_wait3A_1180 = arith.constant 0 : i32
    %dma_wait3A_1181 = tpu.memref_slice %arg7[%dma_wait3A_1176, %dma_wait3A_1178, %dma_wait3A_1179, %dma_wait3A_1180] : memref<2x4x128x64xf32, #tpu.memory_space<vmem>> -> memref<1x4x128x64xf32, #tpu.memory_space<vmem>>
    %dma_wait3A_1182 = tpu.memref_squeeze %dma_wait3A_1181 : memref<1x4x128x64xf32, #tpu.memory_space<vmem>> -> memref<4x128x64xf32, #tpu.memory_space<vmem>>
    %dma_wait3A_1183 = arith.constant 0 : i32
    %dma_wait3A_1184 = arith.constant 0 : i32
    %dma_wait3A_1185 = tpu.memref_slice %arg4[%select_n3A_1175, %dma_wait3A_1183, %dma_wait3A_1184] : memref<5120x128x64xf32, #tpu.memory_space<hbm>> -> memref<4x128x64xf32, #tpu.memory_space<hbm>>
    %dma_wait3A_1186 = tpu.memref_slice %arg9[%dma_wait3A_1177] : memref<2x!tpu.dma_semaphore, #tpu.memory_space<semaphore_mem>> -> memref<1x!tpu.dma_semaphore, #tpu.memory_space<semaphore_mem>>
    %dma_wait3A_1187 = tpu.memref_squeeze %dma_wait3A_1186 : memref<1x!tpu.dma_semaphore, #tpu.memory_space<semaphore_mem>> -> memref<!tpu.dma_semaphore, #tpu.memory_space<semaphore_mem>>
    %dma_wait3A_1188 = arith.constant 0 : i32
    %dma_wait3A_1189 = arith.constant 0 : i32
    %dma_wait3A_1190 = tpu.memref_slice %arg4[%select_n3A_1175, %dma_wait3A_1188, %dma_wait3A_1189] : memref<5120x128x64xf32, #tpu.memory_space<hbm>> -> memref<4x128x64xf32, #tpu.memory_space<hbm>>
    %dma_wait3A_1191 = arith.constant 0 : i32
    %dma_wait3A_1192 = arith.constant 0 : i32
    %dma_wait3A_1193 = arith.constant 0 : i32
    %dma_wait3A_1194 = tpu.memref_slice %arg7[%dma_wait3A_1176, %dma_wait3A_1191, %dma_wait3A_1192, %dma_wait3A_1193] : memref<2x4x128x64xf32, #tpu.memory_space<vmem>> -> memref<1x4x128x64xf32, #tpu.memory_space<vmem>>
    %dma_wait3A_1195 = tpu.memref_squeeze %dma_wait3A_1194 : memref<1x4x128x64xf32, #tpu.memory_space<vmem>> -> memref<4x128x64xf32, #tpu.memory_space<vmem>>
    tpu.wait_dma2 semaphore(%dma_wait3A_1187 : memref<!tpu.dma_semaphore, #tpu.memory_space<semaphore_mem>>) src(%dma_wait3A_1195 : memref<4x128x64xf32, #tpu.memory_space<vmem>>) dst(%dma_wait3A_1190 : memref<4x128x64xf32, #tpu.memory_space<hbm>>)
    return
  }
}

module attributes {stable_mosaic.version = 14 : i64} {
  func.func @_tok1_body(%arg0: i32, %arg1: memref<8xi32, #tpu.memory_space<smem>>, %arg2: memref<327680x128xf32, #tpu.memory_space<any>>, %arg3: memref<8192x128xf32, #tpu.memory_space<vmem>>, %arg4: memref<1x1x128xf32, #tpu.memory_space<vmem>>, %arg5: memref<8192x128xf32, #tpu.memory_space<vmem>>) attributes {dimension_semantics = [#tpu.dimension_semantics<arbitrary>], iteration_bounds = array<i64: 8>, scalar_prefetch = 1 : i64, scratch_operands = 0 : i64, tpu.core_type = #tpu.core_type<tc>, window_params = [{}, {pipeline_mode = #tpu.pipeline_mode<synchronous>, transform_indices = @transform_1, window_bounds = array<i64: 8192, 128>}, {transform_indices = @transform_2, window_bounds = array<i64: 1, 1, 128>}, {transform_indices = @transform_3, window_bounds = array<i64: 8192, 128>}]} {
    %get3A = arith.constant 0 : index
    %get3A_0 = arith.constant 0 : index
    %get3A_1 = vector.load %arg3[%get3A, %get3A_0] : memref<8192x128xf32, #tpu.memory_space<vmem>>, vector<8192x128xf32>
    %get3A_2 = arith.constant 0 : index
    %get3A_3 = arith.constant 0 : index
    %get3A_4 = arith.constant 0 : index
    %get3A_5 = vector.load %arg4[%get3A_2, %get3A_3, %get3A_4] : memref<1x1x128xf32, #tpu.memory_space<vmem>>, vector<1x1x128xf32>
    %get3A_6 = vector.shape_cast %get3A_5 : vector<1x1x128xf32> to vector<1x128xf32>
    %add3A = vector.broadcast %get3A_6 : vector<1x128xf32> to vector<8192x128xf32>
    %add3A_7 = arith.addf %get3A_1, %add3A : vector<8192x128xf32>
    %swap3A = arith.constant 0 : index
    %swap3A_8 = arith.constant 0 : index
    %swap3A_9 = vector.load %arg5[%swap3A, %swap3A_8] : memref<8192x128xf32, #tpu.memory_space<vmem>>, vector<8192x128xf32>
    tpu.vector_store %arg5[%swap3A, %swap3A_8], %add3A_7 {strides = array<i32>} : memref<8192x128xf32, #tpu.memory_space<vmem>>, vector<8192x128xf32>,
    return
  }
  func.func @transform_1(%arg0: i32, %arg1: memref<8xi32, #tpu.memory_space<smem>>) -> (i32, i32) {
    %c0_i32 = arith.constant 0 : i32
    %c0_i32_0 = arith.constant 0 : i32
    %c0_i32_1 = arith.constant 0 : i32
    return %c0_i32, %c0_i32_0 : i32, i32
  }
  func.func @transform_2(%arg0: i32, %arg1: memref<8xi32, #tpu.memory_space<smem>>) -> (i32, i32, i32) {
    %get3A = arith.index_cast %arg0 : i32 to index
    %get3A_0 = memref.load %arg1[%get3A] : memref<8xi32, #tpu.memory_space<smem>>
    %c0_i32 = arith.constant 0 : i32
    %c0_i32_1 = arith.constant 0 : i32
    %c0_i32_2 = arith.constant 0 : i32
    return %get3A_0, %c0_i32, %c0_i32_1 : i32, i32, i32
  }
  func.func @transform_3(%arg0: i32, %arg1: memref<8xi32, #tpu.memory_space<smem>>) -> (i32, i32) {
    %c0_i32 = arith.constant 0 : i32
    %c0_i32_0 = arith.constant 0 : i32
    return %arg0, %c0_i32 : i32, i32
  }
}

module attributes {stable_mosaic.version = 14 : i64} {
  func.func @_table_body(%arg0: i32, %arg1: memref<4xi32, #tpu.memory_space<smem>>, %arg2: memref<512x128xf32, #tpu.memory_space<vmem>>, %arg3: memref<16x1x128xf32, #tpu.memory_space<vmem>>, %arg4: memref<8x512x128xf32, #tpu.memory_space<vmem>>) attributes {dimension_semantics = [#tpu.dimension_semantics<arbitrary>], iteration_bounds = array<i64: 8>, scalar_prefetch = 1 : i64, scratch_operands = 0 : i64, tpu.core_type = #tpu.core_type<tc>, window_params = [{transform_indices = @transform_0, window_bounds = array<i64: 512, 128>}, {pipeline_mode = #tpu.pipeline_mode<synchronous>, transform_indices = @transform_1, window_bounds = array<i64: 16, 1, 128>}, {transform_indices = @transform_2, window_bounds = array<i64: 8, 512, 128>}]} {
    %get3A = arith.constant 0 : index
    %get3A_0 = arith.constant 0 : index
    %get3A_1 = vector.load %arg2[%get3A, %get3A_0] : memref<512x128xf32, #tpu.memory_space<vmem>>, vector<512x128xf32>
    %get3A_2 = arith.constant 0 : index
    %get3A_3 = memref.load %arg1[%get3A_2] : memref<4xi32, #tpu.memory_space<smem>>
    %get3A_4 = arith.index_cast %get3A_3 : i32 to index
    %get3A_5 = arith.constant 0 : index
    %get3A_6 = arith.constant 0 : index
    %get3A_7 = vector.load %arg3[%get3A_4, %get3A_5, %get3A_6] : memref<16x1x128xf32, #tpu.memory_space<vmem>>, vector<1x1x128xf32>
    %get3A_8 = vector.shape_cast %get3A_7 : vector<1x1x128xf32> to vector<1x128xf32>
    %slice3A = vector.extract_strided_slice %get3A_8 {offsets = [0, 0], sizes = [1, 64], strides = [1, 1]} : vector<1x128xf32> to vector<1x64xf32>
    %concatenate3A = tpu.concatenate %slice3A, %slice3A in 1 : vector<1x64xf32>, vector<1x64xf32> -> vector<1x128xf32>
    %add3A = vector.broadcast %concatenate3A : vector<1x128xf32> to vector<512x128xf32>
    %add3A_9 = arith.addf %get3A_1, %add3A : vector<512x128xf32>
    %swap3A = arith.constant 0 : index
    %swap3A_10 = arith.constant 0 : index
    %swap3A_11 = arith.constant 0 : index
    %swap3A_12 = vector.load %arg4[%swap3A, %swap3A_10, %swap3A_11] : memref<8x512x128xf32, #tpu.memory_space<vmem>>, vector<1x512x128xf32>
    %swap3A_13 = vector.shape_cast %swap3A_12 : vector<1x512x128xf32> to vector<512x128xf32>
    %swap3A_14 = vector.shape_cast %add3A_9 : vector<512x128xf32> to vector<1x512x128xf32>
    tpu.vector_store %arg4[%swap3A, %swap3A_10, %swap3A_11], %swap3A_14 {strides = array<i32>} : memref<8x512x128xf32, #tpu.memory_space<vmem>>, vector<1x512x128xf32>,
    %get3A_15 = arith.constant 0 : index
    %get3A_16 = memref.load %arg1[%get3A_15] : memref<4xi32, #tpu.memory_space<smem>>
    %get3A_17 = arith.index_cast %get3A_16 : i32 to index
    %get3A_18 = arith.constant 0 : index
    %get3A_19 = arith.constant 0 : index
    %get3A_20 = vector.load %arg3[%get3A_17, %get3A_18, %get3A_19] : memref<16x1x128xf32, #tpu.memory_space<vmem>>, vector<1x1x128xf32>
    %get3A_21 = vector.shape_cast %get3A_20 : vector<1x1x128xf32> to vector<1x128xf32>
    %slice3A_22 = vector.extract_strided_slice %get3A_21 {offsets = [0, 64], sizes = [1, 64], strides = [1, 1]} : vector<1x128xf32> to vector<1x64xf32>
    %concatenate3A_23 = tpu.concatenate %slice3A_22, %slice3A_22 in 1 : vector<1x64xf32>, vector<1x64xf32> -> vector<1x128xf32>
    %add3A_24 = vector.broadcast %concatenate3A_23 : vector<1x128xf32> to vector<512x128xf32>
    %add3A_25 = arith.addf %get3A_1, %add3A_24 : vector<512x128xf32>
    %swap3A_26 = arith.constant 1 : index
    %swap3A_27 = arith.constant 0 : index
    %swap3A_28 = arith.constant 0 : index
    %swap3A_29 = vector.load %arg4[%swap3A_26, %swap3A_27, %swap3A_28] : memref<8x512x128xf32, #tpu.memory_space<vmem>>, vector<1x512x128xf32>
    %swap3A_30 = vector.shape_cast %swap3A_29 : vector<1x512x128xf32> to vector<512x128xf32>
    %swap3A_31 = vector.shape_cast %add3A_25 : vector<512x128xf32> to vector<1x512x128xf32>
    tpu.vector_store %arg4[%swap3A_26, %swap3A_27, %swap3A_28], %swap3A_31 {strides = array<i32>} : memref<8x512x128xf32, #tpu.memory_space<vmem>>, vector<1x512x128xf32>,
    %get3A_32 = arith.constant 1 : index
    %get3A_33 = memref.load %arg1[%get3A_32] : memref<4xi32, #tpu.memory_space<smem>>
    %get3A_34 = arith.index_cast %get3A_33 : i32 to index
    %get3A_35 = arith.constant 0 : index
    %get3A_36 = arith.constant 0 : index
    %get3A_37 = vector.load %arg3[%get3A_34, %get3A_35, %get3A_36] : memref<16x1x128xf32, #tpu.memory_space<vmem>>, vector<1x1x128xf32>
    %get3A_38 = vector.shape_cast %get3A_37 : vector<1x1x128xf32> to vector<1x128xf32>
    %slice3A_39 = vector.extract_strided_slice %get3A_38 {offsets = [0, 0], sizes = [1, 64], strides = [1, 1]} : vector<1x128xf32> to vector<1x64xf32>
    %concatenate3A_40 = tpu.concatenate %slice3A_39, %slice3A_39 in 1 : vector<1x64xf32>, vector<1x64xf32> -> vector<1x128xf32>
    %add3A_41 = vector.broadcast %concatenate3A_40 : vector<1x128xf32> to vector<512x128xf32>
    %add3A_42 = arith.addf %get3A_1, %add3A_41 : vector<512x128xf32>
    %swap3A_43 = arith.constant 2 : index
    %swap3A_44 = arith.constant 0 : index
    %swap3A_45 = arith.constant 0 : index
    %swap3A_46 = vector.load %arg4[%swap3A_43, %swap3A_44, %swap3A_45] : memref<8x512x128xf32, #tpu.memory_space<vmem>>, vector<1x512x128xf32>
    %swap3A_47 = vector.shape_cast %swap3A_46 : vector<1x512x128xf32> to vector<512x128xf32>
    %swap3A_48 = vector.shape_cast %add3A_42 : vector<512x128xf32> to vector<1x512x128xf32>
    tpu.vector_store %arg4[%swap3A_43, %swap3A_44, %swap3A_45], %swap3A_48 {strides = array<i32>} : memref<8x512x128xf32, #tpu.memory_space<vmem>>, vector<1x512x128xf32>,
    %get3A_49 = arith.constant 1 : index
    %get3A_50 = memref.load %arg1[%get3A_49] : memref<4xi32, #tpu.memory_space<smem>>
    %get3A_51 = arith.index_cast %get3A_50 : i32 to index
    %get3A_52 = arith.constant 0 : index
    %get3A_53 = arith.constant 0 : index
    %get3A_54 = vector.load %arg3[%get3A_51, %get3A_52, %get3A_53] : memref<16x1x128xf32, #tpu.memory_space<vmem>>, vector<1x1x128xf32>
    %get3A_55 = vector.shape_cast %get3A_54 : vector<1x1x128xf32> to vector<1x128xf32>
    %slice3A_56 = vector.extract_strided_slice %get3A_55 {offsets = [0, 64], sizes = [1, 64], strides = [1, 1]} : vector<1x128xf32> to vector<1x64xf32>
    %concatenate3A_57 = tpu.concatenate %slice3A_56, %slice3A_56 in 1 : vector<1x64xf32>, vector<1x64xf32> -> vector<1x128xf32>
    %add3A_58 = vector.broadcast %concatenate3A_57 : vector<1x128xf32> to vector<512x128xf32>
    %add3A_59 = arith.addf %get3A_1, %add3A_58 : vector<512x128xf32>
    %swap3A_60 = arith.constant 3 : index
    %swap3A_61 = arith.constant 0 : index
    %swap3A_62 = arith.constant 0 : index
    %swap3A_63 = vector.load %arg4[%swap3A_60, %swap3A_61, %swap3A_62] : memref<8x512x128xf32, #tpu.memory_space<vmem>>, vector<1x512x128xf32>
    %swap3A_64 = vector.shape_cast %swap3A_63 : vector<1x512x128xf32> to vector<512x128xf32>
    %swap3A_65 = vector.shape_cast %add3A_59 : vector<512x128xf32> to vector<1x512x128xf32>
    tpu.vector_store %arg4[%swap3A_60, %swap3A_61, %swap3A_62], %swap3A_65 {strides = array<i32>} : memref<8x512x128xf32, #tpu.memory_space<vmem>>, vector<1x512x128xf32>,
    %get3A_66 = arith.constant 2 : index
    %get3A_67 = memref.load %arg1[%get3A_66] : memref<4xi32, #tpu.memory_space<smem>>
    %get3A_68 = arith.index_cast %get3A_67 : i32 to index
    %get3A_69 = arith.constant 0 : index
    %get3A_70 = arith.constant 0 : index
    %get3A_71 = vector.load %arg3[%get3A_68, %get3A_69, %get3A_70] : memref<16x1x128xf32, #tpu.memory_space<vmem>>, vector<1x1x128xf32>
    %get3A_72 = vector.shape_cast %get3A_71 : vector<1x1x128xf32> to vector<1x128xf32>
    %slice3A_73 = vector.extract_strided_slice %get3A_72 {offsets = [0, 0], sizes = [1, 64], strides = [1, 1]} : vector<1x128xf32> to vector<1x64xf32>
    %concatenate3A_74 = tpu.concatenate %slice3A_73, %slice3A_73 in 1 : vector<1x64xf32>, vector<1x64xf32> -> vector<1x128xf32>
    %add3A_75 = vector.broadcast %concatenate3A_74 : vector<1x128xf32> to vector<512x128xf32>
    %add3A_76 = arith.addf %get3A_1, %add3A_75 : vector<512x128xf32>
    %swap3A_77 = arith.constant 4 : index
    %swap3A_78 = arith.constant 0 : index
    %swap3A_79 = arith.constant 0 : index
    %swap3A_80 = vector.load %arg4[%swap3A_77, %swap3A_78, %swap3A_79] : memref<8x512x128xf32, #tpu.memory_space<vmem>>, vector<1x512x128xf32>
    %swap3A_81 = vector.shape_cast %swap3A_80 : vector<1x512x128xf32> to vector<512x128xf32>
    %swap3A_82 = vector.shape_cast %add3A_76 : vector<512x128xf32> to vector<1x512x128xf32>
    tpu.vector_store %arg4[%swap3A_77, %swap3A_78, %swap3A_79], %swap3A_82 {strides = array<i32>} : memref<8x512x128xf32, #tpu.memory_space<vmem>>, vector<1x512x128xf32>,
    %get3A_83 = arith.constant 2 : index
    %get3A_84 = memref.load %arg1[%get3A_83] : memref<4xi32, #tpu.memory_space<smem>>
    %get3A_85 = arith.index_cast %get3A_84 : i32 to index
    %get3A_86 = arith.constant 0 : index
    %get3A_87 = arith.constant 0 : index
    %get3A_88 = vector.load %arg3[%get3A_85, %get3A_86, %get3A_87] : memref<16x1x128xf32, #tpu.memory_space<vmem>>, vector<1x1x128xf32>
    %get3A_89 = vector.shape_cast %get3A_88 : vector<1x1x128xf32> to vector<1x128xf32>
    %slice3A_90 = vector.extract_strided_slice %get3A_89 {offsets = [0, 64], sizes = [1, 64], strides = [1, 1]} : vector<1x128xf32> to vector<1x64xf32>
    %concatenate3A_91 = tpu.concatenate %slice3A_90, %slice3A_90 in 1 : vector<1x64xf32>, vector<1x64xf32> -> vector<1x128xf32>
    %add3A_92 = vector.broadcast %concatenate3A_91 : vector<1x128xf32> to vector<512x128xf32>
    %add3A_93 = arith.addf %get3A_1, %add3A_92 : vector<512x128xf32>
    %swap3A_94 = arith.constant 5 : index
    %swap3A_95 = arith.constant 0 : index
    %swap3A_96 = arith.constant 0 : index
    %swap3A_97 = vector.load %arg4[%swap3A_94, %swap3A_95, %swap3A_96] : memref<8x512x128xf32, #tpu.memory_space<vmem>>, vector<1x512x128xf32>
    %swap3A_98 = vector.shape_cast %swap3A_97 : vector<1x512x128xf32> to vector<512x128xf32>
    %swap3A_99 = vector.shape_cast %add3A_93 : vector<512x128xf32> to vector<1x512x128xf32>
    tpu.vector_store %arg4[%swap3A_94, %swap3A_95, %swap3A_96], %swap3A_99 {strides = array<i32>} : memref<8x512x128xf32, #tpu.memory_space<vmem>>, vector<1x512x128xf32>,
    %get3A_100 = arith.constant 3 : index
    %get3A_101 = memref.load %arg1[%get3A_100] : memref<4xi32, #tpu.memory_space<smem>>
    %get3A_102 = arith.index_cast %get3A_101 : i32 to index
    %get3A_103 = arith.constant 0 : index
    %get3A_104 = arith.constant 0 : index
    %get3A_105 = vector.load %arg3[%get3A_102, %get3A_103, %get3A_104] : memref<16x1x128xf32, #tpu.memory_space<vmem>>, vector<1x1x128xf32>
    %get3A_106 = vector.shape_cast %get3A_105 : vector<1x1x128xf32> to vector<1x128xf32>
    %slice3A_107 = vector.extract_strided_slice %get3A_106 {offsets = [0, 0], sizes = [1, 64], strides = [1, 1]} : vector<1x128xf32> to vector<1x64xf32>
    %concatenate3A_108 = tpu.concatenate %slice3A_107, %slice3A_107 in 1 : vector<1x64xf32>, vector<1x64xf32> -> vector<1x128xf32>
    %add3A_109 = vector.broadcast %concatenate3A_108 : vector<1x128xf32> to vector<512x128xf32>
    %add3A_110 = arith.addf %get3A_1, %add3A_109 : vector<512x128xf32>
    %swap3A_111 = arith.constant 6 : index
    %swap3A_112 = arith.constant 0 : index
    %swap3A_113 = arith.constant 0 : index
    %swap3A_114 = vector.load %arg4[%swap3A_111, %swap3A_112, %swap3A_113] : memref<8x512x128xf32, #tpu.memory_space<vmem>>, vector<1x512x128xf32>
    %swap3A_115 = vector.shape_cast %swap3A_114 : vector<1x512x128xf32> to vector<512x128xf32>
    %swap3A_116 = vector.shape_cast %add3A_110 : vector<512x128xf32> to vector<1x512x128xf32>
    tpu.vector_store %arg4[%swap3A_111, %swap3A_112, %swap3A_113], %swap3A_116 {strides = array<i32>} : memref<8x512x128xf32, #tpu.memory_space<vmem>>, vector<1x512x128xf32>,
    %get3A_117 = arith.constant 3 : index
    %get3A_118 = memref.load %arg1[%get3A_117] : memref<4xi32, #tpu.memory_space<smem>>
    %get3A_119 = arith.index_cast %get3A_118 : i32 to index
    %get3A_120 = arith.constant 0 : index
    %get3A_121 = arith.constant 0 : index
    %get3A_122 = vector.load %arg3[%get3A_119, %get3A_120, %get3A_121] : memref<16x1x128xf32, #tpu.memory_space<vmem>>, vector<1x1x128xf32>
    %get3A_123 = vector.shape_cast %get3A_122 : vector<1x1x128xf32> to vector<1x128xf32>
    %slice3A_124 = vector.extract_strided_slice %get3A_123 {offsets = [0, 64], sizes = [1, 64], strides = [1, 1]} : vector<1x128xf32> to vector<1x64xf32>
    %concatenate3A_125 = tpu.concatenate %slice3A_124, %slice3A_124 in 1 : vector<1x64xf32>, vector<1x64xf32> -> vector<1x128xf32>
    %add3A_126 = vector.broadcast %concatenate3A_125 : vector<1x128xf32> to vector<512x128xf32>
    %add3A_127 = arith.addf %get3A_1, %add3A_126 : vector<512x128xf32>
    %swap3A_128 = arith.constant 7 : index
    %swap3A_129 = arith.constant 0 : index
    %swap3A_130 = arith.constant 0 : index
    %swap3A_131 = vector.load %arg4[%swap3A_128, %swap3A_129, %swap3A_130] : memref<8x512x128xf32, #tpu.memory_space<vmem>>, vector<1x512x128xf32>
    %swap3A_132 = vector.shape_cast %swap3A_131 : vector<1x512x128xf32> to vector<512x128xf32>
    %swap3A_133 = vector.shape_cast %add3A_127 : vector<512x128xf32> to vector<1x512x128xf32>
    tpu.vector_store %arg4[%swap3A_128, %swap3A_129, %swap3A_130], %swap3A_133 {strides = array<i32>} : memref<8x512x128xf32, #tpu.memory_space<vmem>>, vector<1x512x128xf32>,
    return
  }
  func.func @transform_0(%arg0: i32, %arg1: memref<4xi32, #tpu.memory_space<smem>>) -> (i32, i32) {
    %c0_i32 = arith.constant 0 : i32
    %c0_i32_0 = arith.constant 0 : i32
    return %arg0, %c0_i32 : i32, i32
  }
  func.func @transform_1(%arg0: i32, %arg1: memref<4xi32, #tpu.memory_space<smem>>) -> (i32, i32, i32) {
    %c0_i32 = arith.constant 0 : i32
    %c0_i32_0 = arith.constant 0 : i32
    %c0_i32_1 = arith.constant 0 : i32
    %c0_i32_2 = arith.constant 0 : i32
    return %c0_i32, %c0_i32_0, %c0_i32_1 : i32, i32, i32
  }
  func.func @transform_2(%arg0: i32, %arg1: memref<4xi32, #tpu.memory_space<smem>>) -> (i32, i32, i32) {
    %c0_i32 = arith.constant 0 : i32
    %c0_i32_0 = arith.constant 0 : i32
    %c0_i32_1 = arith.constant 0 : i32
    return %c0_i32, %arg0, %c0_i32_0 : i32, i32, i32
  }
}

</mosaic_0001>

<sc_bundles>
// kernel: kernel.5.cloned.1.call-start
scs
__scs_entry_jumppad:
0x0: {  	(pc) =	sbr.rel $0x88, $3  }
0x1: {  	(tag) =	ssettag $0x0;
	lr =	simm.s32 $0x1  }
0x2: {  	[smem:$0x3F9B] =	sst lr;
	_ =	strace $0xD0000000  }
0x3: {  	_ = 	snop  }
0x4: {  	_ = 	snop  }
0x5: {  	_ = 	snop  }
0x6: {  	_ = 	snop  }
0x7: {  	_ = 	snop  }
__scs_overlays_trampoline_lowered:
0x8: {  	[smem:$0x3FAA] =	sst s0  }
0x9: {  	[smem:$0x3FAB] =	sst s1  }
0xa: {  	[smem:$0x3FAC] =	sst s2  }
0xb: {  	[smem:$0x3FAD] =	sst s3  }
0xc: {  	[smem:$0x3FAE] =	sst s4  }
0xd: {  	[smem:$0x3FAF] =	sst s5  }
0xe: {  	[smem:$0x3FB0] =	sst s6  }
0xf: {  	[smem:$0x3FB1] =	sst s7  }
0x10: {  	[smem:$0x3FB2] =	sst s8  }
0x11: {  	[smem:$0x3FB3] =	sst s9;
	s0 =	simm.s32 @!p0 $0x0  }
0x12: {  	s1 =	sld [smem:$0x3F99];
	s0 =	simm.s32 @p0 $0x1  }
0x13: {  	[smem:$0x3FB4] =	sst s0;
	s0 =	simm.s32 @!p1 $0x0  }
0x14: {  	s2 =	sld [smem:$0x3F98];
	s0 =	simm.s32 @p1 $0x1  }
0x15: {  	[smem:$0x3FB5] =	sst s0;
	s0 =	simm.s32 @!p2 $0x0  }
0x16: {  	s3 =	sld [smem:$0x3FDB];
	s0 =	simm.s32 @p2 $0x1  }
0x17: {  	s4 =	simm.s32 $0x1BF5;
	[smem:$0x3FB7] =	sst s0  }
0x18: {  	s0 =	sld [smem:$0x3F9A];
	_ =	swait.ge [sflag:s4], $0x0  }
0x19: {  	s7 =	sld [smem:$0x3F9B]  }
0x1a: {  	s8 =	sadd.s32 $0xFFFFE003, lr  }
0x1b: {  	s9 =	sadd.s32 $0xFFFFFEF7, lr;
	s5 =	simm.s32 $0xFFFFFFFF;
	p2 =	slt.u32 s8, $0xFFFFF086  }
0x1c: {  	p1 =	slt.u32 s9, $0xF7A;
	s5 =	simm.s32 @!p2 $0x0  }
0x1d: {  	s5 =	simm.s32 @p1 $0x1;
	p0 =	seq.s32 s7, s2  }
0x1e: {  	s7 =	smul.u32 @!p0 $0xF7A, s2;
	p2 =	seq.s32 @!p0 s5, $0x0  }
0x1f: {  	s9 =	smul.u32 $0xF7A, s1;
	s8 =	simm.s32 @!p0 $0x1BF5;
	p2 =	por !p2, p0  }
0x20: {  	[sflag:s8] =	ssyncset.s32 @!p0 $0xFFFFF086;
	s6 =	sadd.s32 @!p0 s3, s7;
	s7 =	simm.s32 @!p0 $0x108  }
0x21: {  	s3 =	sadd.s32 s3, s9;
	s6 =	sadd.s32 @!p0 $0x88, s6;
	s7 =	simm.s32 @p2 $0x1082  }
0x22: {  	[simem:s7], [sflag:s8] =	dma.local @!p0 [hbm:s6], $0xF7A  }
0x23: {  	s9 =	sor.u32 $0xD0000000, s2;
	s6 =	simm.s32 $0x108;
	_ =	swait.ge @!p0 [sflag:s8], $0x0  }
0x24: {  	s3 =	sadd.s32 $0x88, s3;
	s6 =	simm.s32 @!p1 $0x1082;
	[sflag:s4] =	ssyncset.s32 $0xFFFFF086  }
0x25: {  	[simem:s6], [sflag:s4] =	dma.local [hbm:s3], $0xF7A  }
0x26: {  	[smem:$0x3F9B] =	sst s1;
	(tag) =	ssettag s2;
	_ =	strace s9  }
0x27: {  	s1 =	sld [smem:$0x3FAB]  }
0x28: {  	s2 =	sld [smem:$0x3FAC]  }
0x29: {  	s4 =	sld [smem:$0x3FAE]  }
0x2a: {  	p0 =	seq.s32 s5, $0x0;
	s5 =	sld [smem:$0x3FAF]  }
0x2b: {  	s6 =	sld [smem:$0x3FB0]  }
0x2c: {  	s7 =	sld [smem:$0x3FB1]  }
0x2d: {  	s3 =	simm.s32 $0x108;
	s8 =	sld [smem:$0x3FB2]  }
0x2e: {  	s3 =	simm.s32 @!p0 $0x1082;
	s9 =	sld [smem:$0x3FB3]  }
0x2f: {  	lr =	sadd.s32 s0, s3;
	s0 =	sld [smem:$0x3FAA]  }
0x30: {  	s3 =	sld [smem:$0x3FAD]  }
0x31: {  	[smem:$0x3FB6] =	sst s10  }
0x32: {  	s10 =	sld [smem:$0x3FB4];
	_ =	sdelay $0x3  }
0x33: {  	p0 =	seq.s32 s10, $0x1;
	s10 =	sld [smem:$0x3FB6];
	_ =	sdelay $0x3  }
0x34: {  	[smem:$0x3FB6] =	sst s10  }
0x35: {  	s10 =	sld [smem:$0x3FB5];
	_ =	sdelay $0x3  }
0x36: {  	p1 =	seq.s32 s10, $0x1;
	s10 =	sld [smem:$0x3FB6];
	_ =	sdelay $0x3  }
0x37: {  	[smem:$0x3FB6] =	sst s10  }
0x38: {  	s10 =	sld [smem:$0x3FB7]  }
0x39: {  	_ = 	snop;
	(pc) =	sbr.ind lr, $3  }
0x3a: {  	_ = 	snop  }
0x3b: {  	_ = 	snop  }
0x3c: {  	p2 =	seq.s32 s10, $0x1;
	s10 =	sld [smem:$0x3FB6]  }
0x3d: {  	_ =	shalt  }
0x3e: {  	_ =	shalt  }
0x3f: {  	_ =	shalt  }
0x40: {  	_ =	shalt  }
0x41: {  	_ =	shalt  }
0x42: {  	_ =	shalt  }
0x43: {  	_ =	shalt  }
0x44: {  	_ =	shalt  }
0x45: {  	_ =	shalt  }
0x46: {  	_ =	shalt  }
0x47: {  	_ =	shalt  }
0x48: {  	_ =	shalt  }
0x49: {  	_ =	shalt  }
0x4a: {  	_ =	shalt  }
0x4b: {  	_ =	shalt  }
0x4c: {  	_ =	shalt  }
0x4d: {  	_ =	shalt  }
0x4e: {  	_ =	shalt  }
0x4f: {  	_ =	shalt  }
0x50: {  	_ =	shalt  }
0x51: {  	_ =	shalt  }
0x52: {  	_ =	shalt  }
0x53: {  	_ =	shalt  }
0x54: {  	_ =	shalt  }
0x55: {  	_ =	shalt  }
0x56: {  	_ =	shalt  }
0x57: {  	_ =	shalt  }
0x58: {  	_ =	shalt  }
0x59: {  	_ =	shalt  }
0x5a: {  	_ =	shalt  }
0x5b: {  	_ =	shalt  }
0x5c: {  	_ =	shalt  }
0x5d: {  	_ =	shalt  }
0x5e: {  	_ =	shalt  }
0x5f: {  	_ =	shalt  }
0x60: {  	_ =	shalt  }
0x61: {  	_ =	shalt  }
0x62: {  	_ =	shalt  }
0x63: {  	_ =	shalt  }
0x64: {  	_ =	shalt  }
0x65: {  	_ =	shalt  }
0x66: {  	_ =	shalt  }
0x67: {  	_ =	shalt  }
0x68: {  	_ =	shalt  }
0x69: {  	_ =	shalt  }
0x6a: {  	_ =	shalt  }
0x6b: {  	_ =	shalt  }
0x6c: {  	_ =	shalt  }
0x6d: {  	_ =	shalt  }
0x6e: {  	_ =	shalt  }
0x6f: {  	_ =	shalt  }
0x70: {  	_ =	shalt  }
0x71: {  	_ =	shalt  }
0x72: {  	_ =	shalt  }
0x73: {  	_ =	shalt  }
0x74: {  	_ =	shalt  }
0x75: {  	_ =	shalt  }
0x76: {  	_ =	shalt  }
0x77: {  	_ =	shalt  }
0x78: {  	_ =	shalt  }
0x79: {  	_ =	shalt  }
0x7a: {  	_ =	shalt  }
0x7b: {  	_ =	shalt  }
0x7c: {  	_ =	shalt  }
0x7d: {  	_ =	shalt  }
0x7e: {  	_ =	shalt  }
0x7f: {  	_ =	shalt  }
0x80: {  	_ =	shalt  }
0x81: {  	_ =	shalt  }
0x82: {  	_ =	shalt  }
0x83: {  	_ =	shalt  }
0x84: {  	_ =	shalt  }
0x85: {  	_ =	shalt  }
0x86: {  	_ =	shalt  }
0x87: {  	_ =	shalt  }
.Lfunc_end0:
.L_simem_size_0:
called_computation_lowered:
.L_overlay_start_0:
0x88: {  	s2 =	sld [smem:$0x3FD9]  }
0x89: {  	s3 =	sld [smem:$0x3FFE];
	_ =	sdelay $0x1  }
0x8a: {  	s1 =	srdreg.scid  }
0x8b: {  	s0 =	sand.u32 $0x1, s1  }
0x8c: {  	s17 =	sshll.u32 s0, $0xA;
	s2 =	sadd.s32 s3, s2  }
0x8d: {  	s2 =	sadd.s32 s2, s17  }
0x8e: {  	[smem:$0x3FC2] =	sst s2  }
0x8f: {  	_ = 	snop  }
0x90: {  	s2 =	sld [smem:$0x3FC6]  }
0x91: {  	s18 =	sld [smem:$0x3FD0];
	(tm) =	ssettm $0x1  }
0x92: {  	s4 =	sld [smem:$0x3FFB];
	_ =	sdelay $0x3  }
0x93: {  	_ =	strace s4  }
0x94: {  	s4 =	sld [smem:$0x3FFC];
	_ =	sdelay $0x3  }
0x95: {  	_ =	strace s4  }
0x96: {  	s4 =	sld [smem:$0x3FFD];
	_ =	sdelay $0x3  }
0x97: {  	_ =	strace s4  }
0x98: {  	_ =	strace $0x8FFFFFFF  }
0x99: {  	s19 =	sld [smem:$0x3FDB];
	_ =	sdelay $0x1  }
0x9a: {  	s5 =	simm.s32 $_scs_section_size  }
0x9b: {  	s6 =	simm.s32 $_size__tile_overlayer_lowered;
	s7 =	simm.s32 $_tile_overlayer_lowered  }
0x9c: {  	s22 =	simm.s32 $0x1BFF;
	s21 =	sshll.u32 s7, $0x1;
	s4 =	sadd.s32 s5, s19  }
0x9d: {  	s8 =	simm.s32 $0x0;
	s20 =	sshll.u32 s6, $0x1;
	s6 =	sadd.s32 s21, s4  }
0x9e: {  	[timem:s8], [sflag:s22] =	dma.local [hbm:s6], s20  }
0x9f: {  	_ =	swait.ge [sflag:s22], s20  }
0xa0: {  	s5 =	ssub.s32 $0x0, s20;
	[sflag:s22] =	ssyncset.done $0x0  }
0xa1: {  	[sflag:s22] =	ssyncadd.s32 s5;
	_ =	sdelay $0x1  }
0xa2: {  	s23 =	simm.s32 $0x1B8B  }
0xa3: {  	_ =	swait.ge [sflag:s23], $0x1  }
0xa4: {  	[sflag:s23] =	ssyncset.done $0x0  }
0xa5: {  	s25 =	simm.s32 $0x1B8E;
	s24 =	sld [smem:$0x3FFE];
	[sflag:s23] =	ssyncadd.s32 $0xFFFFFFFF  }
0xa6: {  	s26 =	simm.s32 $execute0_lowered;
	[smem:$0x3FD2] =	sst s25  }
0xa7: {  	s6 =	sshll.u32 s26, $0x1;
	_ =	strace $0x80000046;
	[dreg:$0x1] =	wrdreg $0xFFFFFFFF  }
0xa8: {  	s28 =	simm.s32 $_size_execute0_lowered;
	s4 =	sadd.s32 s4, s6;
	[dreg:$0x0] =	wrdreg $0x0  }
0xa9: {  	s6 =	sshll.u32 s28, $0x1;
	[dreg:$0x2] =	wrdreg s4  }
0xaa: {  	[dreg:$0x3] =	wrdreg s6  }
0xab: {  	[dreg:$0x4] =	wrdreg $0xC0  }
0xac: {  	_ =	task [dreg:s8], $0x5FFFF  }
0xad: {  	[dreg:$0x1] =	wrdreg $0xFFFFFFFF  }
0xae: {  	[dreg:$0x0] =	wrdreg $0x60  }
0xaf: {  	[dreg:$0x2] =	wrdreg s24  }
0xb0: {  	[dreg:$0x3] =	wrdreg s2  }
0xb1: {  	[dreg:$0x4] =	wrdreg s18  }
0xb2: {  	[dreg:$0x5] =	wrdreg $0x9  }
0xb3: {  	_ =	task.clear_ibuf [dreg:s8], $0x6FFFF;
	_ =	strace $0x90000046  }
0xb4: {  	s29 =	simm.s32 $0x9;
	_ =	strace $0x80000048  }
0xb5: {  	_ =	swait.ge [sflag:s29], $0x1  }
0xb6: {  	[sflag:s29] =	ssyncadd.s32 $0xFFFFFFFF  }
0xb7: {  	_ =	strace $0x90000048  }
0xb8: {  	_ =	sfence  }
0xb9: {  	s30 =	sld [smem:$0x0];
	_ =	sdelay $0x2  }
0xba: {  	s31 =	sshll.u32 s1, $0xD;
	s1 =	sshrl.u32 s1, $0x2  }
0xbb: {  	s3 =	sand.u32 $0x4000, s31;
	s1 =	sadd.s32 s1, s30  }
0xbc: {  	s0 =	sor.u32 s3, s0;
	s1 =	sshll.u32 s1, $0x11  }
0xbd: {  	s0 =	sor.u32 s1, s0  }
0xbe: {  	s0 =	sadd.s32 $0x8F2B, s0  }
0xbf: {  	[sflag:s0] =	ssyncadd.remote.s32 $0x1  }
0xc0: {  	_ =	sfence.sel $0xFFFF  }
0xc1: {  	[dreg:$0x0] =	wrdreg $0xFFFFFFFF;
	(pc) =	sbr.abs _section_cstart, $3  }
0xc2: {  	[dreg:$0x1] =	wrdreg $0xFFFFFFFF  }
0xc3: {  	_ =	task.clear_ibuf [dreg:s8], $0x2FFFF;
	_ =	strace $0x9FFFFFFF  }
0xc4: {  	(tm) =	ssettm $0x7FFFFFFF  }
0xc5: {  	_ =	shalt  }
tec
execute0_lowered:
.L_overlay_start_1:
0x0: {  	(tag) =	ssettag $0x1  }
0x1: {  	s0 =	stileid.u32;
	v0 =	vlaneseq.u32  }
0x2: {  	s4 =	sshrl.u32 s0, $0x2;
	v0 =	vmul.u32 $0x2, v0  }
0x3: {  	s1 =	sshll.u32 s4, $0xE  }
0x4: {  	v1 =	vmov s1;
	v3 =	vor.u32 $0x20, v0;
	v6 =	vor.u32 $0x80, v0  }
0x5: {  	v7 =	vor.u32 $0xA0, v0;
	v8 =	vor.u32 $0xC0, v0;
	v9 =	vor.u32 $0xE0, v0  }
0x6: {  	v10 =	vor.u32 $0x1, v0;
	v11 =	vor.u32 $0x21, v0;
	v12 =	vor.u32 $0x41, v0  }
0x7: {  	v13 =	vor.u32 $0x61, v0;
	v14 =	vor.u32 $0x81, v0;
	v15 =	vor.u32 $0xA1, v0  }
0x8: {  	v16 =	vor.u32 $0xC1, v0;
	v17 =	vor.u32 $0xE1, v0;
	v18 =	vor.u32 $0x100, v0  }
0x9: {  	s3 =	rddreg [dreg:$0x0];
	v19 =	vor.u32 $0x120, v0;
	v20 =	vor.u32 $0x140, v0;
	v21 =	vor.u32 $0x160, v0  }
0xa: {  	s5 =	rddreg [dreg:$0x1];
	v22 =	vor.u32 $0x180, v0;
	v23 =	vor.u32 $0x1A0, v0;
	v24 =	vor.u32 $0x1C0, v0  }
0xb: {  	s6 =	rddreg [dreg:$0x2];
	s7 =	srdreg.scid;
	v25 =	vor.u32 $0x1E0, v0;
	v26 =	vor.u32 $0x101, v0;
	v27 =	vor.u32 $0x121, v0  }
0xc: {  	s11 =	simm.s32 $0xC400;
	s12 =	simm.s32 $0x4280;
	s13 =	simm.s32 $0xE400;
	v28 =	vor.u32 $0x141, v0;
	v29 =	vor.u32 $0x161, v0;
	v30 =	vor.u32 $0x181, v0  }
0xd: {  	s14 =	simm.s32 $0x4300;
	s15 =	simm.s32 $0x10400;
	s16 =	simm.s32 $0x4380;
	v31 =	vor.u32 $0x1A1, v0;
	v32 =	vor.u32 $0x1C1, v0;
	v33 =	vor.u32 $0x1E1, v0  }
0xe: {  	s17 =	simm.s32 $0x12400;
	s18 =	simm.s32 $0x1;
	s19 =	simm.s32 $0x4400;
	v34 =	vor.u32 $0x200, v0;
	v35 =	vor.u32 $0x220, v0;
	v36 =	vor.u32 $0x240, v0  }
0xf: {  	s20 =	simm.s32 $0x2;
	s21 =	simm.s32 $0x3;
	s22 =	simm.s32 $0x0;
	v37 =	vor.u32 $0x260, v0;
	v38 =	vor.u32 $0x280, v0;
	v39 =	vor.u32 $0x2A0, v0  }
0x10: {  	s7 =	sand.u32 $0x1, s7;
	s10 =	sshll.u32 s0, $0x1;
	s3 =	sadd.s32 $0x1000, s3;
	v40 =	vor.u32 $0x2C0, v0;
	v41 =	vor.u32 $0x2E0, v0;
	v42 =	vor.u32 $0x201, v0  }
0x11: {  	s31 =	sand.u32 $0x3, s0;
	s8 =	ssub.s32 $0x2, s7;
	s30 =	sand.u32 $0x6, s10;
	v43 =	vor.u32 $0x221, v0;
	v44 =	vor.u32 $0x241, v0;
	v45 =	vor.u32 $0x261, v0  }
0x12: {  	s4 =	sshll.u32 s4, $0x14;
	s10 =	sshll.u32 s31, $0x12;
	s2 =	sor.u32 $0x2000, s1;
	v46 =	vor.u32 $0x281, v0;
	v47 =	vor.u32 $0x2A1, v0;
	v48 =	vor.u32 $0x2C1, v0  }
0x13: {  	s1 =	rddreg [dreg:$0x3];
	s9 =	sshrl.u32 s8, $0x1;
	s6 =	sadd.s32 s4, s6;
	v49 =	vor.u32 $0x2E1, v0;
	v50 =	vor.u32 $0x300, v0;
	v51 =	vor.u32 $0x320, v0  }
0x14: {  	v52 =	vor.u32 $0x340, v0;
	v53 =	vor.u32 $0x360, v0;
	v2 =	vmov s2;
	s2 =	simm.s32 $0x0;
	s8 =	ssub.s32 s8, s9;
	s9 =	sor.u32 s7, s30  }
0x15: {  	v54 =	vor.u32 $0x380, v0;
	v55 =	vor.u32 $0x3A0, v0;
	[tilespmem:$0x1FFD0] =	vst v3;
	v3 =	vor.u32 $0x40, v0;
	s6 =	sadd.s32 s10, s6;
	s7 =	sshll.u32 s7, $0x11;
	s10 =	simm.s32 $0x4200  }
0x16: {  	v56 =	vor.u32 $0x3C0, v0;
	v57 =	vor.u32 $0x3E0, v0;
	[tilespmem:$0x1FFE0] =	vst v3;
	v3 =	vor.u32 $0x60, v0;
	[smem:$0x7FF] =	sst s2;
	s9 =	sshll.u32 s9, $0xB;
	s6 =	sadd.s32 s7, s6  }
0x17: {  	v58 =	vor.u32 $0x301, v0;
	v59 =	vor.u32 $0x321, v0;
	v60 =	vor.u32 $0x341, v0;
	s7 =	simm.s32 $0x4;
	[tilespmem:$0x1FFF0] =	vst v3;
	s4 =	sadd.s32 s5, s9;
	s5 =	smax.u32 s8, $0x1  }
0x18: {  	v61 =	vor.u32 $0x361, v0;
	v62 =	vor.u32 $0x381, v0;
	v63 =	vor.u32 $0x3A1, v0;
	s8 =	simm.s32 $0x4000;
	s9 =	simm.s32 $0x80;
	_ =	strace $0x80000047  }
.LBB2_1:
0x19: {  	[tilespmem:s2], [sflag:$0x4] =	stream.linear.gather [hbm4b:s4+s2], $0x4000, $0x38;
	[tilespmem:$0x14400] =	vst v63  }
0x1a: {  	_ =	swait.ge [sflag:s7], $0x4000  }
0x1b: {  	[sflag:s7] =	ssyncset.done $0x0  }
0x1c: {  	[sflag:s7] =	ssyncadd.s32 $0xFFFFC000  }
0x1d: {  	v3 =	vld [tilespmem:$0x0];
	_ =	sdelay $0x4  }
0x1e: {  	v4 =	vld [tilespmem:$0x1FFD0];
	v3 =	vadd.s32 v1, v3  }
0x1f: {  	[tilespmem:v0+s8+$0x0] =	vst.idx.msk $0xffff, v3  }
0x20: {  	v3 =	vld [tilespmem:$0x10];
	_ =	sdelay $0x4  }
0x21: {  	v3 =	vadd.s32 v1, v3  }
0x22: {  	[tilespmem:v4+s8+$0x0] =	vst.idx.msk $0xffff, v3;
	v4 =	vld [tilespmem:$0x1FFE0];
	_ =	sdelay $0x1  }
0x23: {  	v3 =	vld [tilespmem:$0x20];
	_ =	sdelay $0x4  }
0x24: {  	v3 =	vadd.s32 v1, v3  }
0x25: {  	[tilespmem:v4+s8+$0x0] =	vst.idx.msk $0xffff, v3;
	v4 =	vld [tilespmem:$0x1FFF0];
	_ =	sdelay $0x1  }
0x26: {  	v3 =	vld [tilespmem:$0x30];
	_ =	sdelay $0x4  }
0x27: {  	v3 =	vadd.s32 v1, v3  }
0x28: {  	[tilespmem:v4+s8+$0x0] =	vst.idx.msk $0xffff, v3  }
0x29: {  	v3 =	vld [tilespmem:$0x40];
	_ =	sdelay $0x4  }
0x2a: {  	v3 =	vadd.s32 v1, v3  }
0x2b: {  	[tilespmem:v6+s8+$0x0] =	vst.idx.msk $0xffff, v3  }
0x2c: {  	v3 =	vld [tilespmem:$0x50];
	_ =	sdelay $0x4  }
0x2d: {  	v3 =	vadd.s32 v1, v3  }
0x2e: {  	[tilespmem:v7+s8+$0x0] =	vst.idx.msk $0xffff, v3  }
0x2f: {  	v3 =	vld [tilespmem:$0x60];
	_ =	sdelay $0x4  }
0x30: {  	v3 =	vadd.s32 v1, v3  }
0x31: {  	[tilespmem:v8+s8+$0x0] =	vst.idx.msk $0xffff, v3  }
0x32: {  	v3 =	vld [tilespmem:$0x70];
	_ =	sdelay $0x4  }
0x33: {  	v3 =	vadd.s32 v1, v3  }
0x34: {  	[tilespmem:v9+s8+$0x0] =	vst.idx.msk $0xffff, v3  }
0x35: {  	v3 =	vld [tilespmem:$0x80];
	_ =	sdelay $0x4  }
0x36: {  	v3 =	vadd.s32 v2, v3  }
0x37: {  	[tilespmem:v10+s8+$0x0] =	vst.idx.msk $0xffff, v3  }
0x38: {  	v3 =	vld [tilespmem:$0x90];
	_ =	sdelay $0x4  }
0x39: {  	v3 =	vadd.s32 v2, v3  }
0x3a: {  	[tilespmem:v11+s8+$0x0] =	vst.idx.msk $0xffff, v3  }
0x3b: {  	v3 =	vld [tilespmem:$0xA0];
	_ =	sdelay $0x4  }
0x3c: {  	v3 =	vadd.s32 v2, v3  }
0x3d: {  	[tilespmem:v12+s8+$0x0] =	vst.idx.msk $0xffff, v3  }
0x3e: {  	v3 =	vld [tilespmem:$0xB0];
	_ =	sdelay $0x4  }
0x3f: {  	v3 =	vadd.s32 v2, v3  }
0x40: {  	[tilespmem:v13+s8+$0x0] =	vst.idx.msk $0xffff, v3  }
0x41: {  	v3 =	vld [tilespmem:$0xC0];
	_ =	sdelay $0x4  }
0x42: {  	v3 =	vadd.s32 v2, v3  }
0x43: {  	[tilespmem:v14+s8+$0x0] =	vst.idx.msk $0xffff, v3  }
0x44: {  	v3 =	vld [tilespmem:$0xD0];
	_ =	sdelay $0x4  }
0x45: {  	v3 =	vadd.s32 v2, v3  }
0x46: {  	[tilespmem:v15+s8+$0x0] =	vst.idx.msk $0xffff, v3  }
0x47: {  	v3 =	vld [tilespmem:$0xE0];
	_ =	sdelay $0x4  }
0x48: {  	v3 =	vadd.s32 v2, v3  }
0x49: {  	[tilespmem:v16+s8+$0x0] =	vst.idx.msk $0xffff, v3  }
0x4a: {  	v3 =	vld [tilespmem:$0xF0];
	_ =	sdelay $0x4  }
0x4b: {  	v3 =	vadd.s32 v2, v3  }
0x4c: {  	[tilespmem:v17+s8+$0x0] =	vst.idx.msk $0xffff, v3  }
0x4d: {  	v3 =	vld [tilespmem:$0x100];
	_ =	sdelay $0x4  }
0x4e: {  	v3 =	vadd.s32 v1, v3  }
0x4f: {  	[tilespmem:v18+s8+$0x0] =	vst.idx.msk $0xffff, v3  }
0x50: {  	v3 =	vld [tilespmem:$0x110];
	_ =	sdelay $0x4  }
0x51: {  	v3 =	vadd.s32 v1, v3  }
0x52: {  	[tilespmem:v19+s8+$0x0] =	vst.idx.msk $0xffff, v3  }
0x53: {  	v3 =	vld [tilespmem:$0x120];
	_ =	sdelay $0x4  }
0x54: {  	v3 =	vadd.s32 v1, v3  }
0x55: {  	[tilespmem:v20+s8+$0x0] =	vst.idx.msk $0xffff, v3  }
0x56: {  	v3 =	vld [tilespmem:$0x130];
	_ =	sdelay $0x4  }
0x57: {  	v3 =	vadd.s32 v1, v3  }
0x58: {  	[tilespmem:v21+s8+$0x0] =	vst.idx.msk $0xffff, v3  }
0x59: {  	v3 =	vld [tilespmem:$0x140];
	_ =	sdelay $0x4  }
0x5a: {  	v3 =	vadd.s32 v1, v3  }
0x5b: {  	[tilespmem:v22+s8+$0x0] =	vst.idx.msk $0xffff, v3  }
0x5c: {  	v3 =	vld [tilespmem:$0x150];
	_ =	sdelay $0x4  }
0x5d: {  	v3 =	vadd.s32 v1, v3  }
0x5e: {  	[tilespmem:v23+s8+$0x0] =	vst.idx.msk $0xffff, v3  }
0x5f: {  	v3 =	vld [tilespmem:$0x160];
	_ =	sdelay $0x4  }
0x60: {  	v3 =	vadd.s32 v1, v3  }
0x61: {  	[tilespmem:v24+s8+$0x0] =	vst.idx.msk $0xffff, v3  }
0x62: {  	v3 =	vld [tilespmem:$0x170];
	_ =	sdelay $0x4  }
0x63: {  	v3 =	vadd.s32 v1, v3  }
0x64: {  	[tilespmem:v25+s8+$0x0] =	vst.idx.msk $0xffff, v3  }
0x65: {  	v3 =	vld [tilespmem:$0x180];
	_ =	sdelay $0x4  }
0x66: {  	v3 =	vadd.s32 v2, v3  }
0x67: {  	[tilespmem:v26+s8+$0x0] =	vst.idx.msk $0xffff, v3  }
0x68: {  	v3 =	vld [tilespmem:$0x190];
	_ =	sdelay $0x4  }
0x69: {  	v3 =	vadd.s32 v2, v3  }
0x6a: {  	[tilespmem:v27+s8+$0x0] =	vst.idx.msk $0xffff, v3  }
0x6b: {  	v3 =	vld [tilespmem:$0x1A0];
	_ =	sdelay $0x4  }
0x6c: {  	v3 =	vadd.s32 v2, v3  }
0x6d: {  	[tilespmem:v28+s8+$0x0] =	vst.idx.msk $0xffff, v3  }
0x6e: {  	v3 =	vld [tilespmem:$0x1B0];
	_ =	sdelay $0x4  }
0x6f: {  	v3 =	vadd.s32 v2, v3  }
0x70: {  	[tilespmem:v29+s8+$0x0] =	vst.idx.msk $0xffff, v3  }
0x71: {  	v3 =	vld [tilespmem:$0x1C0];
	_ =	sdelay $0x4  }
0x72: {  	v3 =	vadd.s32 v2, v3  }
0x73: {  	[tilespmem:v30+s8+$0x0] =	vst.idx.msk $0xffff, v3  }
0x74: {  	v3 =	vld [tilespmem:$0x1D0];
	_ =	sdelay $0x4  }
0x75: {  	v3 =	vadd.s32 v2, v3  }
0x76: {  	[tilespmem:v31+s8+$0x0] =	vst.idx.msk $0xffff, v3  }
0x77: {  	v3 =	vld [tilespmem:$0x1E0];
	_ =	sdelay $0x4  }
0x78: {  	v3 =	vadd.s32 v2, v3  }
0x79: {  	[tilespmem:v32+s8+$0x0] =	vst.idx.msk $0xffff, v3  }
0x7a: {  	v3 =	vld [tilespmem:$0x1F0];
	_ =	sdelay $0x4  }
0x7b: {  	v3 =	vadd.s32 v2, v3  }
0x7c: {  	[tilespmem:v33+s8+$0x0] =	vst.idx.msk $0xffff, v3  }
0x7d: {  	v3 =	vld [tilespmem:$0x200];
	_ =	sdelay $0x4  }
0x7e: {  	v3 =	vadd.s32 v1, v3  }
0x7f: {  	[tilespmem:v34+s8+$0x0] =	vst.idx.msk $0xffff, v3  }
0x80: {  	v3 =	vld [tilespmem:$0x210];
	_ =	sdelay $0x4  }
0x81: {  	v3 =	vadd.s32 v1, v3  }
0x82: {  	[tilespmem:v35+s8+$0x0] =	vst.idx.msk $0xffff, v3  }
0x83: {  	v3 =	vld [tilespmem:$0x220];
	_ =	sdelay $0x4  }
0x84: {  	v3 =	vadd.s32 v1, v3  }
0x85: {  	[tilespmem:v36+s8+$0x0] =	vst.idx.msk $0xffff, v3  }
0x86: {  	v3 =	vld [tilespmem:$0x230];
	_ =	sdelay $0x4  }
0x87: {  	v3 =	vadd.s32 v1, v3  }
0x88: {  	[tilespmem:v37+s8+$0x0] =	vst.idx.msk $0xffff, v3  }
0x89: {  	v3 =	vld [tilespmem:$0x240];
	_ =	sdelay $0x4  }
0x8a: {  	v3 =	vadd.s32 v1, v3  }
0x8b: {  	[tilespmem:v38+s8+$0x0] =	vst.idx.msk $0xffff, v3  }
0x8c: {  	v3 =	vld [tilespmem:$0x250];
	_ =	sdelay $0x4  }
0x8d: {  	v3 =	vadd.s32 v1, v3  }
0x8e: {  	[tilespmem:v39+s8+$0x0] =	vst.idx.msk $0xffff, v3  }
0x8f: {  	v3 =	vld [tilespmem:$0x260];
	_ =	sdelay $0x4  }
0x90: {  	v3 =	vadd.s32 v1, v3  }
0x91: {  	[tilespmem:v40+s8+$0x0] =	vst.idx.msk $0xffff, v3  }
0x92: {  	v3 =	vld [tilespmem:$0x270];
	_ =	sdelay $0x4  }
0x93: {  	v3 =	vadd.s32 v1, v3  }
0x94: {  	[tilespmem:v41+s8+$0x0] =	vst.idx.msk $0xffff, v3  }
0x95: {  	v3 =	vld [tilespmem:$0x280];
	_ =	sdelay $0x4  }
0x96: {  	v3 =	vadd.s32 v2, v3  }
0x97: {  	[tilespmem:v42+s8+$0x0] =	vst.idx.msk $0xffff, v3  }
0x98: {  	v3 =	vld [tilespmem:$0x290];
	_ =	sdelay $0x4  }
0x99: {  	v3 =	vadd.s32 v2, v3  }
0x9a: {  	[tilespmem:v43+s8+$0x0] =	vst.idx.msk $0xffff, v3  }
0x9b: {  	v3 =	vld [tilespmem:$0x2A0];
	_ =	sdelay $0x4  }
0x9c: {  	v3 =	vadd.s32 v2, v3  }
0x9d: {  	[tilespmem:v44+s8+$0x0] =	vst.idx.msk $0xffff, v3  }
0x9e: {  	v3 =	vld [tilespmem:$0x2B0];
	_ =	sdelay $0x4  }
0x9f: {  	v3 =	vadd.s32 v2, v3  }
0xa0: {  	[tilespmem:v45+s8+$0x0] =	vst.idx.msk $0xffff, v3  }
0xa1: {  	v3 =	vld [tilespmem:$0x2C0];
	_ =	sdelay $0x4  }
0xa2: {  	v3 =	vadd.s32 v2, v3  }
0xa3: {  	[tilespmem:v46+s8+$0x0] =	vst.idx.msk $0xffff, v3  }
0xa4: {  	v3 =	vld [tilespmem:$0x2D0];
	_ =	sdelay $0x4  }
0xa5: {  	v3 =	vadd.s32 v2, v3  }
0xa6: {  	[tilespmem:v47+s8+$0x0] =	vst.idx.msk $0xffff, v3  }
0xa7: {  	v3 =	vld [tilespmem:$0x2E0];
	_ =	sdelay $0x4  }
0xa8: {  	v3 =	vadd.s32 v2, v3  }
0xa9: {  	[tilespmem:v48+s8+$0x0] =	vst.idx.msk $0xffff, v3  }
0xaa: {  	v3 =	vld [tilespmem:$0x2F0];
	_ =	sdelay $0x4  }
0xab: {  	v3 =	vadd.s32 v2, v3  }
0xac: {  	[tilespmem:v49+s8+$0x0] =	vst.idx.msk $0xffff, v3  }
0xad: {  	v3 =	vld [tilespmem:$0x300];
	_ =	sdelay $0x4  }
0xae: {  	v3 =	vadd.s32 v1, v3  }
0xaf: {  	[tilespmem:v50+s8+$0x0] =	vst.idx.msk $0xffff, v3  }
0xb0: {  	v3 =	vld [tilespmem:$0x310];
	_ =	sdelay $0x4  }
0xb1: {  	v3 =	vadd.s32 v1, v3  }
0xb2: {  	[tilespmem:v51+s8+$0x0] =	vst.idx.msk $0xffff, v3  }
0xb3: {  	v3 =	vld [tilespmem:$0x320];
	_ =	sdelay $0x4  }
0xb4: {  	v3 =	vadd.s32 v1, v3  }
0xb5: {  	[tilespmem:v52+s8+$0x0] =	vst.idx.msk $0xffff, v3  }
0xb6: {  	v3 =	vld [tilespmem:$0x330];
	_ =	sdelay $0x4  }
0xb7: {  	v3 =	vadd.s32 v1, v3  }
0xb8: {  	[tilespmem:v53+s8+$0x0] =	vst.idx.msk $0xffff, v3  }
0xb9: {  	v3 =	vld [tilespmem:$0x340];
	_ =	sdelay $0x4  }
0xba: {  	v3 =	vadd.s32 v1, v3  }
0xbb: {  	[tilespmem:v54+s8+$0x0] =	vst.idx.msk $0xffff, v3  }
0xbc: {  	v3 =	vld [tilespmem:$0x350];
	_ =	sdelay $0x4  }
0xbd: {  	v3 =	vadd.s32 v1, v3  }
0xbe: {  	[tilespmem:v55+s8+$0x0] =	vst.idx.msk $0xffff, v3  }
0xbf: {  	v3 =	vld [tilespmem:$0x360];
	_ =	sdelay $0x4  }
0xc0: {  	v3 =	vadd.s32 v1, v3  }
0xc1: {  	[tilespmem:v56+s8+$0x0] =	vst.idx.msk $0xffff, v3  }
0xc2: {  	v3 =	vld [tilespmem:$0x370];
	_ =	sdelay $0x4  }
0xc3: {  	v3 =	vadd.s32 v1, v3  }
0xc4: {  	[tilespmem:v57+s8+$0x0] =	vst.idx.msk $0xffff, v3  }
0xc5: {  	v3 =	vld [tilespmem:$0x380];
	_ =	sdelay $0x4  }
0xc6: {  	v3 =	vadd.s32 v2, v3  }
0xc7: {  	[tilespmem:v58+s8+$0x0] =	vst.idx.msk $0xffff, v3  }
0xc8: {  	v3 =	vld [tilespmem:$0x390];
	_ =	sdelay $0x4  }
0xc9: {  	v3 =	vadd.s32 v2, v3  }
0xca: {  	[tilespmem:v59+s8+$0x0] =	vst.idx.msk $0xffff, v3  }
0xcb: {  	v3 =	vld [tilespmem:$0x3A0];
	_ =	sdelay $0x4  }
0xcc: {  	v3 =	vadd.s32 v2, v3  }
0xcd: {  	[tilespmem:v60+s8+$0x0] =	vst.idx.msk $0xffff, v3  }
0xce: {  	v3 =	vld [tilespmem:$0x3B0];
	_ =	sdelay $0x4  }
0xcf: {  	v3 =	vadd.s32 v2, v3  }
0xd0: {  	[tilespmem:v61+s8+$0x0] =	vst.idx.msk $0xffff, v3  }
0xd1: {  	v3 =	vld [tilespmem:$0x3C0];
	_ =	sdelay $0x4  }
0xd2: {  	v3 =	vadd.s32 v2, v3  }
0xd3: {  	[tilespmem:v62+s8+$0x0] =	vst.idx.msk $0xffff, v3  }
0xd4: {  	v3 =	vld [tilespmem:$0x3D0];
	_ =	sdelay $0x4  }
0xd5: {  	v3 =	vadd.s32 v2, v3  }
0xd6: {  	[tilespmem:v63+s8+$0x0] =	vst.idx.msk $0xffff, v3  }
0xd7: {  	v3 =	vld [tilespmem:$0x3E0]  }
0xd8: {  	v4 =	vor.u32 $0x3C1, v0;
	_ =	sdelay $0x3  }
0xd9: {  	v3 =	vadd.s32 v2, v3  }
0xda: {  	[tilespmem:v4+s8+$0x0] =	vst.idx.msk $0xffff, v3  }
0xdb: {  	v3 =	vld [tilespmem:$0x3F0]  }
0xdc: {  	v4 =	vor.u32 $0x3E1, v0;
	_ =	sdelay $0x3  }
0xdd: {  	v3 =	vadd.s32 v2, v3  }
0xde: {  	s23 =	simm.s32 $0x7F0;
	s24 =	simm.s32 $0x0;
	[tilespmem:v4+s8+$0x0] =	vst.idx.msk $0xffff, v3  }
.LBB2_2:
0xdf: {  	p0 =	seq.s32 s24, $0x0  }
0xe0: {  	s25 =	simm.s32 @p0 $0x80;
	s26 =	simm.s32 @p0 $0x4000;
	s28 =	simm.s32 @p0 $0x4400  }
0xe1: {  	[tilespmem:s28], [sflag:$0x1] =	stream.indirect.gather @p0 [hbm4b:s3+s25], $0x40, s26, s25, $0xb8;
	[tilespmem:$0x14400] =	vst v63  }
0xe2: {  	s26 =	simm.s32 @p0 $0x4080;
	s28 =	simm.s32 @p0 $0x6400  }
0xe3: {  	[tilespmem:s28], [sflag:$0x1] =	stream.indirect.gather @p0 [hbm4b:s3+s25], $0x40, s26, s25, $0xb8;
	[tilespmem:$0x14400] =	vst v63  }
0xe4: {  	s26 =	simm.s32 @p0 $0x4100;
	s28 =	simm.s32 @p0 $0x8400  }
0xe5: {  	[tilespmem:s28], [sflag:$0x1] =	stream.indirect.gather @p0 [hbm4b:s3+s25], $0x40, s26, s25, $0xb8;
	[tilespmem:$0x14400] =	vst v63  }
0xe6: {  	s26 =	simm.s32 @p0 $0x4180;
	s28 =	simm.s32 @p0 $0xA400  }
0xe7: {  	[tilespmem:s28], [sflag:$0x1] =	stream.indirect.gather @p0 [hbm4b:s3+s25], $0x40, s26, s25, $0xb8;
	[tilespmem:$0x14400] =	vst v63  }
0xe8: {  	s25 =	simm.s32 @!p0 $0x2  }
0xe9: {  	_ =	swait.ge @!p0 [sflag:s25], $0x8000  }
0xea: {  	s26 =	simm.s32 @!p0 $0x4000;
	[sflag:s25] =	ssyncset.done @!p0 $0x0  }
0xeb: {  	s28 =	simm.s32 @!p0 $0x4400;
	[sflag:s25] =	ssyncadd.s32 @!p0 $0xFFFF8000;
	s25 =	simm.s32 @!p0 $0x80  }
0xec: {  	[tilespmem:s28], [sflag:$0x1] =	stream.indirect.gather @!p0 [hbm4b:s3+s25], $0x40, s26, s25, $0xb8;
	[tilespmem:$0x14400] =	vst v63  }
0xed: {  	s26 =	simm.s32 @!p0 $0x4080;
	s28 =	simm.s32 @!p0 $0x6400  }
0xee: {  	[tilespmem:s28], [sflag:$0x1] =	stream.indirect.gather @!p0 [hbm4b:s3+s25], $0x40, s26, s25, $0xb8;
	[tilespmem:$0x14400] =	vst v63  }
0xef: {  	s26 =	simm.s32 @!p0 $0x4100;
	s28 =	simm.s32 @!p0 $0x8400  }
0xf0: {  	[tilespmem:s28], [sflag:$0x1] =	stream.indirect.gather @!p0 [hbm4b:s3+s25], $0x40, s26, s25, $0xb8;
	[tilespmem:$0x14400] =	vst v63  }
0xf1: {  	s26 =	simm.s32 @!p0 $0x4180;
	s28 =	simm.s32 @!p0 $0xA400  }
0xf2: {  	[tilespmem:s28], [sflag:$0x1] =	stream.indirect.gather @!p0 [hbm4b:s3+s25], $0x40, s26, s25, $0xb8;
	[tilespmem:$0x14400] =	vst v63  }
0xf3: {  	s25 =	simm.s32 @!p0 $0x3  }
0xf4: {  	_ =	swait.ge @!p0 [sflag:s25], $0x8000  }
0xf5: {  	[sflag:s25] =	ssyncset.done @!p0 $0x0  }
0xf6: {  	[sflag:s25] =	ssyncadd.s32 @!p0 $0xFFFF8000  }
0xf7: {  	[tilespmem:s11], [sflag:$0x1] =	stream.indirect.gather [hbm4b:s3+s9], $0x40, s10, s9, $0xb8;
	[tilespmem:$0x14400] =	vst v63  }
0xf8: {  	_ = 	snop  }
0xf9: {  	[tilespmem:s13], [sflag:$0x1] =	stream.indirect.gather [hbm4b:s3+s9], $0x40, s12, s9, $0xb8;
	[tilespmem:$0x14400] =	vst v63  }
0xfa: {  	_ = 	snop  }
0xfb: {  	[tilespmem:s15], [sflag:$0x1] =	stream.indirect.gather [hbm4b:s3+s9], $0x40, s14, s9, $0xb8;
	[tilespmem:$0x14400] =	vst v63  }
0xfc: {  	_ = 	snop  }
0xfd: {  	[tilespmem:s17], [sflag:$0x1] =	stream.indirect.gather [hbm4b:s3+s9], $0x40, s16, s9, $0xb8;
	[tilespmem:$0x14400] =	vst v63  }
0xfe: {  	_ =	swait.ge [sflag:s18], $0x2000  }
0xff: {  	[sflag:s18] =	ssyncset.done $0x0  }
0x100: {  	[sflag:s18] =	ssyncadd.s32 $0xFFFFE000  }
0x101: {  	_ =	swait.ge [sflag:s18], $0x2000  }
0x102: {  	[sflag:s18] =	ssyncset.done $0x0  }
0x103: {  	[sflag:s18] =	ssyncadd.s32 $0xFFFFE000  }
0x104: {  	_ =	swait.ge [sflag:s18], $0x2000  }
0x105: {  	[sflag:s18] =	ssyncset.done $0x0  }
0x106: {  	[sflag:s18] =	ssyncadd.s32 $0xFFFFE000  }
0x107: {  	_ =	swait.ge [sflag:s18], $0x2000  }
0x108: {  	s30 =	sadd.s32 s24, s6;
	[sflag:s18] =	ssyncset.done $0x0  }
0x109: {  	s31 =	sadd.s32 $0x100000, s30;
	[sflag:s18] =	ssyncadd.s32 $0xFFFFE000  }
0x10a: {  	[hbm4b:s31+s2] =	stream.linear.scatter [tilespmem:s19], [sflag:$0x2], $0x8000, $0x38;
	[tilespmem:$0x14400] =	vst v63  }
0x10b: {  	_ =	swait.ge [sflag:s18], $0x2000  }
0x10c: {  	[sflag:s18] =	ssyncset.done $0x0  }
0x10d: {  	[sflag:s18] =	ssyncadd.s32 $0xFFFFE000  }
0x10e: {  	_ =	swait.ge [sflag:s18], $0x2000  }
0x10f: {  	[sflag:s18] =	ssyncset.done $0x0  }
0x110: {  	[sflag:s18] =	ssyncadd.s32 $0xFFFFE000  }
0x111: {  	_ =	swait.ge [sflag:s18], $0x2000  }
0x112: {  	[sflag:s18] =	ssyncset.done $0x0  }
0x113: {  	[sflag:s18] =	ssyncadd.s32 $0xFFFFE000  }
0x114: {  	_ =	swait.ge [sflag:s18], $0x2000  }
0x115: {  	[sflag:s18] =	ssyncset.done $0x0  }
0x116: {  	s25 =	sadd.s32 $0x101000, s30;
	p0 =	seq.s32 s24, $0x1E000;
	[sflag:s18] =	ssyncadd.s32 $0xFFFFE000  }
0x117: {  	v3 =	vlaneseq.u32 @!p0;
	[hbm4b:s25+s2] =	stream.linear.scatter [tilespmem:s11], [sflag:$0x3], $0x8000, $0x38;
	[tilespmem:$0x14400] =	vst v63  }
0x118: {  	v3 =	vmul.u32 @!p0 $0x2, v3;
	v4 =	vld @!p0 [tilespmem:s23+$0xFFFFFC10];
	_ =	sdelay $0x4  }
0x119: {  	s25 =	simm.s32 @!p0 $0x4000;
	v4 =	vadd.s32 @!p0 v1, v4  }
0x11a: {  	[tilespmem:v3+s25+$0x0] =	vst.idx.msk @!p0 $0xffff, v4  }
0x11b: {  	v4 =	vld @!p0 [tilespmem:s23+$0xFFFFFC20]  }
0x11c: {  	v5 =	vor.u32 @!p0 $0x20, v3;
	_ =	sdelay $0x3  }
0x11d: {  	v4 =	vadd.s32 @!p0 v1, v4  }
0x11e: {  	[tilespmem:v5+s25+$0x0] =	vst.idx.msk @!p0 $0xffff, v4  }
0x11f: {  	v4 =	vld @!p0 [tilespmem:s23+$0xFFFFFC30]  }
0x120: {  	v5 =	vor.u32 @!p0 $0x40, v3;
	_ =	sdelay $0x3  }
0x121: {  	v4 =	vadd.s32 @!p0 v1, v4  }
0x122: {  	[tilespmem:v5+s25+$0x0] =	vst.idx.msk @!p0 $0xffff, v4  }
0x123: {  	v4 =	vld @!p0 [tilespmem:s23+$0xFFFFFC40]  }
0x124: {  	v5 =	vor.u32 @!p0 $0x60, v3;
	_ =	sdelay $0x3  }
0x125: {  	v4 =	vadd.s32 @!p0 v1, v4  }
0x126: {  	[tilespmem:v5+s25+$0x0] =	vst.idx.msk @!p0 $0xffff, v4  }
0x127: {  	v4 =	vld @!p0 [tilespmem:s23+$0xFFFFFC50]  }
0x128: {  	v5 =	vor.u32 @!p0 $0x80, v3;
	_ =	sdelay $0x3  }
0x129: {  	v4 =	vadd.s32 @!p0 v1, v4  }
0x12a: {  	[tilespmem:v5+s25+$0x0] =	vst.idx.msk @!p0 $0xffff, v4  }
0x12b: {  	v4 =	vld @!p0 [tilespmem:s23+$0xFFFFFC60]  }
0x12c: {  	v5 =	vor.u32 @!p0 $0xA0, v3;
	_ =	sdelay $0x3  }
0x12d: {  	v4 =	vadd.s32 @!p0 v1, v4  }
0x12e: {  	[tilespmem:v5+s25+$0x0] =	vst.idx.msk @!p0 $0xffff, v4  }
0x12f: {  	v4 =	vld @!p0 [tilespmem:s23+$0xFFFFFC70]  }
0x130: {  	v5 =	vor.u32 @!p0 $0xC0, v3;
	_ =	sdelay $0x3  }
0x131: {  	v4 =	vadd.s32 @!p0 v1, v4  }
0x132: {  	[tilespmem:v5+s25+$0x0] =	vst.idx.msk @!p0 $0xffff, v4  }
0x133: {  	v4 =	vld @!p0 [tilespmem:s23+$0xFFFFFC80]  }
0x134: {  	v5 =	vor.u32 @!p0 $0xE0, v3;
	_ =	sdelay $0x3  }
0x135: {  	v4 =	vadd.s32 @!p0 v1, v4  }
0x136: {  	[tilespmem:v5+s25+$0x0] =	vst.idx.msk @!p0 $0xffff, v4  }
0x137: {  	v4 =	vld @!p0 [tilespmem:s23+$0xFFFFFC90]  }
0x138: {  	v5 =	vor.u32 @!p0 $0x1, v3;
	_ =	sdelay $0x3  }
0x139: {  	v4 =	vadd.s32 @!p0 v2, v4  }
0x13a: {  	[tilespmem:v5+s25+$0x0] =	vst.idx.msk @!p0 $0xffff, v4  }
0x13b: {  	v4 =	vld @!p0 [tilespmem:s23+$0xFFFFFCA0]  }
0x13c: {  	v5 =	vor.u32 @!p0 $0x21, v3;
	_ =	sdelay $0x3  }
0x13d: {  	v4 =	vadd.s32 @!p0 v2, v4  }
0x13e: {  	[tilespmem:v5+s25+$0x0] =	vst.idx.msk @!p0 $0xffff, v4  }
0x13f: {  	v4 =	vld @!p0 [tilespmem:s23+$0xFFFFFCB0]  }
0x140: {  	v5 =	vor.u32 @!p0 $0x41, v3;
	_ =	sdelay $0x3  }
0x141: {  	v4 =	vadd.s32 @!p0 v2, v4  }
0x142: {  	[tilespmem:v5+s25+$0x0] =	vst.idx.msk @!p0 $0xffff, v4  }
0x143: {  	v4 =	vld @!p0 [tilespmem:s23+$0xFFFFFCC0]  }
0x144: {  	v5 =	vor.u32 @!p0 $0x61, v3;
	_ =	sdelay $0x3  }
0x145: {  	v4 =	vadd.s32 @!p0 v2, v4  }
0x146: {  	[tilespmem:v5+s25+$0x0] =	vst.idx.msk @!p0 $0xffff, v4  }
0x147: {  	v4 =	vld @!p0 [tilespmem:s23+$0xFFFFFCD0]  }
0x148: {  	v5 =	vor.u32 @!p0 $0x81, v3;
	_ =	sdelay $0x3  }
0x149: {  	v4 =	vadd.s32 @!p0 v2, v4  }
0x14a: {  	[tilespmem:v5+s25+$0x0] =	vst.idx.msk @!p0 $0xffff, v4  }
0x14b: {  	v4 =	vld @!p0 [tilespmem:s23+$0xFFFFFCE0]  }
0x14c: {  	v5 =	vor.u32 @!p0 $0xA1, v3;
	_ =	sdelay $0x3  }
0x14d: {  	v4 =	vadd.s32 @!p0 v2, v4  }
0x14e: {  	[tilespmem:v5+s25+$0x0] =	vst.idx.msk @!p0 $0xffff, v4  }
0x14f: {  	v4 =	vld @!p0 [tilespmem:s23+$0xFFFFFCF0]  }
0x150: {  	v5 =	vor.u32 @!p0 $0xC1, v3;
	_ =	sdelay $0x3  }
0x151: {  	v4 =	vadd.s32 @!p0 v2, v4  }
0x152: {  	[tilespmem:v5+s25+$0x0] =	vst.idx.msk @!p0 $0xffff, v4  }
0x153: {  	v4 =	vld @!p0 [tilespmem:s23+$0xFFFFFD00]  }
0x154: {  	v5 =	vor.u32 @!p0 $0xE1, v3;
	_ =	sdelay $0x3  }
0x155: {  	v4 =	vadd.s32 @!p0 v2, v4  }
0x156: {  	[tilespmem:v5+s25+$0x0] =	vst.idx.msk @!p0 $0xffff, v4  }
0x157: {  	v4 =	vld @!p0 [tilespmem:s23+$0xFFFFFD10]  }
0x158: {  	v5 =	vor.u32 @!p0 $0x100, v3;
	_ =	sdelay $0x3  }
0x159: {  	v4 =	vadd.s32 @!p0 v1, v4  }
0x15a: {  	[tilespmem:v5+s25+$0x0] =	vst.idx.msk @!p0 $0xffff, v4  }
0x15b: {  	v4 =	vld @!p0 [tilespmem:s23+$0xFFFFFD20]  }
0x15c: {  	v5 =	vor.u32 @!p0 $0x120, v3;
	_ =	sdelay $0x3  }
0x15d: {  	v4 =	vadd.s32 @!p0 v1, v4  }
0x15e: {  	[tilespmem:v5+s25+$0x0] =	vst.idx.msk @!p0 $0xffff, v4  }
0x15f: {  	v4 =	vld @!p0 [tilespmem:s23+$0xFFFFFD30]  }
0x160: {  	v5 =	vor.u32 @!p0 $0x140, v3;
	_ =	sdelay $0x3  }
0x161: {  	v4 =	vadd.s32 @!p0 v1, v4  }
0x162: {  	[tilespmem:v5+s25+$0x0] =	vst.idx.msk @!p0 $0xffff, v4  }
0x163: {  	v4 =	vld @!p0 [tilespmem:s23+$0xFFFFFD40]  }
0x164: {  	v5 =	vor.u32 @!p0 $0x160, v3;
	_ =	sdelay $0x3  }
0x165: {  	v4 =	vadd.s32 @!p0 v1, v4  }
0x166: {  	[tilespmem:v5+s25+$0x0] =	vst.idx.msk @!p0 $0xffff, v4  }
0x167: {  	v4 =	vld @!p0 [tilespmem:s23+$0xFFFFFD50]  }
0x168: {  	v5 =	vor.u32 @!p0 $0x180, v3;
	_ =	sdelay $0x3  }
0x169: {  	v4 =	vadd.s32 @!p0 v1, v4  }
0x16a: {  	[tilespmem:v5+s25+$0x0] =	vst.idx.msk @!p0 $0xffff, v4  }
0x16b: {  	v4 =	vld @!p0 [tilespmem:s23+$0xFFFFFD60]  }
0x16c: {  	v5 =	vor.u32 @!p0 $0x1A0, v3;
	_ =	sdelay $0x3  }
0x16d: {  	v4 =	vadd.s32 @!p0 v1, v4  }
0x16e: {  	[tilespmem:v5+s25+$0x0] =	vst.idx.msk @!p0 $0xffff, v4  }
0x16f: {  	v4 =	vld @!p0 [tilespmem:s23+$0xFFFFFD70]  }
0x170: {  	v5 =	vor.u32 @!p0 $0x1C0, v3;
	_ =	sdelay $0x3  }
0x171: {  	v4 =	vadd.s32 @!p0 v1, v4  }
0x172: {  	[tilespmem:v5+s25+$0x0] =	vst.idx.msk @!p0 $0xffff, v4  }
0x173: {  	v4 =	vld @!p0 [tilespmem:s23+$0xFFFFFD80]  }
0x174: {  	v5 =	vor.u32 @!p0 $0x1E0, v3;
	_ =	sdelay $0x3  }
0x175: {  	v4 =	vadd.s32 @!p0 v1, v4  }
0x176: {  	[tilespmem:v5+s25+$0x0] =	vst.idx.msk @!p0 $0xffff, v4  }
0x177: {  	v4 =	vld @!p0 [tilespmem:s23+$0xFFFFFD90]  }
0x178: {  	v5 =	vor.u32 @!p0 $0x101, v3;
	_ =	sdelay $0x3  }
0x179: {  	v4 =	vadd.s32 @!p0 v2, v4  }
0x17a: {  	[tilespmem:v5+s25+$0x0] =	vst.idx.msk @!p0 $0xffff, v4  }
0x17b: {  	v4 =	vld @!p0 [tilespmem:s23+$0xFFFFFDA0]  }
0x17c: {  	v5 =	vor.u32 @!p0 $0x121, v3;
	_ =	sdelay $0x3  }
0x17d: {  	v4 =	vadd.s32 @!p0 v2, v4  }
0x17e: {  	[tilespmem:v5+s25+$0x0] =	vst.idx.msk @!p0 $0xffff, v4  }
0x17f: {  	v4 =	vld @!p0 [tilespmem:s23+$0xFFFFFDB0]  }
0x180: {  	v5 =	vor.u32 @!p0 $0x141, v3;
	_ =	sdelay $0x3  }
0x181: {  	v4 =	vadd.s32 @!p0 v2, v4  }
0x182: {  	[tilespmem:v5+s25+$0x0] =	vst.idx.msk @!p0 $0xffff, v4  }
0x183: {  	v4 =	vld @!p0 [tilespmem:s23+$0xFFFFFDC0]  }
0x184: {  	v5 =	vor.u32 @!p0 $0x161, v3;
	_ =	sdelay $0x3  }
0x185: {  	v4 =	vadd.s32 @!p0 v2, v4  }
0x186: {  	[tilespmem:v5+s25+$0x0] =	vst.idx.msk @!p0 $0xffff, v4  }
0x187: {  	v4 =	vld @!p0 [tilespmem:s23+$0xFFFFFDD0]  }
0x188: {  	v5 =	vor.u32 @!p0 $0x181, v3;
	_ =	sdelay $0x3  }
0x189: {  	v4 =	vadd.s32 @!p0 v2, v4  }
0x18a: {  	[tilespmem:v5+s25+$0x0] =	vst.idx.msk @!p0 $0xffff, v4  }
0x18b: {  	v4 =	vld @!p0 [tilespmem:s23+$0xFFFFFDE0]  }
0x18c: {  	v5 =	vor.u32 @!p0 $0x1A1, v3;
	_ =	sdelay $0x3  }
0x18d: {  	v4 =	vadd.s32 @!p0 v2, v4  }
0x18e: {  	[tilespmem:v5+s25+$0x0] =	vst.idx.msk @!p0 $0xffff, v4  }
0x18f: {  	v4 =	vld @!p0 [tilespmem:s23+$0xFFFFFDF0]  }
0x190: {  	v5 =	vor.u32 @!p0 $0x1C1, v3;
	_ =	sdelay $0x3  }
0x191: {  	v4 =	vadd.s32 @!p0 v2, v4  }
0x192: {  	[tilespmem:v5+s25+$0x0] =	vst.idx.msk @!p0 $0xffff, v4  }
0x193: {  	v4 =	vld @!p0 [tilespmem:s23+$0xFFFFFE00]  }
0x194: {  	v5 =	vor.u32 @!p0 $0x1E1, v3;
	_ =	sdelay $0x3  }
0x195: {  	v4 =	vadd.s32 @!p0 v2, v4  }
0x196: {  	[tilespmem:v5+s25+$0x0] =	vst.idx.msk @!p0 $0xffff, v4  }
0x197: {  	v4 =	vld @!p0 [tilespmem:s23+$0xFFFFFE10]  }
0x198: {  	v5 =	vor.u32 @!p0 $0x200, v3;
	_ =	sdelay $0x3  }
0x199: {  	v4 =	vadd.s32 @!p0 v1, v4  }
0x19a: {  	[tilespmem:v5+s25+$0x0] =	vst.idx.msk @!p0 $0xffff, v4  }
0x19b: {  	v4 =	vld @!p0 [tilespmem:s23+$0xFFFFFE20]  }
0x19c: {  	v5 =	vor.u32 @!p0 $0x220, v3;
	_ =	sdelay $0x3  }
0x19d: {  	v4 =	vadd.s32 @!p0 v1, v4  }
0x19e: {  	[tilespmem:v5+s25+$0x0] =	vst.idx.msk @!p0 $0xffff, v4  }
0x19f: {  	v4 =	vld @!p0 [tilespmem:s23+$0xFFFFFE30]  }
0x1a0: {  	v5 =	vor.u32 @!p0 $0x240, v3;
	_ =	sdelay $0x3  }
0x1a1: {  	v4 =	vadd.s32 @!p0 v1, v4  }
0x1a2: {  	[tilespmem:v5+s25+$0x0] =	vst.idx.msk @!p0 $0xffff, v4  }
0x1a3: {  	v4 =	vld @!p0 [tilespmem:s23+$0xFFFFFE40]  }
0x1a4: {  	v5 =	vor.u32 @!p0 $0x260, v3;
	_ =	sdelay $0x3  }
0x1a5: {  	v4 =	vadd.s32 @!p0 v1, v4  }
0x1a6: {  	[tilespmem:v5+s25+$0x0] =	vst.idx.msk @!p0 $0xffff, v4  }
0x1a7: {  	v4 =	vld @!p0 [tilespmem:s23+$0xFFFFFE50]  }
0x1a8: {  	v5 =	vor.u32 @!p0 $0x280, v3;
	_ =	sdelay $0x3  }
0x1a9: {  	v4 =	vadd.s32 @!p0 v1, v4  }
0x1aa: {  	[tilespmem:v5+s25+$0x0] =	vst.idx.msk @!p0 $0xffff, v4  }
0x1ab: {  	v4 =	vld @!p0 [tilespmem:s23+$0xFFFFFE60]  }
0x1ac: {  	v5 =	vor.u32 @!p0 $0x2A0, v3;
	_ =	sdelay $0x3  }
0x1ad: {  	v4 =	vadd.s32 @!p0 v1, v4  }
0x1ae: {  	[tilespmem:v5+s25+$0x0] =	vst.idx.msk @!p0 $0xffff, v4  }
0x1af: {  	v4 =	vld @!p0 [tilespmem:s23+$0xFFFFFE70]  }
0x1b0: {  	v5 =	vor.u32 @!p0 $0x2C0, v3;
	_ =	sdelay $0x3  }
0x1b1: {  	v4 =	vadd.s32 @!p0 v1, v4  }
0x1b2: {  	[tilespmem:v5+s25+$0x0] =	vst.idx.msk @!p0 $0xffff, v4  }
0x1b3: {  	v4 =	vld @!p0 [tilespmem:s23+$0xFFFFFE80]  }
0x1b4: {  	v5 =	vor.u32 @!p0 $0x2E0, v3;
	_ =	sdelay $0x3  }
0x1b5: {  	v4 =	vadd.s32 @!p0 v1, v4  }
0x1b6: {  	[tilespmem:v5+s25+$0x0] =	vst.idx.msk @!p0 $0xffff, v4  }
0x1b7: {  	v4 =	vld @!p0 [tilespmem:s23+$0xFFFFFE90]  }
0x1b8: {  	v5 =	vor.u32 @!p0 $0x201, v3;
	_ =	sdelay $0x3  }
0x1b9: {  	v4 =	vadd.s32 @!p0 v2, v4  }
0x1ba: {  	[tilespmem:v5+s25+$0x0] =	vst.idx.msk @!p0 $0xffff, v4  }
0x1bb: {  	v4 =	vld @!p0 [tilespmem:s23+$0xFFFFFEA0]  }
0x1bc: {  	v5 =	vor.u32 @!p0 $0x221, v3;
	_ =	sdelay $0x3  }
0x1bd: {  	v4 =	vadd.s32 @!p0 v2, v4  }
0x1be: {  	[tilespmem:v5+s25+$0x0] =	vst.idx.msk @!p0 $0xffff, v4  }
0x1bf: {  	v4 =	vld @!p0 [tilespmem:s23+$0xFFFFFEB0]  }
0x1c0: {  	v5 =	vor.u32 @!p0 $0x241, v3;
	_ =	sdelay $0x3  }
0x1c1: {  	v4 =	vadd.s32 @!p0 v2, v4  }
0x1c2: {  	[tilespmem:v5+s25+$0x0] =	vst.idx.msk @!p0 $0xffff, v4  }
0x1c3: {  	v4 =	vld @!p0 [tilespmem:s23+$0xFFFFFEC0]  }
0x1c4: {  	v5 =	vor.u32 @!p0 $0x261, v3;
	_ =	sdelay $0x3  }
0x1c5: {  	v4 =	vadd.s32 @!p0 v2, v4  }
0x1c6: {  	[tilespmem:v5+s25+$0x0] =	vst.idx.msk @!p0 $0xffff, v4  }
0x1c7: {  	v4 =	vld @!p0 [tilespmem:s23+$0xFFFFFED0]  }
0x1c8: {  	v5 =	vor.u32 @!p0 $0x281, v3;
	_ =	sdelay $0x3  }
0x1c9: {  	v4 =	vadd.s32 @!p0 v2, v4  }
0x1ca: {  	[tilespmem:v5+s25+$0x0] =	vst.idx.msk @!p0 $0xffff, v4  }
0x1cb: {  	v4 =	vld @!p0 [tilespmem:s23+$0xFFFFFEE0]  }
0x1cc: {  	v5 =	vor.u32 @!p0 $0x2A1, v3;
	_ =	sdelay $0x3  }
0x1cd: {  	v4 =	vadd.s32 @!p0 v2, v4  }
0x1ce: {  	[tilespmem:v5+s25+$0x0] =	vst.idx.msk @!p0 $0xffff, v4  }
0x1cf: {  	v4 =	vld @!p0 [tilespmem:s23+$0xFFFFFEF0]  }
0x1d0: {  	v5 =	vor.u32 @!p0 $0x2C1, v3;
	_ =	sdelay $0x3  }
0x1d1: {  	v4 =	vadd.s32 @!p0 v2, v4  }
0x1d2: {  	[tilespmem:v5+s25+$0x0] =	vst.idx.msk @!p0 $0xffff, v4  }
0x1d3: {  	v4 =	vld @!p0 [tilespmem:s23+$0xFFFFFF00]  }
0x1d4: {  	v5 =	vor.u32 @!p0 $0x2E1, v3;
	_ =	sdelay $0x3  }
0x1d5: {  	v4 =	vadd.s32 @!p0 v2, v4  }
0x1d6: {  	[tilespmem:v5+s25+$0x0] =	vst.idx.msk @!p0 $0xffff, v4  }
0x1d7: {  	v4 =	vld @!p0 [tilespmem:s23+$0xFFFFFF10]  }
0x1d8: {  	v5 =	vor.u32 @!p0 $0x300, v3;
	_ =	sdelay $0x3  }
0x1d9: {  	v4 =	vadd.s32 @!p0 v1, v4  }
0x1da: {  	[tilespmem:v5+s25+$0x0] =	vst.idx.msk @!p0 $0xffff, v4  }
0x1db: {  	v4 =	vld @!p0 [tilespmem:s23+$0xFFFFFF20]  }
0x1dc: {  	v5 =	vor.u32 @!p0 $0x320, v3;
	_ =	sdelay $0x3  }
0x1dd: {  	v4 =	vadd.s32 @!p0 v1, v4  }
0x1de: {  	[tilespmem:v5+s25+$0x0] =	vst.idx.msk @!p0 $0xffff, v4  }
0x1df: {  	v4 =	vld @!p0 [tilespmem:s23+$0xFFFFFF30]  }
0x1e0: {  	v5 =	vor.u32 @!p0 $0x340, v3;
	_ =	sdelay $0x3  }
0x1e1: {  	v4 =	vadd.s32 @!p0 v1, v4  }
0x1e2: {  	[tilespmem:v5+s25+$0x0] =	vst.idx.msk @!p0 $0xffff, v4  }
0x1e3: {  	v4 =	vld @!p0 [tilespmem:s23+$0xFFFFFF40]  }
0x1e4: {  	v5 =	vor.u32 @!p0 $0x360, v3;
	_ =	sdelay $0x3  }
0x1e5: {  	v4 =	vadd.s32 @!p0 v1, v4  }
0x1e6: {  	[tilespmem:v5+s25+$0x0] =	vst.idx.msk @!p0 $0xffff, v4  }
0x1e7: {  	v4 =	vld @!p0 [tilespmem:s23+$0xFFFFFF50]  }
0x1e8: {  	v5 =	vor.u32 @!p0 $0x380, v3;
	_ =	sdelay $0x3  }
0x1e9: {  	v4 =	vadd.s32 @!p0 v1, v4  }
0x1ea: {  	[tilespmem:v5+s25+$0x0] =	vst.idx.msk @!p0 $0xffff, v4  }
0x1eb: {  	v4 =	vld @!p0 [tilespmem:s23+$0xFFFFFF60]  }
0x1ec: {  	v5 =	vor.u32 @!p0 $0x3A0, v3;
	_ =	sdelay $0x3  }
0x1ed: {  	v4 =	vadd.s32 @!p0 v1, v4  }
0x1ee: {  	[tilespmem:v5+s25+$0x0] =	vst.idx.msk @!p0 $0xffff, v4  }
0x1ef: {  	v4 =	vld @!p0 [tilespmem:s23+$0xFFFFFF70]  }
0x1f0: {  	v5 =	vor.u32 @!p0 $0x3C0, v3;
	_ =	sdelay $0x3  }
0x1f1: {  	v4 =	vadd.s32 @!p0 v1, v4  }
0x1f2: {  	[tilespmem:v5+s25+$0x0] =	vst.idx.msk @!p0 $0xffff, v4  }
0x1f3: {  	v4 =	vld @!p0 [tilespmem:s23+$0xFFFFFF80]  }
0x1f4: {  	v5 =	vor.u32 @!p0 $0x3E0, v3;
	_ =	sdelay $0x3  }
0x1f5: {  	v4 =	vadd.s32 @!p0 v1, v4  }
0x1f6: {  	[tilespmem:v5+s25+$0x0] =	vst.idx.msk @!p0 $0xffff, v4  }
0x1f7: {  	v4 =	vld @!p0 [tilespmem:s23+$0xFFFFFF90]  }
0x1f8: {  	v5 =	vor.u32 @!p0 $0x301, v3;
	_ =	sdelay $0x3  }
0x1f9: {  	v4 =	vadd.s32 @!p0 v2, v4  }
0x1fa: {  	[tilespmem:v5+s25+$0x0] =	vst.idx.msk @!p0 $0xffff, v4  }
0x1fb: {  	v4 =	vld @!p0 [tilespmem:s23+$0xFFFFFFA0]  }
0x1fc: {  	v5 =	vor.u32 @!p0 $0x321, v3;
	_ =	sdelay $0x3  }
0x1fd: {  	v4 =	vadd.s32 @!p0 v2, v4  }
0x1fe: {  	[tilespmem:v5+s25+$0x0] =	vst.idx.msk @!p0 $0xffff, v4  }
0x1ff: {  	v4 =	vld @!p0 [tilespmem:s23+$0xFFFFFFB0]  }
0x200: {  	v5 =	vor.u32 @!p0 $0x341, v3;
	_ =	sdelay $0x3  }
0x201: {  	v4 =	vadd.s32 @!p0 v2, v4  }
0x202: {  	[tilespmem:v5+s25+$0x0] =	vst.idx.msk @!p0 $0xffff, v4  }
0x203: {  	v4 =	vld @!p0 [tilespmem:s23+$0xFFFFFFC0]  }
0x204: {  	v5 =	vor.u32 @!p0 $0x361, v3;
	_ =	sdelay $0x3  }
0x205: {  	v4 =	vadd.s32 @!p0 v2, v4  }
0x206: {  	[tilespmem:v5+s25+$0x0] =	vst.idx.msk @!p0 $0xffff, v4  }
0x207: {  	v4 =	vld @!p0 [tilespmem:s23+$0xFFFFFFD0]  }
0x208: {  	v5 =	vor.u32 @!p0 $0x381, v3;
	_ =	sdelay $0x3  }
0x209: {  	v4 =	vadd.s32 @!p0 v2, v4  }
0x20a: {  	[tilespmem:v5+s25+$0x0] =	vst.idx.msk @!p0 $0xffff, v4  }
0x20b: {  	v4 =	vld @!p0 [tilespmem:s23+$0xFFFFFFE0]  }
0x20c: {  	v5 =	vor.u32 @!p0 $0x3A1, v3;
	_ =	sdelay $0x3  }
0x20d: {  	v4 =	vadd.s32 @!p0 v2, v4  }
0x20e: {  	[tilespmem:v5+s25+$0x0] =	vst.idx.msk @!p0 $0xffff, v4  }
0x20f: {  	v4 =	vld @!p0 [tilespmem:s23+$0xFFFFFFF0]  }
0x210: {  	v5 =	vor.u32 @!p0 $0x3C1, v3;
	_ =	sdelay $0x3  }
0x211: {  	v4 =	vadd.s32 @!p0 v2, v4  }
0x212: {  	s24 =	sadd.s32 @!p0 $0x2000, s24;
	[tilespmem:v5+s25+$0x0] =	vst.idx.msk @!p0 $0xffff, v4  }
0x213: {  	p1 =	sne.s32 @!p0 s24, $0x20000;
	v4 =	vld @!p0 [tilespmem:s23+$0x0]  }
0x214: {  	p1 =	por p0, !p1;
	v3 =	vor.u32 @!p0 $0x3E1, v3  }
.Ltmp0:
0x215: {  	_ = 	snop;
	(pc) =	sbr.rel @!p1 .LBB2_2-.Ltmp0, $3  }
0x216: {  	_ =	sdelay $0x1  }
0x217: {  	v4 =	vadd.s32 @!p0 v2, v4  }
0x218: {  	s23 =	sadd.s32 @!p0 $0x400, s23;
	[tilespmem:v3+s25+$0x0] =	vst.idx.msk @!p0 $0xffff, v4  }
0x219: {  	s22 =	sadd.s32 $0x1, s22  }
0x21a: {  	_ =	swait.ge [sflag:s20], $0x8000;
	p0 =	sne.s32 s22, s5  }
.Ltmp1:
0x21b: {  	[sflag:s20] =	ssyncset.done $0x0;
	(pc) =	sbr.rel @p0 .LBB2_1-.Ltmp1, $4  }
0x21c: {  	[sflag:s20] =	ssyncadd.s32 $0xFFFF8000  }
0x21d: {  	_ =	swait.ge [sflag:s21], $0x8000  }
0x21e: {  	[sflag:s21] =	ssyncset.done $0x0  }
0x21f: {  	[sflag:s21] =	ssyncadd.s32 $0xFFFF8000  }
0x220: {  	_ =	sfence.sel $0x180000  }
0x221: {  	[bflag:$0x0] =	sbarrier.arrive $0xFFFF  }
0x222: {  	p0 =	sne.s32 s0, $0x0;
	_ =	strace $0x90000047  }
0x223: {  	s0 =	sadd.s32 @!p0 $0x100000, s1;
	[bflag:$0x2] =	sbarrier.arrive $0xFFFF  }
0x224: {  	[sflag:s0] =	ssyncadd.tile.s32 @!p0 $0x1;
	_ =	shalt  }
.Lfunc_end2:
_tile_overlayer_lowered:
.L_overlay_start_2:
0x225: {  	(tag) =	ssettag $0x2  }
0x226: {  	s0 =	rddreg [dreg:$0x0];
	s2 =	stileid.u32  }
0x227: {  	s1 =	rddreg [dreg:$0x1];
	p0 =	sne.s32 s2, $0x0  }
0x228: {  	s3 =	rddreg [dreg:$0x2];
	[bflag:$0x3] =	sbarrier.arrive $0xFFFF;
	s2 =	simm.s32 @!p0 $0x1C04  }
0x229: {  	[timem:s3], [sflag:s2] =	dma.local @!p0 [hbm:s0], s1  }
0x22a: {  	s0 =	simm.s32 @!p0 $0x4  }
0x22b: {  	_ =	swait.ge @!p0 [sflag:s0], s1  }
0x22c: {  	s1 =	ssub.s32 @!p0 $0x0, s1;
	[sflag:s0] =	ssyncset.done @!p0 $0x0  }
0x22d: {  	[sflag:s0] =	ssyncadd.s32 @!p0 s1  }
0x22e: {  	[bflag:$0x3] =	sbarrier.arrive $0xFFFF  }
0x22f: {  	_ =	shalt  }

</sc_bundles>
